<compile_context>
chip_gen: v7x
topology: tpu7x:2x2x1
jax: 0.10.2.dev20260603
libtpu: 0.0.44.dev20260713+nightly
codegen_flags: <defaults>
</compile_context>

<pallas_src>
import functools

import jax
import jax.numpy as jnp
from jax import lax
from jax.experimental import pallas as pl
from jax.experimental.pallas import tpu as pltpu
from jax.experimental.pallas import tpu_sc as plsc

NC = 2
NS = 16
NW = NC * NS
K = 128
DC = 8


def _sc_mesh():
  return plsc.VectorSubcoreMesh(
      core_axis_name="c", subcore_axis_name="s", num_cores=NC,
      num_subcores=NS)


def _make_deg(n_pad, chunks):
  rpt = n_pad // NS
  nz = rpt // K

  @functools.partial(
      pl.kernel,
      out_type=jax.ShapeDtypeStruct((NC, n_pad, DC), jnp.float32),
      mesh=_sc_mesh(),
      compiler_params=pltpu.CompilerParams(use_tc_tiling_on_sc=False),
      scratch_types=[
          pltpu.VMEM((chunks, K), jnp.int32),
          pltpu.VMEM((K, DC), jnp.float32),
          pltpu.VMEM_SHARED((n_pad, DC), jnp.float32),
      ],
  )
  def deg_kernel(dst_hbm, zeros_hbm, ones_hbm, out_hbm, dst_v, val_v, acc):
    cid = lax.axis_index("c")
    sid = lax.axis_index("s")
    wid = sid * NC + cid
    pltpu.sync_copy(dst_hbm.at[wid], dst_v)
    pltpu.sync_copy(zeros_hbm, val_v)
    for t in range(nz):
      pltpu.sync_copy(val_v, acc.at[pl.ds(sid * rpt + t * K, K)])
    plsc.subcore_barrier()
    pltpu.sync_copy(ones_hbm, val_v)

    def body(j, carry):
      pltpu.sync_copy(val_v, acc.at[dst_v.at[j]], add=True)
      return carry

    lax.fori_loop(0, chunks, body, 0)
    plsc.subcore_barrier()

    @pl.when(cid == 0)
    def _():
      for t in range(nz):
        sl = pl.ds(sid * rpt + t * K, K)
        pltpu.sync_copy(acc.at[sl], out_hbm.at[0, sl])

    @pl.when(cid == 1)
    def _():
      for t in range(nz):
        sl = pl.ds(sid * rpt + t * K, K)
        pltpu.sync_copy(acc.at[sl], out_hbm.at[1, sl])

  return deg_kernel


NBUF = 4


def _make_agg(n_pad, chunks, dh, edge_split=False):
  rpt = n_pad // NS
  nz = rpt // K

  @functools.partial(
      pl.kernel,
      out_type=jax.ShapeDtypeStruct((NC, n_pad, dh), jnp.float32),
      mesh=_sc_mesh(),
      compiler_params=pltpu.CompilerParams(use_tc_tiling_on_sc=False),
      scratch_types=[
          pltpu.VMEM((chunks, K), jnp.int32),
          pltpu.VMEM((chunks, K), jnp.int32),
          pltpu.VMEM((K, dh), jnp.float32),
          pltpu.VMEM((K, dh), jnp.float32),
          pltpu.VMEM_SHARED((n_pad, dh), jnp.float32),
          pltpu.SemaphoreType.DMA,
          pltpu.SemaphoreType.DMA,
          pltpu.SemaphoreType.DMA,
          pltpu.SemaphoreType.DMA,
      ],
  )
  def agg_kernel(y_hbm, src_hbm, dst_hbm, zeros_hbm, out_hbm,
                 src_v, dst_v, buf0, buf1, acc, sem0, sem1, ssem0, ssem1):
    cid = lax.axis_index("c")
    sid = lax.axis_index("s")
    idx = cid * NS + sid if edge_split else sid
    pltpu.sync_copy(src_hbm.at[idx], src_v)
    pltpu.sync_copy(dst_hbm.at[idx], dst_v)
    pltpu.sync_copy(zeros_hbm, buf0)
    for t in range(nz):
      pltpu.sync_copy(buf0, acc.at[pl.ds(sid * rpt + t * K, K)])
    plsc.subcore_barrier()

    def run(y_half, out_half):
      pltpu.async_copy(y_half.at[src_v.at[0]], buf0, sem0)
      pltpu.async_copy(y_half.at[src_v.at[1]], buf1, sem1)

      def body(j, carry):
        c = 2 * j
        pltpu.make_async_copy(y_half.at[src_v.at[c]], buf0, sem0).wait()
        pltpu.async_copy(buf0, acc.at[dst_v.at[c]], ssem0, add=True)

        @pl.when(c + 2 < chunks)
        def _():
          pltpu.make_async_copy(buf0, acc.at[dst_v.at[c]], ssem0).wait()
          pltpu.async_copy(y_half.at[src_v.at[c + 2]], buf0, sem0)
        pltpu.make_async_copy(y_half.at[src_v.at[c + 1]], buf1, sem1).wait()
        pltpu.async_copy(buf1, acc.at[dst_v.at[c + 1]], ssem1, add=True)

        @pl.when(c + 3 < chunks)
        def _():
          pltpu.make_async_copy(buf1, acc.at[dst_v.at[c + 1]], ssem1).wait()
          pltpu.async_copy(y_half.at[src_v.at[c + 3]], buf1, sem1)
        return carry

      lax.fori_loop(0, chunks // 2, body, 0)
      pltpu.make_async_copy(buf0, acc.at[dst_v.at[chunks - 2]], ssem0).wait()
      pltpu.make_async_copy(buf1, acc.at[dst_v.at[chunks - 1]], ssem1).wait()
      plsc.subcore_barrier()
      for t in range(nz):
        sl = pl.ds(sid * rpt + t * K, K)
        pltpu.sync_copy(acc.at[sl], out_half.at[sl])

    @pl.when(cid == 0)
    def _():
      run(y_hbm if edge_split else y_hbm.at[0], out_hbm.at[0])

    @pl.when(cid == 1)
    def _():
      run(y_hbm if edge_split else y_hbm.at[1], out_hbm.at[1])

  return agg_kernel


def _tc_scale_matmul(x, w, counts, bm):
  n, dk = x.shape
  dout = w.shape[1]
  dh = dout // NC

  def body(x_ref, w_ref, c_ref, y_ref):
    cnt = c_ref[0, :, 0:1] + c_ref[1, :, 0:1] + 1.0
    dinv = lax.rsqrt(cnt)
    y = jnp.dot(x_ref[...], w_ref[...],
                preferred_element_type=jnp.float32) * dinv
    y_ref[0] = y[:, :dh]
    y_ref[1] = y[:, dh:]

  return pl.pallas_call(
      body,
      grid=(n // bm,),
      in_specs=[
          pl.BlockSpec((bm, dk), lambda i: (i, 0)),
          pl.BlockSpec((dk, dout), lambda i: (0, 0)),
          pl.BlockSpec((NC, bm, DC), lambda i: (0, i, 0)),
      ],
      out_specs=pl.BlockSpec((NC, bm, dh), lambda i: (0, i, 0)),
      out_shape=jax.ShapeDtypeStruct((NC, n, dh), jnp.float32),
  )(x, w, counts)


def _tc_combine_matmul(p, y1, counts, b1, w2, bm, dh):
  n = y1.shape[1]
  dk = NC * y1.shape[2]
  dout = w2.shape[1]
  dh_in = y1.shape[2]

  def body(p_ref, y1_ref, c_ref, b_ref, w_ref, y2_ref):
    cnt = c_ref[0, :, 0:1] + c_ref[1, :, 0:1] + 1.0
    dinv = lax.rsqrt(cnt)
    agg = jnp.concatenate([p_ref[0], p_ref[1]], axis=-1)
    y1f = jnp.concatenate([y1_ref[0], y1_ref[1]], axis=-1)
    h = (agg + y1f) * dinv + b_ref[...]
    h = jnp.maximum(h, 0.0)
    y2 = jnp.dot(h, w_ref[...], preferred_element_type=jnp.float32) * dinv
    if NC * dh > dout:
      y2 = jnp.concatenate(
          [y2, jnp.zeros((y2.shape[0], NC * dh - dout), jnp.float32)],
          axis=-1)
    y2_ref[0] = y2[:, :dh]
    y2_ref[1] = y2[:, dh:]

  return pl.pallas_call(
      body,
      grid=(n // bm,),
      in_specs=[
          pl.BlockSpec((NC, bm, dh_in), lambda i: (0, i, 0)),
          pl.BlockSpec((NC, bm, dh_in), lambda i: (0, i, 0)),
          pl.BlockSpec((NC, bm, DC), lambda i: (0, i, 0)),
          pl.BlockSpec((1, dk), lambda i: (0, 0)),
          pl.BlockSpec((dk, dout), lambda i: (0, 0)),
      ],
      out_specs=pl.BlockSpec((NC, bm, dh), lambda i: (0, i, 0)),
      out_shape=jax.ShapeDtypeStruct((NC, n, dh), jnp.float32),
  )(p, y1, counts, b1, w2)


def _tc_combine(p, y2, counts, b2, bm, dout):
  n = y2.shape[1]
  dh = y2.shape[2]

  def body(p_ref, y2_ref, c_ref, b_ref, o_ref):
    cnt = c_ref[0, :, 0:1] + c_ref[1, :, 0:1] + 1.0
    dinv = lax.rsqrt(cnt)
    agg = jnp.concatenate([p_ref[0], p_ref[1]], axis=-1)
    y2f = jnp.concatenate([y2_ref[0], y2_ref[1]], axis=-1)
    o_ref[...] = ((agg + y2f) * dinv)[:, :dout] + b_ref[...]

  return pl.pallas_call(
      body,
      grid=(n // bm,),
      in_specs=[
          pl.BlockSpec((NC, bm, dh), lambda i: (0, i, 0)),
          pl.BlockSpec((NC, bm, dh), lambda i: (0, i, 0)),
          pl.BlockSpec((NC, bm, DC), lambda i: (0, i, 0)),
          pl.BlockSpec((1, dout), lambda i: (0, 0)),
      ],
      out_specs=pl.BlockSpec((bm, dout), lambda i: (i, 0)),
      out_shape=jax.ShapeDtypeStruct((n, dout), jnp.float32),
  )(p, y2, counts, b2)


@jax.jit
def kernel(x, edge_index, W1, b1, W2, b2):
  n = x.shape[0]
  e = edge_index.shape[1]
  d1 = W1.shape[1]
  d2 = W2.shape[1]
  assert d1 % NC == 0 and d2 % NC == 0

  n_pad = -(-n // (NS * K)) * NS * K

  src = edge_index[0].astype(jnp.int32)
  dst = edge_index[1].astype(jnp.int32)

  def dummy_dst(cnt):
    return n + (jnp.arange(cnt, dtype=jnp.int32) % (n_pad - n))

  chunks_d = -(-e // (NW * K))
  chunks_d += chunks_d % 2
  pad_d = NW * chunks_d * K - e
  src_d = jnp.concatenate([src, jnp.zeros((pad_d,), jnp.int32)])
  dst_d = jnp.concatenate([dst, dummy_dst(pad_d)])
  src_d = src_d.reshape(NW, chunks_d, K)
  dst_d = dst_d.reshape(NW, chunks_d, K)

  chunks_a = -(-e // (NS * K))
  chunks_a += chunks_a % 2
  pad_a = NS * chunks_a * K - e
  src_a = jnp.concatenate([src, jnp.zeros((pad_a,), jnp.int32)])
  dst_a = jnp.concatenate([dst, dummy_dst(pad_a)])
  src_a = src_a.reshape(NS, chunks_a, K)
  dst_a = dst_a.reshape(NS, chunks_a, K)

  zeros_c = jnp.zeros((K, DC), jnp.float32)
  ones_c = jnp.ones((K, DC), jnp.float32)
  dh1 = d1 // NC
  dh2 = -(-d2 // (NC * 8)) * 8
  zeros_1 = jnp.zeros((K, dh1), jnp.float32)
  zeros_2 = jnp.zeros((K, dh2), jnp.float32)
  b1r = b1.reshape(1, d1)
  b2r = b2.reshape(1, d2)

  bm = 1000 if n % 1000 == 0 else 8 * (n // 8)

  counts = _make_deg(n_pad, chunks_d)(dst_d, zeros_c, ones_c)
  y1 = _tc_scale_matmul(x, W1, counts, bm)
  p1 = _make_agg(n_pad, chunks_a, dh1)(y1, src_a, dst_a, zeros_1)
  y2 = _tc_combine_matmul(p1, y1, counts, b1r, W2, bm, dh2)
  p2 = _make_agg(n_pad, chunks_a, dh2)(y2, src_a, dst_a, zeros_2)
  out = _tc_combine(p2, y2, counts, b2r, bm, d2)
  return out

# --- scband reference (transcript-rebuilt; emitter-appended) ---
"""Pipeline reference for scband-gcn-63848983822781 (READ-ONLY COPY).

The authoritative reference and input builder live on the scoring server;
editing this copy changes nothing except your own understanding.
"""

import jax, jax.numpy as jnp
import numpy as np

N_NODES = 10000


def gcn_conv(x, edge_index, W, b):
    n = x.shape[0]
    src = edge_index[0]
    dst = edge_index[1]
    # add self loops (PyG GCNConv default)
    loop = jnp.arange(n, dtype=src.dtype)
    src = jnp.concatenate([src, loop])
    dst = jnp.concatenate([dst, loop])
    # symmetric normalization D^{-1/2} (A+I) D^{-1/2}
    deg = jnp.zeros((n,), dtype=x.dtype).at[dst].add(1.0)
    deg_inv_sqrt = jnp.where(deg > 0, jax.lax.rsqrt(jnp.maximum(deg, 1e-12)), 0.0)
    norm = deg_inv_sqrt[src] * deg_inv_sqrt[dst]
    # linear transform then propagate
    xw = x @ W
    msg = xw[src] * norm[:, None]
    out = jnp.zeros((n, W.shape[1]), dtype=x.dtype).at[dst].add(msg)
    return out + b


def setup_inputs(seed: int = 0) -> dict:
    key = jax.random.key(seed)
    k1, k2, k3, k4 = jax.random.split(key, 4)
    x = jax.random.normal(k1, (N_NODES, 128), dtype=jnp.float32)
    edge_index = jax.random.randint(k2, (2, 320000), 0, N_NODES, dtype=jnp.int64)
    # layer params: shapes = [128] + [128]*(2-1) + [40] -> conv0: 128->128, conv1: 128->40
    W1 = jax.random.normal(k3, (128, 128), dtype=jnp.float32) * (1.0 / np.sqrt(128))
    b1 = jnp.zeros((128,), dtype=jnp.float32)
    W2 = jax.random.normal(k4, (128, 40), dtype=jnp.float32) * (1.0 / np.sqrt(128))
    b2 = jnp.zeros((40,), dtype=jnp.float32)
    return {"x": x, "edge_index": edge_index, "W1": W1, "b1": b1, "W2": W2, "b2": b2}


def reference(x, edge_index, W1, b1, W2, b2):
    # layer 0: conv -> relu -> dropout(eval: identity)
    h = gcn_conv(x, edge_index, W1, b1)
    h = jax.nn.relu(h)
    # dropout skipped (inference / training=False)
    # final layer
    out = gcn_conv(h, edge_index, W2, b2)
    return out

if __name__ == "__main__":
    import jax
    _d = setup_inputs()
    print(jax.jit(kernel)(*tuple(_d.values())))

</pallas_src>

<mosaic_0001>
#map = affine_map<(d0, d1) -> (0, 0, 0)>
#map1 = affine_map<(d0, d1) -> (0, 0)>
module attributes {stable_mosaic.version = 14 : i64} {
  func.func @deg_kernel(%arg0: i32, %arg1: i32, %arg2: memref<32x80x128xi32, #tpu.memory_space<hbm>>, %arg3: memref<128x8xf32, #tpu.memory_space<hbm>>, %arg4: memref<128x8xf32, #tpu.memory_space<hbm>>, %arg5: memref<2x10240x8xf32, #tpu.memory_space<hbm>>, %arg6: memref<80x128xi32, #tpu.memory_space<vmem>>, %arg7: memref<128x8xf32, #tpu.memory_space<vmem>>, %arg8: memref<10240x8xf32, #tpu.memory_space<vmem_shared>>) attributes {dimension_semantics = [#tpu.dimension_semantics<core_parallel>, #tpu.dimension_semantics<subcore_parallel>], iteration_bounds = array<i64: 2, 16>, scalar_prefetch = 0 : i64, scratch_operands = 3 : i64, tpu.core_type = #tpu.core_type<sc_vector_subcore>, window_params = [{transform_indices = #map}, {transform_indices = #map1}, {transform_indices = #map1}, {transform_indices = #map}]} {
    %mul3A = arith.constant 2 : i32
    %mul3A_0 = arith.muli %arg1, %mul3A : i32
    %add3A = arith.addi %mul3A_0, %arg0 : i32
    "tpu.region"() ({
      %run_scoped3A = tpu.sem_alloc : memref<!tpu.dma_semaphore, #tpu.memory_space<semaphore_mem>>
      %dma_start3A = arith.constant 0 : i32
      %dma_start3A_34 = arith.constant 0 : i32
      %dma_start3A_35 = tpu.memref_slice %arg2[%add3A, %dma_start3A, %dma_start3A_34] : memref<32x80x128xi32, #tpu.memory_space<hbm>> -> memref<1x80x128xi32, #tpu.memory_space<hbm>>
      %dma_start3A_36 = tpu.memref_squeeze %dma_start3A_35 : memref<1x80x128xi32, #tpu.memory_space<hbm>> -> memref<80x128xi32, #tpu.memory_space<hbm>>
      %dma_start3A_37 = arith.constant 0 : i32
      %dma_start3A_38 = arith.constant 0 : i32
      %dma_start3A_39 = tpu.memref_slice %arg2[%add3A, %dma_start3A_37, %dma_start3A_38] : memref<32x80x128xi32, #tpu.memory_space<hbm>> -> memref<1x80x128xi32, #tpu.memory_space<hbm>>
      %dma_start3A_40 = tpu.memref_squeeze %dma_start3A_39 : memref<1x80x128xi32, #tpu.memory_space<hbm>> -> memref<80x128xi32, #tpu.memory_space<hbm>>
      tpu.enqueue_dma source(%dma_start3A_40 : memref<80x128xi32, #tpu.memory_space<hbm>>) target(%arg6 : memref<80x128xi32, #tpu.memory_space<vmem>>) target_semaphore(%run_scoped3A : memref<!tpu.dma_semaphore, #tpu.memory_space<semaphore_mem>>)
      %dma_wait3A = arith.constant 0 : i32
      %dma_wait3A_41 = arith.constant 0 : i32
      %dma_wait3A_42 = tpu.memref_slice %arg2[%add3A, %dma_wait3A, %dma_wait3A_41] : memref<32x80x128xi32, #tpu.memory_space<hbm>> -> memref<1x80x128xi32, #tpu.memory_space<hbm>>
      %dma_wait3A_43 = tpu.memref_squeeze %dma_wait3A_42 : memref<1x80x128xi32, #tpu.memory_space<hbm>> -> memref<80x128xi32, #tpu.memory_space<hbm>>
      %dma_wait3A_44 = arith.constant 0 : i32
      %dma_wait3A_45 = arith.constant 0 : i32
      %dma_wait3A_46 = tpu.memref_slice %arg2[%add3A, %dma_wait3A_44, %dma_wait3A_45] : memref<32x80x128xi32, #tpu.memory_space<hbm>> -> memref<1x80x128xi32, #tpu.memory_space<hbm>>
      %dma_wait3A_47 = tpu.memref_squeeze %dma_wait3A_46 : memref<1x80x128xi32, #tpu.memory_space<hbm>> -> memref<80x128xi32, #tpu.memory_space<hbm>>
      tpu.wait_dma2 semaphore(%run_scoped3A : memref<!tpu.dma_semaphore, #tpu.memory_space<semaphore_mem>>) src(%dma_wait3A_47 : memref<80x128xi32, #tpu.memory_space<hbm>>) dst(%arg6 : memref<80x128xi32, #tpu.memory_space<vmem>>)
      tpu.yield
    }) : () -> ()
    "tpu.region"() ({
      %run_scoped3A = tpu.sem_alloc : memref<!tpu.dma_semaphore, #tpu.memory_space<semaphore_mem>>
      tpu.enqueue_dma source(%arg3 : memref<128x8xf32, #tpu.memory_space<hbm>>) target(%arg7 : memref<128x8xf32, #tpu.memory_space<vmem>>) target_semaphore(%run_scoped3A : memref<!tpu.dma_semaphore, #tpu.memory_space<semaphore_mem>>)
      tpu.wait_dma2 semaphore(%run_scoped3A : memref<!tpu.dma_semaphore, #tpu.memory_space<semaphore_mem>>) src(%arg3 : memref<128x8xf32, #tpu.memory_space<hbm>>) dst(%arg7 : memref<128x8xf32, #tpu.memory_space<vmem>>)
      tpu.yield
    }) : () -> ()
    %mul3A_1 = arith.constant 640 : i32
    %mul3A_2 = arith.muli %arg1, %mul3A_1 : i32
    %add3A_3 = arith.constant 0 : i32
    %add3A_4 = arith.addi %mul3A_2, %add3A_3 : i32
    "tpu.region"() ({
      %run_scoped3A = tpu.sem_alloc : memref<!tpu.dma_semaphore, #tpu.memory_space<semaphore_mem>>
      %dma_start3A = arith.constant 0 : i32
      %dma_start3A_34 = tpu.memref_slice %arg8[%add3A_4, %dma_start3A] : memref<10240x8xf32, #tpu.memory_space<vmem_shared>> -> memref<128x8xf32, #tpu.memory_space<vmem_shared>>
      %dma_start3A_35 = arith.constant 0 : i32
      %dma_start3A_36 = tpu.memref_slice %arg8[%add3A_4, %dma_start3A_35] : memref<10240x8xf32, #tpu.memory_space<vmem_shared>> -> memref<128x8xf32, #tpu.memory_space<vmem_shared>>
      tpu.enqueue_dma source(%arg7 : memref<128x8xf32, #tpu.memory_space<vmem>>) target(%dma_start3A_36 : memref<128x8xf32, #tpu.memory_space<vmem_shared>>) target_semaphore(%run_scoped3A : memref<!tpu.dma_semaphore, #tpu.memory_space<semaphore_mem>>)
      %dma_wait3A = arith.constant 0 : i32
      %dma_wait3A_37 = tpu.memref_slice %arg8[%add3A_4, %dma_wait3A] : memref<10240x8xf32, #tpu.memory_space<vmem_shared>> -> memref<128x8xf32, #tpu.memory_space<vmem_shared>>
      %dma_wait3A_38 = arith.constant 0 : i32
      %dma_wait3A_39 = tpu.memref_slice %arg8[%add3A_4, %dma_wait3A_38] : memref<10240x8xf32, #tpu.memory_space<vmem_shared>> -> memref<128x8xf32, #tpu.memory_space<vmem_shared>>
      tpu.wait_dma2 semaphore(%run_scoped3A : memref<!tpu.dma_semaphore, #tpu.memory_space<semaphore_mem>>) src(%arg7 : memref<128x8xf32, #tpu.memory_space<vmem>>) dst(%dma_wait3A_39 : memref<128x8xf32, #tpu.memory_space<vmem_shared>>)
      tpu.yield
    }) : () -> ()
    %mul3A_5 = arith.constant 640 : i32
    %mul3A_6 = arith.muli %arg1, %mul3A_5 : i32
    %add3A_7 = arith.constant 128 : i32
    %add3A_8 = arith.addi %mul3A_6, %add3A_7 : i32
    "tpu.region"() ({
      %run_scoped3A = tpu.sem_alloc : memref<!tpu.dma_semaphore, #tpu.memory_space<semaphore_mem>>
      %dma_start3A = arith.constant 0 : i32
      %dma_start3A_34 = tpu.memref_slice %arg8[%add3A_8, %dma_start3A] : memref<10240x8xf32, #tpu.memory_space<vmem_shared>> -> memref<128x8xf32, #tpu.memory_space<vmem_shared>>
      %dma_start3A_35 = arith.constant 0 : i32
      %dma_start3A_36 = tpu.memref_slice %arg8[%add3A_8, %dma_start3A_35] : memref<10240x8xf32, #tpu.memory_space<vmem_shared>> -> memref<128x8xf32, #tpu.memory_space<vmem_shared>>
      tpu.enqueue_dma source(%arg7 : memref<128x8xf32, #tpu.memory_space<vmem>>) target(%dma_start3A_36 : memref<128x8xf32, #tpu.memory_space<vmem_shared>>) target_semaphore(%run_scoped3A : memref<!tpu.dma_semaphore, #tpu.memory_space<semaphore_mem>>)
      %dma_wait3A = arith.constant 0 : i32
      %dma_wait3A_37 = tpu.memref_slice %arg8[%add3A_8, %dma_wait3A] : memref<10240x8xf32, #tpu.memory_space<vmem_shared>> -> memref<128x8xf32, #tpu.memory_space<vmem_shared>>
      %dma_wait3A_38 = arith.constant 0 : i32
      %dma_wait3A_39 = tpu.memref_slice %arg8[%add3A_8, %dma_wait3A_38] : memref<10240x8xf32, #tpu.memory_space<vmem_shared>> -> memref<128x8xf32, #tpu.memory_space<vmem_shared>>
      tpu.wait_dma2 semaphore(%run_scoped3A : memref<!tpu.dma_semaphore, #tpu.memory_space<semaphore_mem>>) src(%arg7 : memref<128x8xf32, #tpu.memory_space<vmem>>) dst(%dma_wait3A_39 : memref<128x8xf32, #tpu.memory_space<vmem_shared>>)
      tpu.yield
    }) : () -> ()
    %mul3A_9 = arith.constant 640 : i32
    %mul3A_10 = arith.muli %arg1, %mul3A_9 : i32
    %add3A_11 = arith.constant 256 : i32
    %add3A_12 = arith.addi %mul3A_10, %add3A_11 : i32
    "tpu.region"() ({
      %run_scoped3A = tpu.sem_alloc : memref<!tpu.dma_semaphore, #tpu.memory_space<semaphore_mem>>
      %dma_start3A = arith.constant 0 : i32
      %dma_start3A_34 = tpu.memref_slice %arg8[%add3A_12, %dma_start3A] : memref<10240x8xf32, #tpu.memory_space<vmem_shared>> -> memref<128x8xf32, #tpu.memory_space<vmem_shared>>
      %dma_start3A_35 = arith.constant 0 : i32
      %dma_start3A_36 = tpu.memref_slice %arg8[%add3A_12, %dma_start3A_35] : memref<10240x8xf32, #tpu.memory_space<vmem_shared>> -> memref<128x8xf32, #tpu.memory_space<vmem_shared>>
      tpu.enqueue_dma source(%arg7 : memref<128x8xf32, #tpu.memory_space<vmem>>) target(%dma_start3A_36 : memref<128x8xf32, #tpu.memory_space<vmem_shared>>) target_semaphore(%run_scoped3A : memref<!tpu.dma_semaphore, #tpu.memory_space<semaphore_mem>>)
      %dma_wait3A = arith.constant 0 : i32
      %dma_wait3A_37 = tpu.memref_slice %arg8[%add3A_12, %dma_wait3A] : memref<10240x8xf32, #tpu.memory_space<vmem_shared>> -> memref<128x8xf32, #tpu.memory_space<vmem_shared>>
      %dma_wait3A_38 = arith.constant 0 : i32
      %dma_wait3A_39 = tpu.memref_slice %arg8[%add3A_12, %dma_wait3A_38] : memref<10240x8xf32, #tpu.memory_space<vmem_shared>> -> memref<128x8xf32, #tpu.memory_space<vmem_shared>>
      tpu.wait_dma2 semaphore(%run_scoped3A : memref<!tpu.dma_semaphore, #tpu.memory_space<semaphore_mem>>) src(%arg7 : memref<128x8xf32, #tpu.memory_space<vmem>>) dst(%dma_wait3A_39 : memref<128x8xf32, #tpu.memory_space<vmem_shared>>)
      tpu.yield
    }) : () -> ()
    %mul3A_13 = arith.constant 640 : i32
    %mul3A_14 = arith.muli %arg1, %mul3A_13 : i32
    %add3A_15 = arith.constant 384 : i32
    %add3A_16 = arith.addi %mul3A_14, %add3A_15 : i32
    "tpu.region"() ({
      %run_scoped3A = tpu.sem_alloc : memref<!tpu.dma_semaphore, #tpu.memory_space<semaphore_mem>>
      %dma_start3A = arith.constant 0 : i32
      %dma_start3A_34 = tpu.memref_slice %arg8[%add3A_16, %dma_start3A] : memref<10240x8xf32, #tpu.memory_space<vmem_shared>> -> memref<128x8xf32, #tpu.memory_space<vmem_shared>>
      %dma_start3A_35 = arith.constant 0 : i32
      %dma_start3A_36 = tpu.memref_slice %arg8[%add3A_16, %dma_start3A_35] : memref<10240x8xf32, #tpu.memory_space<vmem_shared>> -> memref<128x8xf32, #tpu.memory_space<vmem_shared>>
      tpu.enqueue_dma source(%arg7 : memref<128x8xf32, #tpu.memory_space<vmem>>) target(%dma_start3A_36 : memref<128x8xf32, #tpu.memory_space<vmem_shared>>) target_semaphore(%run_scoped3A : memref<!tpu.dma_semaphore, #tpu.memory_space<semaphore_mem>>)
      %dma_wait3A = arith.constant 0 : i32
      %dma_wait3A_37 = tpu.memref_slice %arg8[%add3A_16, %dma_wait3A] : memref<10240x8xf32, #tpu.memory_space<vmem_shared>> -> memref<128x8xf32, #tpu.memory_space<vmem_shared>>
      %dma_wait3A_38 = arith.constant 0 : i32
      %dma_wait3A_39 = tpu.memref_slice %arg8[%add3A_16, %dma_wait3A_38] : memref<10240x8xf32, #tpu.memory_space<vmem_shared>> -> memref<128x8xf32, #tpu.memory_space<vmem_shared>>
      tpu.wait_dma2 semaphore(%run_scoped3A : memref<!tpu.dma_semaphore, #tpu.memory_space<semaphore_mem>>) src(%arg7 : memref<128x8xf32, #tpu.memory_space<vmem>>) dst(%dma_wait3A_39 : memref<128x8xf32, #tpu.memory_space<vmem_shared>>)
      tpu.yield
    }) : () -> ()
    %mul3A_17 = arith.constant 640 : i32
    %mul3A_18 = arith.muli %arg1, %mul3A_17 : i32
    %add3A_19 = arith.constant 512 : i32
    %add3A_20 = arith.addi %mul3A_18, %add3A_19 : i32
    "tpu.region"() ({
      %run_scoped3A = tpu.sem_alloc : memref<!tpu.dma_semaphore, #tpu.memory_space<semaphore_mem>>
      %dma_start3A = arith.constant 0 : i32
      %dma_start3A_34 = tpu.memref_slice %arg8[%add3A_20, %dma_start3A] : memref<10240x8xf32, #tpu.memory_space<vmem_shared>> -> memref<128x8xf32, #tpu.memory_space<vmem_shared>>
      %dma_start3A_35 = arith.constant 0 : i32
      %dma_start3A_36 = tpu.memref_slice %arg8[%add3A_20, %dma_start3A_35] : memref<10240x8xf32, #tpu.memory_space<vmem_shared>> -> memref<128x8xf32, #tpu.memory_space<vmem_shared>>
      tpu.enqueue_dma source(%arg7 : memref<128x8xf32, #tpu.memory_space<vmem>>) target(%dma_start3A_36 : memref<128x8xf32, #tpu.memory_space<vmem_shared>>) target_semaphore(%run_scoped3A : memref<!tpu.dma_semaphore, #tpu.memory_space<semaphore_mem>>)
      %dma_wait3A = arith.constant 0 : i32
      %dma_wait3A_37 = tpu.memref_slice %arg8[%add3A_20, %dma_wait3A] : memref<10240x8xf32, #tpu.memory_space<vmem_shared>> -> memref<128x8xf32, #tpu.memory_space<vmem_shared>>
      %dma_wait3A_38 = arith.constant 0 : i32
      %dma_wait3A_39 = tpu.memref_slice %arg8[%add3A_20, %dma_wait3A_38] : memref<10240x8xf32, #tpu.memory_space<vmem_shared>> -> memref<128x8xf32, #tpu.memory_space<vmem_shared>>
      tpu.wait_dma2 semaphore(%run_scoped3A : memref<!tpu.dma_semaphore, #tpu.memory_space<semaphore_mem>>) src(%arg7 : memref<128x8xf32, #tpu.memory_space<vmem>>) dst(%dma_wait3A_39 : memref<128x8xf32, #tpu.memory_space<vmem_shared>>)
      tpu.yield
    }) : () -> ()
    %barrier3A = arith.constant 0 : index
    tpu.barrier barrier_id(%barrier3A)
    "tpu.region"() ({
      %run_scoped3A = tpu.sem_alloc : memref<!tpu.dma_semaphore, #tpu.memory_space<semaphore_mem>>
      tpu.enqueue_dma source(%arg4 : memref<128x8xf32, #tpu.memory_space<hbm>>) target(%arg7 : memref<128x8xf32, #tpu.memory_space<vmem>>) target_semaphore(%run_scoped3A : memref<!tpu.dma_semaphore, #tpu.memory_space<semaphore_mem>>)
      tpu.wait_dma2 semaphore(%run_scoped3A : memref<!tpu.dma_semaphore, #tpu.memory_space<semaphore_mem>>) src(%arg4 : memref<128x8xf32, #tpu.memory_space<hbm>>) dst(%arg7 : memref<128x8xf32, #tpu.memory_space<vmem>>)
      tpu.yield
    }) : () -> ()
    %scan3A = arith.constant 0 : i32
    %scan3A_21 = arith.constant 0 : i32
    %scan3A_22 = arith.constant 80 : i32
    %scan3A_23 = arith.addi %scan3A_21, %scan3A_22 : i32
    %scan3A_24 = arith.constant 1 : i32
    scf.for %scan3A_34 = %scan3A_21 to %scan3A_23 step %scan3A_24  : i32 {
      "tpu.region"() ({
        %run_scoped3A = tpu.sem_alloc : memref<!tpu.dma_semaphore, #tpu.memory_space<semaphore_mem>>
        %dma_start3A = arith.constant 0 : i32
        %dma_start3A_35 = tpu.memref_slice %arg6[%scan3A_34, %dma_start3A] : memref<80x128xi32, #tpu.memory_space<vmem>> -> memref<1x128xi32, #tpu.memory_space<vmem>>
        %dma_start3A_36 = tpu.memref_squeeze %dma_start3A_35 : memref<1x128xi32, #tpu.memory_space<vmem>> -> memref<128xi32, #tpu.memory_space<vmem>>
        %dma_start3A_37 = arith.constant 0 : i32
        %dma_start3A_38 = arith.constant 0 : i32
        %dma_start3A_39 = tpu.memref_slice %arg8[%dma_start3A_37, %dma_start3A_38] : memref<10240x8xf32, #tpu.memory_space<vmem_shared>> -> memref<10240x8xf32, #tpu.memory_space<vmem_shared>>
        tpu.enqueue_indirect_dma source(%arg7 : memref<128x8xf32, #tpu.memory_space<vmem>>) target(%dma_start3A_39 : memref<10240x8xf32, #tpu.memory_space<vmem_shared>>) offsets(%dma_start3A_36 : memref<128xi32, #tpu.memory_space<vmem>>) semaphore(%run_scoped3A : memref<!tpu.dma_semaphore, #tpu.memory_space<semaphore_mem>>) {add = true}
        %dma_wait3A = arith.constant 0 : i32
        %dma_wait3A_40 = tpu.memref_slice %arg6[%scan3A_34, %dma_wait3A] : memref<80x128xi32, #tpu.memory_space<vmem>> -> memref<1x128xi32, #tpu.memory_space<vmem>>
        %dma_wait3A_41 = tpu.memref_squeeze %dma_wait3A_40 : memref<1x128xi32, #tpu.memory_space<vmem>> -> memref<128xi32, #tpu.memory_space<vmem>>
        %dma_wait3A_42 = arith.constant 0 : i32
        %dma_wait3A_43 = arith.constant 0 : i32
        %dma_wait3A_44 = tpu.memref_slice %arg8[%dma_wait3A_42, %dma_wait3A_43] : memref<10240x8xf32, #tpu.memory_space<vmem_shared>> -> memref<10240x8xf32, #tpu.memory_space<vmem_shared>>
        tpu.wait_indirect_dma semaphore(%run_scoped3A : memref<!tpu.dma_semaphore, #tpu.memory_space<semaphore_mem>>) src(%arg7 : memref<128x8xf32, #tpu.memory_space<vmem>>) dst(%dma_wait3A_44 : memref<10240x8xf32, #tpu.memory_space<vmem_shared>>)
        tpu.yield
      }) : () -> ()
    }
    %scan3A_25 = arith.constant 80 : i32
    %barrier3A_26 = arith.constant 0 : index
    tpu.barrier barrier_id(%barrier3A_26)
    %eq3A = arith.constant 0 : i32
    %eq3A_27 = arith.cmpi eq, %arg0, %eq3A : i32
    %convert_element_type3A = arith.extui %eq3A_27 : i1 to i32
    %cond3A = arith.constant 0 : i32
    %cond3A_28 = arith.cmpi ne, %convert_element_type3A, %cond3A : i32
    scf.if %cond3A_28 {
      %mul3A_34 = arith.constant 640 : i32
      %mul3A_35 = arith.muli %arg1, %mul3A_34 : i32
      %add3A_36 = arith.constant 0 : i32
      %add3A_37 = arith.addi %mul3A_35, %add3A_36 : i32
      %run_scoped3A = arith.constant 0 : i32
      "tpu.region"() ({
        %run_scoped3A_58 = tpu.sem_alloc : memref<!tpu.dma_semaphore, #tpu.memory_space<semaphore_mem>>
        %dma_start3A = arith.constant 0 : i32
        %dma_start3A_59 = tpu.memref_slice %arg5[%run_scoped3A, %add3A_37, %dma_start3A] : memref<2x10240x8xf32, #tpu.memory_space<hbm>> -> memref<1x128x8xf32, #tpu.memory_space<hbm>>
        %dma_start3A_60 = tpu.memref_squeeze %dma_start3A_59 : memref<1x128x8xf32, #tpu.memory_space<hbm>> -> memref<128x8xf32, #tpu.memory_space<hbm>>
        %dma_start3A_61 = arith.constant 0 : i32
        %dma_start3A_62 = tpu.memref_slice %arg8[%add3A_37, %dma_start3A_61] : memref<10240x8xf32, #tpu.memory_space<vmem_shared>> -> memref<128x8xf32, #tpu.memory_space<vmem_shared>>
        tpu.enqueue_dma source(%dma_start3A_62 : memref<128x8xf32, #tpu.memory_space<vmem_shared>>) target(%dma_start3A_60 : memref<128x8xf32, #tpu.memory_space<hbm>>) target_semaphore(%run_scoped3A_58 : memref<!tpu.dma_semaphore, #tpu.memory_space<semaphore_mem>>)
        %dma_wait3A = arith.constant 0 : i32
        %dma_wait3A_63 = tpu.memref_slice %arg5[%run_scoped3A, %add3A_37, %dma_wait3A] : memref<2x10240x8xf32, #tpu.memory_space<hbm>> -> memref<1x128x8xf32, #tpu.memory_space<hbm>>
        %dma_wait3A_64 = tpu.memref_squeeze %dma_wait3A_63 : memref<1x128x8xf32, #tpu.memory_space<hbm>> -> memref<128x8xf32, #tpu.memory_space<hbm>>
        %dma_wait3A_65 = arith.constant 0 : i32
        %dma_wait3A_66 = tpu.memref_slice %arg8[%add3A_37, %dma_wait3A_65] : memref<10240x8xf32, #tpu.memory_space<vmem_shared>> -> memref<128x8xf32, #tpu.memory_space<vmem_shared>>
        tpu.wait_dma2 semaphore(%run_scoped3A_58 : memref<!tpu.dma_semaphore, #tpu.memory_space<semaphore_mem>>) src(%dma_wait3A_66 : memref<128x8xf32, #tpu.memory_space<vmem_shared>>) dst(%dma_wait3A_64 : memref<128x8xf32, #tpu.memory_space<hbm>>)
        tpu.yield
      }) : () -> ()
      %mul3A_38 = arith.constant 640 : i32
      %mul3A_39 = arith.muli %arg1, %mul3A_38 : i32
      %add3A_40 = arith.constant 128 : i32
      %add3A_41 = arith.addi %mul3A_39, %add3A_40 : i32
      %run_scoped3A_42 = arith.constant 0 : i32
      "tpu.region"() ({
        %run_scoped3A_58 = tpu.sem_alloc : memref<!tpu.dma_semaphore, #tpu.memory_space<semaphore_mem>>
        %dma_start3A = arith.constant 0 : i32
        %dma_start3A_59 = tpu.memref_slice %arg5[%run_scoped3A_42, %add3A_41, %dma_start3A] : memref<2x10240x8xf32, #tpu.memory_space<hbm>> -> memref<1x128x8xf32, #tpu.memory_space<hbm>>
        %dma_start3A_60 = tpu.memref_squeeze %dma_start3A_59 : memref<1x128x8xf32, #tpu.memory_space<hbm>> -> memref<128x8xf32, #tpu.memory_space<hbm>>
        %dma_start3A_61 = arith.constant 0 : i32
        %dma_start3A_62 = tpu.memref_slice %arg8[%add3A_41, %dma_start3A_61] : memref<10240x8xf32, #tpu.memory_space<vmem_shared>> -> memref<128x8xf32, #tpu.memory_space<vmem_shared>>
        tpu.enqueue_dma source(%dma_start3A_62 : memref<128x8xf32, #tpu.memory_space<vmem_shared>>) target(%dma_start3A_60 : memref<128x8xf32, #tpu.memory_space<hbm>>) target_semaphore(%run_scoped3A_58 : memref<!tpu.dma_semaphore, #tpu.memory_space<semaphore_mem>>)
        %dma_wait3A = arith.constant 0 : i32
        %dma_wait3A_63 = tpu.memref_slice %arg5[%run_scoped3A_42, %add3A_41, %dma_wait3A] : memref<2x10240x8xf32, #tpu.memory_space<hbm>> -> memref<1x128x8xf32, #tpu.memory_space<hbm>>
        %dma_wait3A_64 = tpu.memref_squeeze %dma_wait3A_63 : memref<1x128x8xf32, #tpu.memory_space<hbm>> -> memref<128x8xf32, #tpu.memory_space<hbm>>
        %dma_wait3A_65 = arith.constant 0 : i32
        %dma_wait3A_66 = tpu.memref_slice %arg8[%add3A_41, %dma_wait3A_65] : memref<10240x8xf32, #tpu.memory_space<vmem_shared>> -> memref<128x8xf32, #tpu.memory_space<vmem_shared>>
        tpu.wait_dma2 semaphore(%run_scoped3A_58 : memref<!tpu.dma_semaphore, #tpu.memory_space<semaphore_mem>>) src(%dma_wait3A_66 : memref<128x8xf32, #tpu.memory_space<vmem_shared>>) dst(%dma_wait3A_64 : memref<128x8xf32, #tpu.memory_space<hbm>>)
        tpu.yield
      }) : () -> ()
      %mul3A_43 = arith.constant 640 : i32
      %mul3A_44 = arith.muli %arg1, %mul3A_43 : i32
      %add3A_45 = arith.constant 256 : i32
      %add3A_46 = arith.addi %mul3A_44, %add3A_45 : i32
      %run_scoped3A_47 = arith.constant 0 : i32
      "tpu.region"() ({
        %run_scoped3A_58 = tpu.sem_alloc : memref<!tpu.dma_semaphore, #tpu.memory_space<semaphore_mem>>
        %dma_start3A = arith.constant 0 : i32
        %dma_start3A_59 = tpu.memref_slice %arg5[%run_scoped3A_47, %add3A_46, %dma_start3A] : memref<2x10240x8xf32, #tpu.memory_space<hbm>> -> memref<1x128x8xf32, #tpu.memory_space<hbm>>
        %dma_start3A_60 = tpu.memref_squeeze %dma_start3A_59 : memref<1x128x8xf32, #tpu.memory_space<hbm>> -> memref<128x8xf32, #tpu.memory_space<hbm>>
        %dma_start3A_61 = arith.constant 0 : i32
        %dma_start3A_62 = tpu.memref_slice %arg8[%add3A_46, %dma_start3A_61] : memref<10240x8xf32, #tpu.memory_space<vmem_shared>> -> memref<128x8xf32, #tpu.memory_space<vmem_shared>>
        tpu.enqueue_dma source(%dma_start3A_62 : memref<128x8xf32, #tpu.memory_space<vmem_shared>>) target(%dma_start3A_60 : memref<128x8xf32, #tpu.memory_space<hbm>>) target_semaphore(%run_scoped3A_58 : memref<!tpu.dma_semaphore, #tpu.memory_space<semaphore_mem>>)
        %dma_wait3A = arith.constant 0 : i32
        %dma_wait3A_63 = tpu.memref_slice %arg5[%run_scoped3A_47, %add3A_46, %dma_wait3A] : memref<2x10240x8xf32, #tpu.memory_space<hbm>> -> memref<1x128x8xf32, #tpu.memory_space<hbm>>
        %dma_wait3A_64 = tpu.memref_squeeze %dma_wait3A_63 : memref<1x128x8xf32, #tpu.memory_space<hbm>> -> memref<128x8xf32, #tpu.memory_space<hbm>>
        %dma_wait3A_65 = arith.constant 0 : i32
        %dma_wait3A_66 = tpu.memref_slice %arg8[%add3A_46, %dma_wait3A_65] : memref<10240x8xf32, #tpu.memory_space<vmem_shared>> -> memref<128x8xf32, #tpu.memory_space<vmem_shared>>
        tpu.wait_dma2 semaphore(%run_scoped3A_58 : memref<!tpu.dma_semaphore, #tpu.memory_space<semaphore_mem>>) src(%dma_wait3A_66 : memref<128x8xf32, #tpu.memory_space<vmem_shared>>) dst(%dma_wait3A_64 : memref<128x8xf32, #tpu.memory_space<hbm>>)
        tpu.yield
      }) : () -> ()
      %mul3A_48 = arith.constant 640 : i32
      %mul3A_49 = arith.muli %arg1, %mul3A_48 : i32
      %add3A_50 = arith.constant 384 : i32
      %add3A_51 = arith.addi %mul3A_49, %add3A_50 : i32
      %run_scoped3A_52 = arith.constant 0 : i32
      "tpu.region"() ({
        %run_scoped3A_58 = tpu.sem_alloc : memref<!tpu.dma_semaphore, #tpu.memory_space<semaphore_mem>>
        %dma_start3A = arith.constant 0 : i32
        %dma_start3A_59 = tpu.memref_slice %arg5[%run_scoped3A_52, %add3A_51, %dma_start3A] : memref<2x10240x8xf32, #tpu.memory_space<hbm>> -> memref<1x128x8xf32, #tpu.memory_space<hbm>>
        %dma_start3A_60 = tpu.memref_squeeze %dma_start3A_59 : memref<1x128x8xf32, #tpu.memory_space<hbm>> -> memref<128x8xf32, #tpu.memory_space<hbm>>
        %dma_start3A_61 = arith.constant 0 : i32
        %dma_start3A_62 = tpu.memref_slice %arg8[%add3A_51, %dma_start3A_61] : memref<10240x8xf32, #tpu.memory_space<vmem_shared>> -> memref<128x8xf32, #tpu.memory_space<vmem_shared>>
        tpu.enqueue_dma source(%dma_start3A_62 : memref<128x8xf32, #tpu.memory_space<vmem_shared>>) target(%dma_start3A_60 : memref<128x8xf32, #tpu.memory_space<hbm>>) target_semaphore(%run_scoped3A_58 : memref<!tpu.dma_semaphore, #tpu.memory_space<semaphore_mem>>)
        %dma_wait3A = arith.constant 0 : i32
        %dma_wait3A_63 = tpu.memref_slice %arg5[%run_scoped3A_52, %add3A_51, %dma_wait3A] : memref<2x10240x8xf32, #tpu.memory_space<hbm>> -> memref<1x128x8xf32, #tpu.memory_space<hbm>>
        %dma_wait3A_64 = tpu.memref_squeeze %dma_wait3A_63 : memref<1x128x8xf32, #tpu.memory_space<hbm>> -> memref<128x8xf32, #tpu.memory_space<hbm>>
        %dma_wait3A_65 = arith.constant 0 : i32
        %dma_wait3A_66 = tpu.memref_slice %arg8[%add3A_51, %dma_wait3A_65] : memref<10240x8xf32, #tpu.memory_space<vmem_shared>> -> memref<128x8xf32, #tpu.memory_space<vmem_shared>>
        tpu.wait_dma2 semaphore(%run_scoped3A_58 : memref<!tpu.dma_semaphore, #tpu.memory_space<semaphore_mem>>) src(%dma_wait3A_66 : memref<128x8xf32, #tpu.memory_space<vmem_shared>>) dst(%dma_wait3A_64 : memref<128x8xf32, #tpu.memory_space<hbm>>)
        tpu.yield
      }) : () -> ()
      %mul3A_53 = arith.constant 640 : i32
      %mul3A_54 = arith.muli %arg1, %mul3A_53 : i32
      %add3A_55 = arith.constant 512 : i32
      %add3A_56 = arith.addi %mul3A_54, %add3A_55 : i32
      %run_scoped3A_57 = arith.constant 0 : i32
      "tpu.region"() ({
        %run_scoped3A_58 = tpu.sem_alloc : memref<!tpu.dma_semaphore, #tpu.memory_space<semaphore_mem>>
        %dma_start3A = arith.constant 0 : i32
        %dma_start3A_59 = tpu.memref_slice %arg5[%run_scoped3A_57, %add3A_56, %dma_start3A] : memref<2x10240x8xf32, #tpu.memory_space<hbm>> -> memref<1x128x8xf32, #tpu.memory_space<hbm>>
        %dma_start3A_60 = tpu.memref_squeeze %dma_start3A_59 : memref<1x128x8xf32, #tpu.memory_space<hbm>> -> memref<128x8xf32, #tpu.memory_space<hbm>>
        %dma_start3A_61 = arith.constant 0 : i32
        %dma_start3A_62 = tpu.memref_slice %arg8[%add3A_56, %dma_start3A_61] : memref<10240x8xf32, #tpu.memory_space<vmem_shared>> -> memref<128x8xf32, #tpu.memory_space<vmem_shared>>
        tpu.enqueue_dma source(%dma_start3A_62 : memref<128x8xf32, #tpu.memory_space<vmem_shared>>) target(%dma_start3A_60 : memref<128x8xf32, #tpu.memory_space<hbm>>) target_semaphore(%run_scoped3A_58 : memref<!tpu.dma_semaphore, #tpu.memory_space<semaphore_mem>>)
        %dma_wait3A = arith.constant 0 : i32
        %dma_wait3A_63 = tpu.memref_slice %arg5[%run_scoped3A_57, %add3A_56, %dma_wait3A] : memref<2x10240x8xf32, #tpu.memory_space<hbm>> -> memref<1x128x8xf32, #tpu.memory_space<hbm>>
        %dma_wait3A_64 = tpu.memref_squeeze %dma_wait3A_63 : memref<1x128x8xf32, #tpu.memory_space<hbm>> -> memref<128x8xf32, #tpu.memory_space<hbm>>
        %dma_wait3A_65 = arith.constant 0 : i32
        %dma_wait3A_66 = tpu.memref_slice %arg8[%add3A_56, %dma_wait3A_65] : memref<10240x8xf32, #tpu.memory_space<vmem_shared>> -> memref<128x8xf32, #tpu.memory_space<vmem_shared>>
        tpu.wait_dma2 semaphore(%run_scoped3A_58 : memref<!tpu.dma_semaphore, #tpu.memory_space<semaphore_mem>>) src(%dma_wait3A_66 : memref<128x8xf32, #tpu.memory_space<vmem_shared>>) dst(%dma_wait3A_64 : memref<128x8xf32, #tpu.memory_space<hbm>>)
        tpu.yield
      }) : () -> ()
    } else {
    }
    %eq3A_29 = arith.constant 1 : i32
    %eq3A_30 = arith.cmpi eq, %arg0, %eq3A_29 : i32
    %convert_element_type3A_31 = arith.extui %eq3A_30 : i1 to i32
    %cond3A_32 = arith.constant 0 : i32
    %cond3A_33 = arith.cmpi ne, %convert_element_type3A_31, %cond3A_32 : i32
    scf.if %cond3A_33 {
      %mul3A_34 = arith.constant 640 : i32
      %mul3A_35 = arith.muli %arg1, %mul3A_34 : i32
      %add3A_36 = arith.constant 0 : i32
      %add3A_37 = arith.addi %mul3A_35, %add3A_36 : i32
      %run_scoped3A = arith.constant 1 : i32
      "tpu.region"() ({
        %run_scoped3A_58 = tpu.sem_alloc : memref<!tpu.dma_semaphore, #tpu.memory_space<semaphore_mem>>
        %dma_start3A = arith.constant 0 : i32
        %dma_start3A_59 = tpu.memref_slice %arg5[%run_scoped3A, %add3A_37, %dma_start3A] : memref<2x10240x8xf32, #tpu.memory_space<hbm>> -> memref<1x128x8xf32, #tpu.memory_space<hbm>>
        %dma_start3A_60 = tpu.memref_squeeze %dma_start3A_59 : memref<1x128x8xf32, #tpu.memory_space<hbm>> -> memref<128x8xf32, #tpu.memory_space<hbm>>
        %dma_start3A_61 = arith.constant 0 : i32
        %dma_start3A_62 = tpu.memref_slice %arg8[%add3A_37, %dma_start3A_61] : memref<10240x8xf32, #tpu.memory_space<vmem_shared>> -> memref<128x8xf32, #tpu.memory_space<vmem_shared>>
        tpu.enqueue_dma source(%dma_start3A_62 : memref<128x8xf32, #tpu.memory_space<vmem_shared>>) target(%dma_start3A_60 : memref<128x8xf32, #tpu.memory_space<hbm>>) target_semaphore(%run_scoped3A_58 : memref<!tpu.dma_semaphore, #tpu.memory_space<semaphore_mem>>)
        %dma_wait3A = arith.constant 0 : i32
        %dma_wait3A_63 = tpu.memref_slice %arg5[%run_scoped3A, %add3A_37, %dma_wait3A] : memref<2x10240x8xf32, #tpu.memory_space<hbm>> -> memref<1x128x8xf32, #tpu.memory_space<hbm>>
        %dma_wait3A_64 = tpu.memref_squeeze %dma_wait3A_63 : memref<1x128x8xf32, #tpu.memory_space<hbm>> -> memref<128x8xf32, #tpu.memory_space<hbm>>
        %dma_wait3A_65 = arith.constant 0 : i32
        %dma_wait3A_66 = tpu.memref_slice %arg8[%add3A_37, %dma_wait3A_65] : memref<10240x8xf32, #tpu.memory_space<vmem_shared>> -> memref<128x8xf32, #tpu.memory_space<vmem_shared>>
        tpu.wait_dma2 semaphore(%run_scoped3A_58 : memref<!tpu.dma_semaphore, #tpu.memory_space<semaphore_mem>>) src(%dma_wait3A_66 : memref<128x8xf32, #tpu.memory_space<vmem_shared>>) dst(%dma_wait3A_64 : memref<128x8xf32, #tpu.memory_space<hbm>>)
        tpu.yield
      }) : () -> ()
      %mul3A_38 = arith.constant 640 : i32
      %mul3A_39 = arith.muli %arg1, %mul3A_38 : i32
      %add3A_40 = arith.constant 128 : i32
      %add3A_41 = arith.addi %mul3A_39, %add3A_40 : i32
      %run_scoped3A_42 = arith.constant 1 : i32
      "tpu.region"() ({
        %run_scoped3A_58 = tpu.sem_alloc : memref<!tpu.dma_semaphore, #tpu.memory_space<semaphore_mem>>
        %dma_start3A = arith.constant 0 : i32
        %dma_start3A_59 = tpu.memref_slice %arg5[%run_scoped3A_42, %add3A_41, %dma_start3A] : memref<2x10240x8xf32, #tpu.memory_space<hbm>> -> memref<1x128x8xf32, #tpu.memory_space<hbm>>
        %dma_start3A_60 = tpu.memref_squeeze %dma_start3A_59 : memref<1x128x8xf32, #tpu.memory_space<hbm>> -> memref<128x8xf32, #tpu.memory_space<hbm>>
        %dma_start3A_61 = arith.constant 0 : i32
        %dma_start3A_62 = tpu.memref_slice %arg8[%add3A_41, %dma_start3A_61] : memref<10240x8xf32, #tpu.memory_space<vmem_shared>> -> memref<128x8xf32, #tpu.memory_space<vmem_shared>>
        tpu.enqueue_dma source(%dma_start3A_62 : memref<128x8xf32, #tpu.memory_space<vmem_shared>>) target(%dma_start3A_60 : memref<128x8xf32, #tpu.memory_space<hbm>>) target_semaphore(%run_scoped3A_58 : memref<!tpu.dma_semaphore, #tpu.memory_space<semaphore_mem>>)
        %dma_wait3A = arith.constant 0 : i32
        %dma_wait3A_63 = tpu.memref_slice %arg5[%run_scoped3A_42, %add3A_41, %dma_wait3A] : memref<2x10240x8xf32, #tpu.memory_space<hbm>> -> memref<1x128x8xf32, #tpu.memory_space<hbm>>
        %dma_wait3A_64 = tpu.memref_squeeze %dma_wait3A_63 : memref<1x128x8xf32, #tpu.memory_space<hbm>> -> memref<128x8xf32, #tpu.memory_space<hbm>>
        %dma_wait3A_65 = arith.constant 0 : i32
        %dma_wait3A_66 = tpu.memref_slice %arg8[%add3A_41, %dma_wait3A_65] : memref<10240x8xf32, #tpu.memory_space<vmem_shared>> -> memref<128x8xf32, #tpu.memory_space<vmem_shared>>
        tpu.wait_dma2 semaphore(%run_scoped3A_58 : memref<!tpu.dma_semaphore, #tpu.memory_space<semaphore_mem>>) src(%dma_wait3A_66 : memref<128x8xf32, #tpu.memory_space<vmem_shared>>) dst(%dma_wait3A_64 : memref<128x8xf32, #tpu.memory_space<hbm>>)
        tpu.yield
      }) : () -> ()
      %mul3A_43 = arith.constant 640 : i32
      %mul3A_44 = arith.muli %arg1, %mul3A_43 : i32
      %add3A_45 = arith.constant 256 : i32
      %add3A_46 = arith.addi %mul3A_44, %add3A_45 : i32
      %run_scoped3A_47 = arith.constant 1 : i32
      "tpu.region"() ({
        %run_scoped3A_58 = tpu.sem_alloc : memref<!tpu.dma_semaphore, #tpu.memory_space<semaphore_mem>>
        %dma_start3A = arith.constant 0 : i32
        %dma_start3A_59 = tpu.memref_slice %arg5[%run_scoped3A_47, %add3A_46, %dma_start3A] : memref<2x10240x8xf32, #tpu.memory_space<hbm>> -> memref<1x128x8xf32, #tpu.memory_space<hbm>>
        %dma_start3A_60 = tpu.memref_squeeze %dma_start3A_59 : memref<1x128x8xf32, #tpu.memory_space<hbm>> -> memref<128x8xf32, #tpu.memory_space<hbm>>
        %dma_start3A_61 = arith.constant 0 : i32
        %dma_start3A_62 = tpu.memref_slice %arg8[%add3A_46, %dma_start3A_61] : memref<10240x8xf32, #tpu.memory_space<vmem_shared>> -> memref<128x8xf32, #tpu.memory_space<vmem_shared>>
        tpu.enqueue_dma source(%dma_start3A_62 : memref<128x8xf32, #tpu.memory_space<vmem_shared>>) target(%dma_start3A_60 : memref<128x8xf32, #tpu.memory_space<hbm>>) target_semaphore(%run_scoped3A_58 : memref<!tpu.dma_semaphore, #tpu.memory_space<semaphore_mem>>)
        %dma_wait3A = arith.constant 0 : i32
        %dma_wait3A_63 = tpu.memref_slice %arg5[%run_scoped3A_47, %add3A_46, %dma_wait3A] : memref<2x10240x8xf32, #tpu.memory_space<hbm>> -> memref<1x128x8xf32, #tpu.memory_space<hbm>>
        %dma_wait3A_64 = tpu.memref_squeeze %dma_wait3A_63 : memref<1x128x8xf32, #tpu.memory_space<hbm>> -> memref<128x8xf32, #tpu.memory_space<hbm>>
        %dma_wait3A_65 = arith.constant 0 : i32
        %dma_wait3A_66 = tpu.memref_slice %arg8[%add3A_46, %dma_wait3A_65] : memref<10240x8xf32, #tpu.memory_space<vmem_shared>> -> memref<128x8xf32, #tpu.memory_space<vmem_shared>>
        tpu.wait_dma2 semaphore(%run_scoped3A_58 : memref<!tpu.dma_semaphore, #tpu.memory_space<semaphore_mem>>) src(%dma_wait3A_66 : memref<128x8xf32, #tpu.memory_space<vmem_shared>>) dst(%dma_wait3A_64 : memref<128x8xf32, #tpu.memory_space<hbm>>)
        tpu.yield
      }) : () -> ()
      %mul3A_48 = arith.constant 640 : i32
      %mul3A_49 = arith.muli %arg1, %mul3A_48 : i32
      %add3A_50 = arith.constant 384 : i32
      %add3A_51 = arith.addi %mul3A_49, %add3A_50 : i32
      %run_scoped3A_52 = arith.constant 1 : i32
      "tpu.region"() ({
        %run_scoped3A_58 = tpu.sem_alloc : memref<!tpu.dma_semaphore, #tpu.memory_space<semaphore_mem>>
        %dma_start3A = arith.constant 0 : i32
        %dma_start3A_59 = tpu.memref_slice %arg5[%run_scoped3A_52, %add3A_51, %dma_start3A] : memref<2x10240x8xf32, #tpu.memory_space<hbm>> -> memref<1x128x8xf32, #tpu.memory_space<hbm>>
        %dma_start3A_60 = tpu.memref_squeeze %dma_start3A_59 : memref<1x128x8xf32, #tpu.memory_space<hbm>> -> memref<128x8xf32, #tpu.memory_space<hbm>>
        %dma_start3A_61 = arith.constant 0 : i32
        %dma_start3A_62 = tpu.memref_slice %arg8[%add3A_51, %dma_start3A_61] : memref<10240x8xf32, #tpu.memory_space<vmem_shared>> -> memref<128x8xf32, #tpu.memory_space<vmem_shared>>
        tpu.enqueue_dma source(%dma_start3A_62 : memref<128x8xf32, #tpu.memory_space<vmem_shared>>) target(%dma_start3A_60 : memref<128x8xf32, #tpu.memory_space<hbm>>) target_semaphore(%run_scoped3A_58 : memref<!tpu.dma_semaphore, #tpu.memory_space<semaphore_mem>>)
        %dma_wait3A = arith.constant 0 : i32
        %dma_wait3A_63 = tpu.memref_slice %arg5[%run_scoped3A_52, %add3A_51, %dma_wait3A] : memref<2x10240x8xf32, #tpu.memory_space<hbm>> -> memref<1x128x8xf32, #tpu.memory_space<hbm>>
        %dma_wait3A_64 = tpu.memref_squeeze %dma_wait3A_63 : memref<1x128x8xf32, #tpu.memory_space<hbm>> -> memref<128x8xf32, #tpu.memory_space<hbm>>
        %dma_wait3A_65 = arith.constant 0 : i32
        %dma_wait3A_66 = tpu.memref_slice %arg8[%add3A_51, %dma_wait3A_65] : memref<10240x8xf32, #tpu.memory_space<vmem_shared>> -> memref<128x8xf32, #tpu.memory_space<vmem_shared>>
        tpu.wait_dma2 semaphore(%run_scoped3A_58 : memref<!tpu.dma_semaphore, #tpu.memory_space<semaphore_mem>>) src(%dma_wait3A_66 : memref<128x8xf32, #tpu.memory_space<vmem_shared>>) dst(%dma_wait3A_64 : memref<128x8xf32, #tpu.memory_space<hbm>>)
        tpu.yield
      }) : () -> ()
      %mul3A_53 = arith.constant 640 : i32
      %mul3A_54 = arith.muli %arg1, %mul3A_53 : i32
      %add3A_55 = arith.constant 512 : i32
      %add3A_56 = arith.addi %mul3A_54, %add3A_55 : i32
      %run_scoped3A_57 = arith.constant 1 : i32
      "tpu.region"() ({
        %run_scoped3A_58 = tpu.sem_alloc : memref<!tpu.dma_semaphore, #tpu.memory_space<semaphore_mem>>
        %dma_start3A = arith.constant 0 : i32
        %dma_start3A_59 = tpu.memref_slice %arg5[%run_scoped3A_57, %add3A_56, %dma_start3A] : memref<2x10240x8xf32, #tpu.memory_space<hbm>> -> memref<1x128x8xf32, #tpu.memory_space<hbm>>
        %dma_start3A_60 = tpu.memref_squeeze %dma_start3A_59 : memref<1x128x8xf32, #tpu.memory_space<hbm>> -> memref<128x8xf32, #tpu.memory_space<hbm>>
        %dma_start3A_61 = arith.constant 0 : i32
        %dma_start3A_62 = tpu.memref_slice %arg8[%add3A_56, %dma_start3A_61] : memref<10240x8xf32, #tpu.memory_space<vmem_shared>> -> memref<128x8xf32, #tpu.memory_space<vmem_shared>>
        tpu.enqueue_dma source(%dma_start3A_62 : memref<128x8xf32, #tpu.memory_space<vmem_shared>>) target(%dma_start3A_60 : memref<128x8xf32, #tpu.memory_space<hbm>>) target_semaphore(%run_scoped3A_58 : memref<!tpu.dma_semaphore, #tpu.memory_space<semaphore_mem>>)
        %dma_wait3A = arith.constant 0 : i32
        %dma_wait3A_63 = tpu.memref_slice %arg5[%run_scoped3A_57, %add3A_56, %dma_wait3A] : memref<2x10240x8xf32, #tpu.memory_space<hbm>> -> memref<1x128x8xf32, #tpu.memory_space<hbm>>
        %dma_wait3A_64 = tpu.memref_squeeze %dma_wait3A_63 : memref<1x128x8xf32, #tpu.memory_space<hbm>> -> memref<128x8xf32, #tpu.memory_space<hbm>>
        %dma_wait3A_65 = arith.constant 0 : i32
        %dma_wait3A_66 = tpu.memref_slice %arg8[%add3A_56, %dma_wait3A_65] : memref<10240x8xf32, #tpu.memory_space<vmem_shared>> -> memref<128x8xf32, #tpu.memory_space<vmem_shared>>
        tpu.wait_dma2 semaphore(%run_scoped3A_58 : memref<!tpu.dma_semaphore, #tpu.memory_space<semaphore_mem>>) src(%dma_wait3A_66 : memref<128x8xf32, #tpu.memory_space<vmem_shared>>) dst(%dma_wait3A_64 : memref<128x8xf32, #tpu.memory_space<hbm>>)
        tpu.yield
      }) : () -> ()
    } else {
    }
    return
  }
}

#map = affine_map<(d0, d1) -> (0, 0, 0)>
#map1 = affine_map<(d0, d1) -> (0, 0)>
module attributes {stable_mosaic.version = 14 : i64} {
  func.func @agg_kernel(%arg0: i32, %arg1: i32, %arg2: memref<2x10000x24xf32, #tpu.memory_space<hbm>>, %arg3: memref<16x158x128xi32, #tpu.memory_space<hbm>>, %arg4: memref<16x158x128xi32, #tpu.memory_space<hbm>>, %arg5: memref<128x24xf32, #tpu.memory_space<hbm>>, %arg6: memref<2x10240x24xf32, #tpu.memory_space<hbm>>, %arg7: memref<158x128xi32, #tpu.memory_space<vmem>>, %arg8: memref<158x128xi32, #tpu.memory_space<vmem>>, %arg9: memref<128x24xf32, #tpu.memory_space<vmem>>, %arg10: memref<128x24xf32, #tpu.memory_space<vmem>>, %arg11: memref<10240x24xf32, #tpu.memory_space<vmem_shared>>, %arg12: memref<!tpu.dma_semaphore, #tpu.memory_space<semaphore_mem>>, %arg13: memref<!tpu.dma_semaphore, #tpu.memory_space<semaphore_mem>>, %arg14: memref<!tpu.dma_semaphore, #tpu.memory_space<semaphore_mem>>, %arg15: memref<!tpu.dma_semaphore, #tpu.memory_space<semaphore_mem>>) attributes {dimension_semantics = [#tpu.dimension_semantics<core_parallel>, #tpu.dimension_semantics<subcore_parallel>], iteration_bounds = array<i64: 2, 16>, scalar_prefetch = 0 : i64, scratch_operands = 9 : i64, tpu.core_type = #tpu.core_type<sc_vector_subcore>, window_params = [{transform_indices = #map}, {transform_indices = #map}, {transform_indices = #map}, {transform_indices = #map1}, {transform_indices = #map}]} {
    "tpu.region"() ({
      %run_scoped3A = tpu.sem_alloc : memref<!tpu.dma_semaphore, #tpu.memory_space<semaphore_mem>>
      %dma_start3A = arith.constant 0 : i32
      %dma_start3A_25 = arith.constant 0 : i32
      %dma_start3A_26 = tpu.memref_slice %arg3[%arg1, %dma_start3A, %dma_start3A_25] : memref<16x158x128xi32, #tpu.memory_space<hbm>> -> memref<1x158x128xi32, #tpu.memory_space<hbm>>
      %dma_start3A_27 = tpu.memref_squeeze %dma_start3A_26 : memref<1x158x128xi32, #tpu.memory_space<hbm>> -> memref<158x128xi32, #tpu.memory_space<hbm>>
      %dma_start3A_28 = arith.constant 0 : i32
      %dma_start3A_29 = arith.constant 0 : i32
      %dma_start3A_30 = tpu.memref_slice %arg3[%arg1, %dma_start3A_28, %dma_start3A_29] : memref<16x158x128xi32, #tpu.memory_space<hbm>> -> memref<1x158x128xi32, #tpu.memory_space<hbm>>
      %dma_start3A_31 = tpu.memref_squeeze %dma_start3A_30 : memref<1x158x128xi32, #tpu.memory_space<hbm>> -> memref<158x128xi32, #tpu.memory_space<hbm>>
      tpu.enqueue_dma source(%dma_start3A_31 : memref<158x128xi32, #tpu.memory_space<hbm>>) target(%arg7 : memref<158x128xi32, #tpu.memory_space<vmem>>) target_semaphore(%run_scoped3A : memref<!tpu.dma_semaphore, #tpu.memory_space<semaphore_mem>>)
      %dma_wait3A = arith.constant 0 : i32
      %dma_wait3A_32 = arith.constant 0 : i32
      %dma_wait3A_33 = tpu.memref_slice %arg3[%arg1, %dma_wait3A, %dma_wait3A_32] : memref<16x158x128xi32, #tpu.memory_space<hbm>> -> memref<1x158x128xi32, #tpu.memory_space<hbm>>
      %dma_wait3A_34 = tpu.memref_squeeze %dma_wait3A_33 : memref<1x158x128xi32, #tpu.memory_space<hbm>> -> memref<158x128xi32, #tpu.memory_space<hbm>>
      %dma_wait3A_35 = arith.constant 0 : i32
      %dma_wait3A_36 = arith.constant 0 : i32
      %dma_wait3A_37 = tpu.memref_slice %arg3[%arg1, %dma_wait3A_35, %dma_wait3A_36] : memref<16x158x128xi32, #tpu.memory_space<hbm>> -> memref<1x158x128xi32, #tpu.memory_space<hbm>>
      %dma_wait3A_38 = tpu.memref_squeeze %dma_wait3A_37 : memref<1x158x128xi32, #tpu.memory_space<hbm>> -> memref<158x128xi32, #tpu.memory_space<hbm>>
      tpu.wait_dma2 semaphore(%run_scoped3A : memref<!tpu.dma_semaphore, #tpu.memory_space<semaphore_mem>>) src(%dma_wait3A_38 : memref<158x128xi32, #tpu.memory_space<hbm>>) dst(%arg7 : memref<158x128xi32, #tpu.memory_space<vmem>>)
      tpu.yield
    }) : () -> ()
    "tpu.region"() ({
      %run_scoped3A = tpu.sem_alloc : memref<!tpu.dma_semaphore, #tpu.memory_space<semaphore_mem>>
      %dma_start3A = arith.constant 0 : i32
      %dma_start3A_25 = arith.constant 0 : i32
      %dma_start3A_26 = tpu.memref_slice %arg4[%arg1, %dma_start3A, %dma_start3A_25] : memref<16x158x128xi32, #tpu.memory_space<hbm>> -> memref<1x158x128xi32, #tpu.memory_space<hbm>>
      %dma_start3A_27 = tpu.memref_squeeze %dma_start3A_26 : memref<1x158x128xi32, #tpu.memory_space<hbm>> -> memref<158x128xi32, #tpu.memory_space<hbm>>
      %dma_start3A_28 = arith.constant 0 : i32
      %dma_start3A_29 = arith.constant 0 : i32
      %dma_start3A_30 = tpu.memref_slice %arg4[%arg1, %dma_start3A_28, %dma_start3A_29] : memref<16x158x128xi32, #tpu.memory_space<hbm>> -> memref<1x158x128xi32, #tpu.memory_space<hbm>>
      %dma_start3A_31 = tpu.memref_squeeze %dma_start3A_30 : memref<1x158x128xi32, #tpu.memory_space<hbm>> -> memref<158x128xi32, #tpu.memory_space<hbm>>
      tpu.enqueue_dma source(%dma_start3A_31 : memref<158x128xi32, #tpu.memory_space<hbm>>) target(%arg8 : memref<158x128xi32, #tpu.memory_space<vmem>>) target_semaphore(%run_scoped3A : memref<!tpu.dma_semaphore, #tpu.memory_space<semaphore_mem>>)
      %dma_wait3A = arith.constant 0 : i32
      %dma_wait3A_32 = arith.constant 0 : i32
      %dma_wait3A_33 = tpu.memref_slice %arg4[%arg1, %dma_wait3A, %dma_wait3A_32] : memref<16x158x128xi32, #tpu.memory_space<hbm>> -> memref<1x158x128xi32, #tpu.memory_space<hbm>>
      %dma_wait3A_34 = tpu.memref_squeeze %dma_wait3A_33 : memref<1x158x128xi32, #tpu.memory_space<hbm>> -> memref<158x128xi32, #tpu.memory_space<hbm>>
      %dma_wait3A_35 = arith.constant 0 : i32
      %dma_wait3A_36 = arith.constant 0 : i32
      %dma_wait3A_37 = tpu.memref_slice %arg4[%arg1, %dma_wait3A_35, %dma_wait3A_36] : memref<16x158x128xi32, #tpu.memory_space<hbm>> -> memref<1x158x128xi32, #tpu.memory_space<hbm>>
      %dma_wait3A_38 = tpu.memref_squeeze %dma_wait3A_37 : memref<1x158x128xi32, #tpu.memory_space<hbm>> -> memref<158x128xi32, #tpu.memory_space<hbm>>
      tpu.wait_dma2 semaphore(%run_scoped3A : memref<!tpu.dma_semaphore, #tpu.memory_space<semaphore_mem>>) src(%dma_wait3A_38 : memref<158x128xi32, #tpu.memory_space<hbm>>) dst(%arg8 : memref<158x128xi32, #tpu.memory_space<vmem>>)
      tpu.yield
    }) : () -> ()
    "tpu.region"() ({
      %run_scoped3A = tpu.sem_alloc : memref<!tpu.dma_semaphore, #tpu.memory_space<semaphore_mem>>
      tpu.enqueue_dma source(%arg5 : memref<128x24xf32, #tpu.memory_space<hbm>>) target(%arg9 : memref<128x24xf32, #tpu.memory_space<vmem>>) target_semaphore(%run_scoped3A : memref<!tpu.dma_semaphore, #tpu.memory_space<semaphore_mem>>)
      tpu.wait_dma2 semaphore(%run_scoped3A : memref<!tpu.dma_semaphore, #tpu.memory_space<semaphore_mem>>) src(%arg5 : memref<128x24xf32, #tpu.memory_space<hbm>>) dst(%arg9 : memref<128x24xf32, #tpu.memory_space<vmem>>)
      tpu.yield
    }) : () -> ()
    %mul3A = arith.constant 640 : i32
    %mul3A_0 = arith.muli %arg1, %mul3A : i32
    %add3A = arith.constant 0 : i32
    %add3A_1 = arith.addi %mul3A_0, %add3A : i32
    "tpu.region"() ({
      %run_scoped3A = tpu.sem_alloc : memref<!tpu.dma_semaphore, #tpu.memory_space<semaphore_mem>>
      %dma_start3A = arith.constant 0 : i32
      %dma_start3A_25 = tpu.memref_slice %arg11[%add3A_1, %dma_start3A] : memref<10240x24xf32, #tpu.memory_space<vmem_shared>> -> memref<128x24xf32, #tpu.memory_space<vmem_shared>>
      %dma_start3A_26 = arith.constant 0 : i32
      %dma_start3A_27 = tpu.memref_slice %arg11[%add3A_1, %dma_start3A_26] : memref<10240x24xf32, #tpu.memory_space<vmem_shared>> -> memref<128x24xf32, #tpu.memory_space<vmem_shared>>
      tpu.enqueue_dma source(%arg9 : memref<128x24xf32, #tpu.memory_space<vmem>>) target(%dma_start3A_27 : memref<128x24xf32, #tpu.memory_space<vmem_shared>>) target_semaphore(%run_scoped3A : memref<!tpu.dma_semaphore, #tpu.memory_space<semaphore_mem>>)
      %dma_wait3A = arith.constant 0 : i32
      %dma_wait3A_28 = tpu.memref_slice %arg11[%add3A_1, %dma_wait3A] : memref<10240x24xf32, #tpu.memory_space<vmem_shared>> -> memref<128x24xf32, #tpu.memory_space<vmem_shared>>
      %dma_wait3A_29 = arith.constant 0 : i32
      %dma_wait3A_30 = tpu.memref_slice %arg11[%add3A_1, %dma_wait3A_29] : memref<10240x24xf32, #tpu.memory_space<vmem_shared>> -> memref<128x24xf32, #tpu.memory_space<vmem_shared>>
      tpu.wait_dma2 semaphore(%run_scoped3A : memref<!tpu.dma_semaphore, #tpu.memory_space<semaphore_mem>>) src(%arg9 : memref<128x24xf32, #tpu.memory_space<vmem>>) dst(%dma_wait3A_30 : memref<128x24xf32, #tpu.memory_space<vmem_shared>>)
      tpu.yield
    }) : () -> ()
    %mul3A_2 = arith.constant 640 : i32
    %mul3A_3 = arith.muli %arg1, %mul3A_2 : i32
    %add3A_4 = arith.constant 128 : i32
    %add3A_5 = arith.addi %mul3A_3, %add3A_4 : i32
    "tpu.region"() ({
      %run_scoped3A = tpu.sem_alloc : memref<!tpu.dma_semaphore, #tpu.memory_space<semaphore_mem>>
      %dma_start3A = arith.constant 0 : i32
      %dma_start3A_25 = tpu.memref_slice %arg11[%add3A_5, %dma_start3A] : memref<10240x24xf32, #tpu.memory_space<vmem_shared>> -> memref<128x24xf32, #tpu.memory_space<vmem_shared>>
      %dma_start3A_26 = arith.constant 0 : i32
      %dma_start3A_27 = tpu.memref_slice %arg11[%add3A_5, %dma_start3A_26] : memref<10240x24xf32, #tpu.memory_space<vmem_shared>> -> memref<128x24xf32, #tpu.memory_space<vmem_shared>>
      tpu.enqueue_dma source(%arg9 : memref<128x24xf32, #tpu.memory_space<vmem>>) target(%dma_start3A_27 : memref<128x24xf32, #tpu.memory_space<vmem_shared>>) target_semaphore(%run_scoped3A : memref<!tpu.dma_semaphore, #tpu.memory_space<semaphore_mem>>)
      %dma_wait3A = arith.constant 0 : i32
      %dma_wait3A_28 = tpu.memref_slice %arg11[%add3A_5, %dma_wait3A] : memref<10240x24xf32, #tpu.memory_space<vmem_shared>> -> memref<128x24xf32, #tpu.memory_space<vmem_shared>>
      %dma_wait3A_29 = arith.constant 0 : i32
      %dma_wait3A_30 = tpu.memref_slice %arg11[%add3A_5, %dma_wait3A_29] : memref<10240x24xf32, #tpu.memory_space<vmem_shared>> -> memref<128x24xf32, #tpu.memory_space<vmem_shared>>
      tpu.wait_dma2 semaphore(%run_scoped3A : memref<!tpu.dma_semaphore, #tpu.memory_space<semaphore_mem>>) src(%arg9 : memref<128x24xf32, #tpu.memory_space<vmem>>) dst(%dma_wait3A_30 : memref<128x24xf32, #tpu.memory_space<vmem_shared>>)
      tpu.yield
    }) : () -> ()
    %mul3A_6 = arith.constant 640 : i32
    %mul3A_7 = arith.muli %arg1, %mul3A_6 : i32
    %add3A_8 = arith.constant 256 : i32
    %add3A_9 = arith.addi %mul3A_7, %add3A_8 : i32
    "tpu.region"() ({
      %run_scoped3A = tpu.sem_alloc : memref<!tpu.dma_semaphore, #tpu.memory_space<semaphore_mem>>
      %dma_start3A = arith.constant 0 : i32
      %dma_start3A_25 = tpu.memref_slice %arg11[%add3A_9, %dma_start3A] : memref<10240x24xf32, #tpu.memory_space<vmem_shared>> -> memref<128x24xf32, #tpu.memory_space<vmem_shared>>
      %dma_start3A_26 = arith.constant 0 : i32
      %dma_start3A_27 = tpu.memref_slice %arg11[%add3A_9, %dma_start3A_26] : memref<10240x24xf32, #tpu.memory_space<vmem_shared>> -> memref<128x24xf32, #tpu.memory_space<vmem_shared>>
      tpu.enqueue_dma source(%arg9 : memref<128x24xf32, #tpu.memory_space<vmem>>) target(%dma_start3A_27 : memref<128x24xf32, #tpu.memory_space<vmem_shared>>) target_semaphore(%run_scoped3A : memref<!tpu.dma_semaphore, #tpu.memory_space<semaphore_mem>>)
      %dma_wait3A = arith.constant 0 : i32
      %dma_wait3A_28 = tpu.memref_slice %arg11[%add3A_9, %dma_wait3A] : memref<10240x24xf32, #tpu.memory_space<vmem_shared>> -> memref<128x24xf32, #tpu.memory_space<vmem_shared>>
      %dma_wait3A_29 = arith.constant 0 : i32
      %dma_wait3A_30 = tpu.memref_slice %arg11[%add3A_9, %dma_wait3A_29] : memref<10240x24xf32, #tpu.memory_space<vmem_shared>> -> memref<128x24xf32, #tpu.memory_space<vmem_shared>>
      tpu.wait_dma2 semaphore(%run_scoped3A : memref<!tpu.dma_semaphore, #tpu.memory_space<semaphore_mem>>) src(%arg9 : memref<128x24xf32, #tpu.memory_space<vmem>>) dst(%dma_wait3A_30 : memref<128x24xf32, #tpu.memory_space<vmem_shared>>)
      tpu.yield
    }) : () -> ()
    %mul3A_10 = arith.constant 640 : i32
    %mul3A_11 = arith.muli %arg1, %mul3A_10 : i32
    %add3A_12 = arith.constant 384 : i32
    %add3A_13 = arith.addi %mul3A_11, %add3A_12 : i32
    "tpu.region"() ({
      %run_scoped3A = tpu.sem_alloc : memref<!tpu.dma_semaphore, #tpu.memory_space<semaphore_mem>>
      %dma_start3A = arith.constant 0 : i32
      %dma_start3A_25 = tpu.memref_slice %arg11[%add3A_13, %dma_start3A] : memref<10240x24xf32, #tpu.memory_space<vmem_shared>> -> memref<128x24xf32, #tpu.memory_space<vmem_shared>>
      %dma_start3A_26 = arith.constant 0 : i32
      %dma_start3A_27 = tpu.memref_slice %arg11[%add3A_13, %dma_start3A_26] : memref<10240x24xf32, #tpu.memory_space<vmem_shared>> -> memref<128x24xf32, #tpu.memory_space<vmem_shared>>
      tpu.enqueue_dma source(%arg9 : memref<128x24xf32, #tpu.memory_space<vmem>>) target(%dma_start3A_27 : memref<128x24xf32, #tpu.memory_space<vmem_shared>>) target_semaphore(%run_scoped3A : memref<!tpu.dma_semaphore, #tpu.memory_space<semaphore_mem>>)
      %dma_wait3A = arith.constant 0 : i32
      %dma_wait3A_28 = tpu.memref_slice %arg11[%add3A_13, %dma_wait3A] : memref<10240x24xf32, #tpu.memory_space<vmem_shared>> -> memref<128x24xf32, #tpu.memory_space<vmem_shared>>
      %dma_wait3A_29 = arith.constant 0 : i32
      %dma_wait3A_30 = tpu.memref_slice %arg11[%add3A_13, %dma_wait3A_29] : memref<10240x24xf32, #tpu.memory_space<vmem_shared>> -> memref<128x24xf32, #tpu.memory_space<vmem_shared>>
      tpu.wait_dma2 semaphore(%run_scoped3A : memref<!tpu.dma_semaphore, #tpu.memory_space<semaphore_mem>>) src(%arg9 : memref<128x24xf32, #tpu.memory_space<vmem>>) dst(%dma_wait3A_30 : memref<128x24xf32, #tpu.memory_space<vmem_shared>>)
      tpu.yield
    }) : () -> ()
    %mul3A_14 = arith.constant 640 : i32
    %mul3A_15 = arith.muli %arg1, %mul3A_14 : i32
    %add3A_16 = arith.constant 512 : i32
    %add3A_17 = arith.addi %mul3A_15, %add3A_16 : i32
    "tpu.region"() ({
      %run_scoped3A = tpu.sem_alloc : memref<!tpu.dma_semaphore, #tpu.memory_space<semaphore_mem>>
      %dma_start3A = arith.constant 0 : i32
      %dma_start3A_25 = tpu.memref_slice %arg11[%add3A_17, %dma_start3A] : memref<10240x24xf32, #tpu.memory_space<vmem_shared>> -> memref<128x24xf32, #tpu.memory_space<vmem_shared>>
      %dma_start3A_26 = arith.constant 0 : i32
      %dma_start3A_27 = tpu.memref_slice %arg11[%add3A_17, %dma_start3A_26] : memref<10240x24xf32, #tpu.memory_space<vmem_shared>> -> memref<128x24xf32, #tpu.memory_space<vmem_shared>>
      tpu.enqueue_dma source(%arg9 : memref<128x24xf32, #tpu.memory_space<vmem>>) target(%dma_start3A_27 : memref<128x24xf32, #tpu.memory_space<vmem_shared>>) target_semaphore(%run_scoped3A : memref<!tpu.dma_semaphore, #tpu.memory_space<semaphore_mem>>)
      %dma_wait3A = arith.constant 0 : i32
      %dma_wait3A_28 = tpu.memref_slice %arg11[%add3A_17, %dma_wait3A] : memref<10240x24xf32, #tpu.memory_space<vmem_shared>> -> memref<128x24xf32, #tpu.memory_space<vmem_shared>>
      %dma_wait3A_29 = arith.constant 0 : i32
      %dma_wait3A_30 = tpu.memref_slice %arg11[%add3A_17, %dma_wait3A_29] : memref<10240x24xf32, #tpu.memory_space<vmem_shared>> -> memref<128x24xf32, #tpu.memory_space<vmem_shared>>
      tpu.wait_dma2 semaphore(%run_scoped3A : memref<!tpu.dma_semaphore, #tpu.memory_space<semaphore_mem>>) src(%arg9 : memref<128x24xf32, #tpu.memory_space<vmem>>) dst(%dma_wait3A_30 : memref<128x24xf32, #tpu.memory_space<vmem_shared>>)
      tpu.yield
    }) : () -> ()
    %barrier3A = arith.constant 0 : index
    tpu.barrier barrier_id(%barrier3A)
    %eq3A = arith.constant 0 : i32
    %eq3A_18 = arith.cmpi eq, %arg0, %eq3A : i32
    %convert_element_type3A = arith.extui %eq3A_18 : i1 to i32
    %cond3A = arith.constant 0 : i32
    %cond3A_19 = arith.cmpi ne, %convert_element_type3A, %cond3A : i32
    scf.if %cond3A_19 {
      %dma_start3A = arith.constant 0 : i32
      %dma_start3A_25 = arith.constant 0 : i32
      %dma_start3A_26 = arith.constant 0 : i32
      %dma_start3A_27 = tpu.memref_slice %arg7[%dma_start3A_25, %dma_start3A_26] : memref<158x128xi32, #tpu.memory_space<vmem>> -> memref<1x128xi32, #tpu.memory_space<vmem>>
      %dma_start3A_28 = tpu.memref_squeeze %dma_start3A_27 : memref<1x128xi32, #tpu.memory_space<vmem>> -> memref<128xi32, #tpu.memory_space<vmem>>
      %dma_start3A_29 = arith.constant 0 : i32
      %dma_start3A_30 = arith.constant 0 : i32
      %dma_start3A_31 = tpu.memref_slice %arg2[%dma_start3A, %dma_start3A_29, %dma_start3A_30] : memref<2x10000x24xf32, #tpu.memory_space<hbm>> -> memref<1x10000x24xf32, #tpu.memory_space<hbm>>
      %dma_start3A_32 = tpu.memref_squeeze %dma_start3A_31 : memref<1x10000x24xf32, #tpu.memory_space<hbm>> -> memref<10000x24xf32, #tpu.memory_space<hbm>>
      %dma_start3A_33 = arith.constant 0 : i32
      %dma_start3A_34 = arith.constant 0 : i32
      %dma_start3A_35 = tpu.memref_slice %dma_start3A_32[%dma_start3A_33, %dma_start3A_34] : memref<10000x24xf32, #tpu.memory_space<hbm>> -> memref<10000x24xf32, #tpu.memory_space<hbm>>
      tpu.enqueue_indirect_dma source(%dma_start3A_35 : memref<10000x24xf32, #tpu.memory_space<hbm>>) target(%arg9 : memref<128x24xf32, #tpu.memory_space<vmem>>) offsets(%dma_start3A_28 : memref<128xi32, #tpu.memory_space<vmem>>) semaphore(%arg12 : memref<!tpu.dma_semaphore, #tpu.memory_space<semaphore_mem>>)
      %dma_start3A_36 = arith.constant 0 : i32
      %dma_start3A_37 = arith.constant 1 : i32
      %dma_start3A_38 = arith.constant 0 : i32
      %dma_start3A_39 = tpu.memref_slice %arg7[%dma_start3A_37, %dma_start3A_38] : memref<158x128xi32, #tpu.memory_space<vmem>> -> memref<1x128xi32, #tpu.memory_space<vmem>>
      %dma_start3A_40 = tpu.memref_squeeze %dma_start3A_39 : memref<1x128xi32, #tpu.memory_space<vmem>> -> memref<128xi32, #tpu.memory_space<vmem>>
      %dma_start3A_41 = arith.constant 0 : i32
      %dma_start3A_42 = arith.constant 0 : i32
      %dma_start3A_43 = tpu.memref_slice %arg2[%dma_start3A_36, %dma_start3A_41, %dma_start3A_42] : memref<2x10000x24xf32, #tpu.memory_space<hbm>> -> memref<1x10000x24xf32, #tpu.memory_space<hbm>>
      %dma_start3A_44 = tpu.memref_squeeze %dma_start3A_43 : memref<1x10000x24xf32, #tpu.memory_space<hbm>> -> memref<10000x24xf32, #tpu.memory_space<hbm>>
      %dma_start3A_45 = arith.constant 0 : i32
      %dma_start3A_46 = arith.constant 0 : i32
      %dma_start3A_47 = tpu.memref_slice %dma_start3A_44[%dma_start3A_45, %dma_start3A_46] : memref<10000x24xf32, #tpu.memory_space<hbm>> -> memref<10000x24xf32, #tpu.memory_space<hbm>>
      tpu.enqueue_indirect_dma source(%dma_start3A_47 : memref<10000x24xf32, #tpu.memory_space<hbm>>) target(%arg10 : memref<128x24xf32, #tpu.memory_space<vmem>>) offsets(%dma_start3A_40 : memref<128xi32, #tpu.memory_space<vmem>>) semaphore(%arg13 : memref<!tpu.dma_semaphore, #tpu.memory_space<semaphore_mem>>)
      %scan3A = arith.constant 0 : i32
      %scan3A_48 = arith.constant 0 : i32
      %scan3A_49 = arith.constant 0 : i32
      %scan3A_50 = arith.constant 79 : i32
      %scan3A_51 = arith.addi %scan3A_49, %scan3A_50 : i32
      %scan3A_52 = arith.constant 1 : i32
      scf.for %scan3A_92 = %scan3A_49 to %scan3A_51 step %scan3A_52  : i32 {
        %mul3A_93 = arith.constant 2 : i32
        %mul3A_94 = arith.muli %mul3A_93, %scan3A_92 : i32
        %dma_wait3A_95 = arith.constant 0 : i32
        %dma_wait3A_96 = tpu.memref_slice %arg7[%mul3A_94, %dma_wait3A_95] : memref<158x128xi32, #tpu.memory_space<vmem>> -> memref<1x128xi32, #tpu.memory_space<vmem>>
        %dma_wait3A_97 = tpu.memref_squeeze %dma_wait3A_96 : memref<1x128xi32, #tpu.memory_space<vmem>> -> memref<128xi32, #tpu.memory_space<vmem>>
        %dma_wait3A_98 = arith.constant 0 : i32
        %dma_wait3A_99 = arith.constant 0 : i32
        %dma_wait3A_100 = tpu.memref_slice %arg2[%scan3A_48, %dma_wait3A_98, %dma_wait3A_99] : memref<2x10000x24xf32, #tpu.memory_space<hbm>> -> memref<1x10000x24xf32, #tpu.memory_space<hbm>>
        %dma_wait3A_101 = tpu.memref_squeeze %dma_wait3A_100 : memref<1x10000x24xf32, #tpu.memory_space<hbm>> -> memref<10000x24xf32, #tpu.memory_space<hbm>>
        %dma_wait3A_102 = arith.constant 0 : i32
        %dma_wait3A_103 = arith.constant 0 : i32
        %dma_wait3A_104 = tpu.memref_slice %dma_wait3A_101[%dma_wait3A_102, %dma_wait3A_103] : memref<10000x24xf32, #tpu.memory_space<hbm>> -> memref<10000x24xf32, #tpu.memory_space<hbm>>
        tpu.wait_indirect_dma semaphore(%arg12 : memref<!tpu.dma_semaphore, #tpu.memory_space<semaphore_mem>>) src(%dma_wait3A_104 : memref<10000x24xf32, #tpu.memory_space<hbm>>) dst(%arg9 : memref<128x24xf32, #tpu.memory_space<vmem>>)
        %dma_start3A_105 = arith.constant 0 : i32
        %dma_start3A_106 = tpu.memref_slice %arg8[%mul3A_94, %dma_start3A_105] : memref<158x128xi32, #tpu.memory_space<vmem>> -> memref<1x128xi32, #tpu.memory_space<vmem>>
        %dma_start3A_107 = tpu.memref_squeeze %dma_start3A_106 : memref<1x128xi32, #tpu.memory_space<vmem>> -> memref<128xi32, #tpu.memory_space<vmem>>
        %dma_start3A_108 = arith.constant 0 : i32
        %dma_start3A_109 = arith.constant 0 : i32
        %dma_start3A_110 = tpu.memref_slice %arg11[%dma_start3A_108, %dma_start3A_109] : memref<10240x24xf32, #tpu.memory_space<vmem_shared>> -> memref<10240x24xf32, #tpu.memory_space<vmem_shared>>
        tpu.enqueue_indirect_dma source(%arg9 : memref<128x24xf32, #tpu.memory_space<vmem>>) target(%dma_start3A_110 : memref<10240x24xf32, #tpu.memory_space<vmem_shared>>) offsets(%dma_start3A_107 : memref<128xi32, #tpu.memory_space<vmem>>) semaphore(%arg14 : memref<!tpu.dma_semaphore, #tpu.memory_space<semaphore_mem>>) {add = true}
        %add3A_111 = arith.constant 2 : i32
        %add3A_112 = arith.addi %mul3A_94, %add3A_111 : i32
        %lt3A = arith.constant 158 : i32
        %lt3A_113 = arith.cmpi slt, %add3A_112, %lt3A : i32
        %convert_element_type3A_114 = arith.extui %lt3A_113 : i1 to i32
        %cond3A_115 = arith.constant 0 : i32
        %cond3A_116 = arith.cmpi ne, %convert_element_type3A_114, %cond3A_115 : i32
        scf.if %cond3A_116 {
          %dma_wait3A_144 = arith.constant 0 : i32
          %dma_wait3A_145 = tpu.memref_slice %arg8[%mul3A_94, %dma_wait3A_144] : memref<158x128xi32, #tpu.memory_space<vmem>> -> memref<1x128xi32, #tpu.memory_space<vmem>>
          %dma_wait3A_146 = tpu.memref_squeeze %dma_wait3A_145 : memref<1x128xi32, #tpu.memory_space<vmem>> -> memref<128xi32, #tpu.memory_space<vmem>>
          %dma_wait3A_147 = arith.constant 0 : i32
          %dma_wait3A_148 = arith.constant 0 : i32
          %dma_wait3A_149 = tpu.memref_slice %arg11[%dma_wait3A_147, %dma_wait3A_148] : memref<10240x24xf32, #tpu.memory_space<vmem_shared>> -> memref<10240x24xf32, #tpu.memory_space<vmem_shared>>
          tpu.wait_indirect_dma semaphore(%arg14 : memref<!tpu.dma_semaphore, #tpu.memory_space<semaphore_mem>>) src(%arg9 : memref<128x24xf32, #tpu.memory_space<vmem>>) dst(%dma_wait3A_149 : memref<10240x24xf32, #tpu.memory_space<vmem_shared>>)
          %add3A_150 = arith.constant 2 : i32
          %add3A_151 = arith.addi %mul3A_94, %add3A_150 : i32
          %dma_start3A_152 = arith.constant 0 : i32
          %dma_start3A_153 = tpu.memref_slice %arg7[%add3A_151, %dma_start3A_152] : memref<158x128xi32, #tpu.memory_space<vmem>> -> memref<1x128xi32, #tpu.memory_space<vmem>>
          %dma_start3A_154 = tpu.memref_squeeze %dma_start3A_153 : memref<1x128xi32, #tpu.memory_space<vmem>> -> memref<128xi32, #tpu.memory_space<vmem>>
          %dma_start3A_155 = arith.constant 0 : i32
          %dma_start3A_156 = arith.constant 0 : i32
          %dma_start3A_157 = tpu.memref_slice %arg2[%scan3A_48, %dma_start3A_155, %dma_start3A_156] : memref<2x10000x24xf32, #tpu.memory_space<hbm>> -> memref<1x10000x24xf32, #tpu.memory_space<hbm>>
          %dma_start3A_158 = tpu.memref_squeeze %dma_start3A_157 : memref<1x10000x24xf32, #tpu.memory_space<hbm>> -> memref<10000x24xf32, #tpu.memory_space<hbm>>
          %dma_start3A_159 = arith.constant 0 : i32
          %dma_start3A_160 = arith.constant 0 : i32
          %dma_start3A_161 = tpu.memref_slice %dma_start3A_158[%dma_start3A_159, %dma_start3A_160] : memref<10000x24xf32, #tpu.memory_space<hbm>> -> memref<10000x24xf32, #tpu.memory_space<hbm>>
          tpu.enqueue_indirect_dma source(%dma_start3A_161 : memref<10000x24xf32, #tpu.memory_space<hbm>>) target(%arg9 : memref<128x24xf32, #tpu.memory_space<vmem>>) offsets(%dma_start3A_154 : memref<128xi32, #tpu.memory_space<vmem>>) semaphore(%arg12 : memref<!tpu.dma_semaphore, #tpu.memory_space<semaphore_mem>>)
        } else {
        }
        %add3A_117 = arith.constant 1 : i32
        %add3A_118 = arith.addi %mul3A_94, %add3A_117 : i32
        %dma_wait3A_119 = arith.constant 0 : i32
        %dma_wait3A_120 = tpu.memref_slice %arg7[%add3A_118, %dma_wait3A_119] : memref<158x128xi32, #tpu.memory_space<vmem>> -> memref<1x128xi32, #tpu.memory_space<vmem>>
        %dma_wait3A_121 = tpu.memref_squeeze %dma_wait3A_120 : memref<1x128xi32, #tpu.memory_space<vmem>> -> memref<128xi32, #tpu.memory_space<vmem>>
        %dma_wait3A_122 = arith.constant 0 : i32
        %dma_wait3A_123 = arith.constant 0 : i32
        %dma_wait3A_124 = tpu.memref_slice %arg2[%scan3A_48, %dma_wait3A_122, %dma_wait3A_123] : memref<2x10000x24xf32, #tpu.memory_space<hbm>> -> memref<1x10000x24xf32, #tpu.memory_space<hbm>>
        %dma_wait3A_125 = tpu.memref_squeeze %dma_wait3A_124 : memref<1x10000x24xf32, #tpu.memory_space<hbm>> -> memref<10000x24xf32, #tpu.memory_space<hbm>>
        %dma_wait3A_126 = arith.constant 0 : i32
        %dma_wait3A_127 = arith.constant 0 : i32
        %dma_wait3A_128 = tpu.memref_slice %dma_wait3A_125[%dma_wait3A_126, %dma_wait3A_127] : memref<10000x24xf32, #tpu.memory_space<hbm>> -> memref<10000x24xf32, #tpu.memory_space<hbm>>
        tpu.wait_indirect_dma semaphore(%arg13 : memref<!tpu.dma_semaphore, #tpu.memory_space<semaphore_mem>>) src(%dma_wait3A_128 : memref<10000x24xf32, #tpu.memory_space<hbm>>) dst(%arg10 : memref<128x24xf32, #tpu.memory_space<vmem>>)
        %add3A_129 = arith.constant 1 : i32
        %add3A_130 = arith.addi %mul3A_94, %add3A_129 : i32
        %dma_start3A_131 = arith.constant 0 : i32
        %dma_start3A_132 = tpu.memref_slice %arg8[%add3A_130, %dma_start3A_131] : memref<158x128xi32, #tpu.memory_space<vmem>> -> memref<1x128xi32, #tpu.memory_space<vmem>>
        %dma_start3A_133 = tpu.memref_squeeze %dma_start3A_132 : memref<1x128xi32, #tpu.memory_space<vmem>> -> memref<128xi32, #tpu.memory_space<vmem>>
        %dma_start3A_134 = arith.constant 0 : i32
        %dma_start3A_135 = arith.constant 0 : i32
        %dma_start3A_136 = tpu.memref_slice %arg11[%dma_start3A_134, %dma_start3A_135] : memref<10240x24xf32, #tpu.memory_space<vmem_shared>> -> memref<10240x24xf32, #tpu.memory_space<vmem_shared>>
        tpu.enqueue_indirect_dma source(%arg10 : memref<128x24xf32, #tpu.memory_space<vmem>>) target(%dma_start3A_136 : memref<10240x24xf32, #tpu.memory_space<vmem_shared>>) offsets(%dma_start3A_133 : memref<128xi32, #tpu.memory_space<vmem>>) semaphore(%arg15 : memref<!tpu.dma_semaphore, #tpu.memory_space<semaphore_mem>>) {add = true}
        %add3A_137 = arith.constant 3 : i32
        %add3A_138 = arith.addi %mul3A_94, %add3A_137 : i32
        %lt3A_139 = arith.constant 158 : i32
        %lt3A_140 = arith.cmpi slt, %add3A_138, %lt3A_139 : i32
        %convert_element_type3A_141 = arith.extui %lt3A_140 : i1 to i32
        %cond3A_142 = arith.constant 0 : i32
        %cond3A_143 = arith.cmpi ne, %convert_element_type3A_141, %cond3A_142 : i32
        scf.if %cond3A_143 {
          %add3A_144 = arith.constant 1 : i32
          %add3A_145 = arith.addi %mul3A_94, %add3A_144 : i32
          %dma_wait3A_146 = arith.constant 0 : i32
          %dma_wait3A_147 = tpu.memref_slice %arg8[%add3A_145, %dma_wait3A_146] : memref<158x128xi32, #tpu.memory_space<vmem>> -> memref<1x128xi32, #tpu.memory_space<vmem>>
          %dma_wait3A_148 = tpu.memref_squeeze %dma_wait3A_147 : memref<1x128xi32, #tpu.memory_space<vmem>> -> memref<128xi32, #tpu.memory_space<vmem>>
          %dma_wait3A_149 = arith.constant 0 : i32
          %dma_wait3A_150 = arith.constant 0 : i32
          %dma_wait3A_151 = tpu.memref_slice %arg11[%dma_wait3A_149, %dma_wait3A_150] : memref<10240x24xf32, #tpu.memory_space<vmem_shared>> -> memref<10240x24xf32, #tpu.memory_space<vmem_shared>>
          tpu.wait_indirect_dma semaphore(%arg15 : memref<!tpu.dma_semaphore, #tpu.memory_space<semaphore_mem>>) src(%arg10 : memref<128x24xf32, #tpu.memory_space<vmem>>) dst(%dma_wait3A_151 : memref<10240x24xf32, #tpu.memory_space<vmem_shared>>)
          %add3A_152 = arith.constant 3 : i32
          %add3A_153 = arith.addi %mul3A_94, %add3A_152 : i32
          %dma_start3A_154 = arith.constant 0 : i32
          %dma_start3A_155 = tpu.memref_slice %arg7[%add3A_153, %dma_start3A_154] : memref<158x128xi32, #tpu.memory_space<vmem>> -> memref<1x128xi32, #tpu.memory_space<vmem>>
          %dma_start3A_156 = tpu.memref_squeeze %dma_start3A_155 : memref<1x128xi32, #tpu.memory_space<vmem>> -> memref<128xi32, #tpu.memory_space<vmem>>
          %dma_start3A_157 = arith.constant 0 : i32
          %dma_start3A_158 = arith.constant 0 : i32
          %dma_start3A_159 = tpu.memref_slice %arg2[%scan3A_48, %dma_start3A_157, %dma_start3A_158] : memref<2x10000x24xf32, #tpu.memory_space<hbm>> -> memref<1x10000x24xf32, #tpu.memory_space<hbm>>
          %dma_start3A_160 = tpu.memref_squeeze %dma_start3A_159 : memref<1x10000x24xf32, #tpu.memory_space<hbm>> -> memref<10000x24xf32, #tpu.memory_space<hbm>>
          %dma_start3A_161 = arith.constant 0 : i32
          %dma_start3A_162 = arith.constant 0 : i32
          %dma_start3A_163 = tpu.memref_slice %dma_start3A_160[%dma_start3A_161, %dma_start3A_162] : memref<10000x24xf32, #tpu.memory_space<hbm>> -> memref<10000x24xf32, #tpu.memory_space<hbm>>
          tpu.enqueue_indirect_dma source(%dma_start3A_163 : memref<10000x24xf32, #tpu.memory_space<hbm>>) target(%arg10 : memref<128x24xf32, #tpu.memory_space<vmem>>) offsets(%dma_start3A_156 : memref<128xi32, #tpu.memory_space<vmem>>) semaphore(%arg13 : memref<!tpu.dma_semaphore, #tpu.memory_space<semaphore_mem>>)
        } else {
        }
      }
      %scan3A_53 = arith.constant 79 : i32
      %dma_wait3A = arith.constant 156 : i32
      %dma_wait3A_54 = arith.constant 0 : i32
      %dma_wait3A_55 = tpu.memref_slice %arg8[%dma_wait3A, %dma_wait3A_54] : memref<158x128xi32, #tpu.memory_space<vmem>> -> memref<1x128xi32, #tpu.memory_space<vmem>>
      %dma_wait3A_56 = tpu.memref_squeeze %dma_wait3A_55 : memref<1x128xi32, #tpu.memory_space<vmem>> -> memref<128xi32, #tpu.memory_space<vmem>>
      %dma_wait3A_57 = arith.constant 0 : i32
      %dma_wait3A_58 = arith.constant 0 : i32
      %dma_wait3A_59 = tpu.memref_slice %arg11[%dma_wait3A_57, %dma_wait3A_58] : memref<10240x24xf32, #tpu.memory_space<vmem_shared>> -> memref<10240x24xf32, #tpu.memory_space<vmem_shared>>
      tpu.wait_indirect_dma semaphore(%arg14 : memref<!tpu.dma_semaphore, #tpu.memory_space<semaphore_mem>>) src(%arg9 : memref<128x24xf32, #tpu.memory_space<vmem>>) dst(%dma_wait3A_59 : memref<10240x24xf32, #tpu.memory_space<vmem_shared>>)
      %dma_wait3A_60 = arith.constant 157 : i32
      %dma_wait3A_61 = arith.constant 0 : i32
      %dma_wait3A_62 = tpu.memref_slice %arg8[%dma_wait3A_60, %dma_wait3A_61] : memref<158x128xi32, #tpu.memory_space<vmem>> -> memref<1x128xi32, #tpu.memory_space<vmem>>
      %dma_wait3A_63 = tpu.memref_squeeze %dma_wait3A_62 : memref<1x128xi32, #tpu.memory_space<vmem>> -> memref<128xi32, #tpu.memory_space<vmem>>
      %dma_wait3A_64 = arith.constant 0 : i32
      %dma_wait3A_65 = arith.constant 0 : i32
      %dma_wait3A_66 = tpu.memref_slice %arg11[%dma_wait3A_64, %dma_wait3A_65] : memref<10240x24xf32, #tpu.memory_space<vmem_shared>> -> memref<10240x24xf32, #tpu.memory_space<vmem_shared>>
      tpu.wait_indirect_dma semaphore(%arg15 : memref<!tpu.dma_semaphore, #tpu.memory_space<semaphore_mem>>) src(%arg10 : memref<128x24xf32, #tpu.memory_space<vmem>>) dst(%dma_wait3A_66 : memref<10240x24xf32, #tpu.memory_space<vmem_shared>>)
      %barrier3A_67 = arith.constant 0 : index
      tpu.barrier barrier_id(%barrier3A_67)
      %mul3A_68 = arith.constant 640 : i32
      %mul3A_69 = arith.muli %arg1, %mul3A_68 : i32
      %add3A_70 = arith.constant 0 : i32
      %add3A_71 = arith.addi %mul3A_69, %add3A_70 : i32
      %run_scoped3A = arith.constant 0 : i32
      "tpu.region"() ({
        %run_scoped3A_92 = tpu.sem_alloc : memref<!tpu.dma_semaphore, #tpu.memory_space<semaphore_mem>>
        %dma_start3A_93 = arith.constant 0 : i32
        %dma_start3A_94 = arith.constant 0 : i32
        %dma_start3A_95 = tpu.memref_slice %arg6[%run_scoped3A, %dma_start3A_93, %dma_start3A_94] : memref<2x10240x24xf32, #tpu.memory_space<hbm>> -> memref<1x10240x24xf32, #tpu.memory_space<hbm>>
        %dma_start3A_96 = tpu.memref_squeeze %dma_start3A_95 : memref<1x10240x24xf32, #tpu.memory_space<hbm>> -> memref<10240x24xf32, #tpu.memory_space<hbm>>
        %dma_start3A_97 = arith.constant 0 : i32
        %dma_start3A_98 = tpu.memref_slice %dma_start3A_96[%add3A_71, %dma_start3A_97] : memref<10240x24xf32, #tpu.memory_space<hbm>> -> memref<128x24xf32, #tpu.memory_space<hbm>>
        %dma_start3A_99 = arith.constant 0 : i32
        %dma_start3A_100 = tpu.memref_slice %arg11[%add3A_71, %dma_start3A_99] : memref<10240x24xf32, #tpu.memory_space<vmem_shared>> -> memref<128x24xf32, #tpu.memory_space<vmem_shared>>
        tpu.enqueue_dma source(%dma_start3A_100 : memref<128x24xf32, #tpu.memory_space<vmem_shared>>) target(%dma_start3A_98 : memref<128x24xf32, #tpu.memory_space<hbm>>) target_semaphore(%run_scoped3A_92 : memref<!tpu.dma_semaphore, #tpu.memory_space<semaphore_mem>>)
        %dma_wait3A_101 = arith.constant 0 : i32
        %dma_wait3A_102 = arith.constant 0 : i32
        %dma_wait3A_103 = tpu.memref_slice %arg6[%run_scoped3A, %dma_wait3A_101, %dma_wait3A_102] : memref<2x10240x24xf32, #tpu.memory_space<hbm>> -> memref<1x10240x24xf32, #tpu.memory_space<hbm>>
        %dma_wait3A_104 = tpu.memref_squeeze %dma_wait3A_103 : memref<1x10240x24xf32, #tpu.memory_space<hbm>> -> memref<10240x24xf32, #tpu.memory_space<hbm>>
        %dma_wait3A_105 = arith.constant 0 : i32
        %dma_wait3A_106 = tpu.memref_slice %dma_wait3A_104[%add3A_71, %dma_wait3A_105] : memref<10240x24xf32, #tpu.memory_space<hbm>> -> memref<128x24xf32, #tpu.memory_space<hbm>>
        %dma_wait3A_107 = arith.constant 0 : i32
        %dma_wait3A_108 = tpu.memref_slice %arg11[%add3A_71, %dma_wait3A_107] : memref<10240x24xf32, #tpu.memory_space<vmem_shared>> -> memref<128x24xf32, #tpu.memory_space<vmem_shared>>
        tpu.wait_dma2 semaphore(%run_scoped3A_92 : memref<!tpu.dma_semaphore, #tpu.memory_space<semaphore_mem>>) src(%dma_wait3A_108 : memref<128x24xf32, #tpu.memory_space<vmem_shared>>) dst(%dma_wait3A_106 : memref<128x24xf32, #tpu.memory_space<hbm>>)
        tpu.yield
      }) : () -> ()
      %mul3A_72 = arith.constant 640 : i32
      %mul3A_73 = arith.muli %arg1, %mul3A_72 : i32
      %add3A_74 = arith.constant 128 : i32
      %add3A_75 = arith.addi %mul3A_73, %add3A_74 : i32
      %run_scoped3A_76 = arith.constant 0 : i32
      "tpu.region"() ({
        %run_scoped3A_92 = tpu.sem_alloc : memref<!tpu.dma_semaphore, #tpu.memory_space<semaphore_mem>>
        %dma_start3A_93 = arith.constant 0 : i32
        %dma_start3A_94 = arith.constant 0 : i32
        %dma_start3A_95 = tpu.memref_slice %arg6[%run_scoped3A_76, %dma_start3A_93, %dma_start3A_94] : memref<2x10240x24xf32, #tpu.memory_space<hbm>> -> memref<1x10240x24xf32, #tpu.memory_space<hbm>>
        %dma_start3A_96 = tpu.memref_squeeze %dma_start3A_95 : memref<1x10240x24xf32, #tpu.memory_space<hbm>> -> memref<10240x24xf32, #tpu.memory_space<hbm>>
        %dma_start3A_97 = arith.constant 0 : i32
        %dma_start3A_98 = tpu.memref_slice %dma_start3A_96[%add3A_75, %dma_start3A_97] : memref<10240x24xf32, #tpu.memory_space<hbm>> -> memref<128x24xf32, #tpu.memory_space<hbm>>
        %dma_start3A_99 = arith.constant 0 : i32
        %dma_start3A_100 = tpu.memref_slice %arg11[%add3A_75, %dma_start3A_99] : memref<10240x24xf32, #tpu.memory_space<vmem_shared>> -> memref<128x24xf32, #tpu.memory_space<vmem_shared>>
        tpu.enqueue_dma source(%dma_start3A_100 : memref<128x24xf32, #tpu.memory_space<vmem_shared>>) target(%dma_start3A_98 : memref<128x24xf32, #tpu.memory_space<hbm>>) target_semaphore(%run_scoped3A_92 : memref<!tpu.dma_semaphore, #tpu.memory_space<semaphore_mem>>)
        %dma_wait3A_101 = arith.constant 0 : i32
        %dma_wait3A_102 = arith.constant 0 : i32
        %dma_wait3A_103 = tpu.memref_slice %arg6[%run_scoped3A_76, %dma_wait3A_101, %dma_wait3A_102] : memref<2x10240x24xf32, #tpu.memory_space<hbm>> -> memref<1x10240x24xf32, #tpu.memory_space<hbm>>
        %dma_wait3A_104 = tpu.memref_squeeze %dma_wait3A_103 : memref<1x10240x24xf32, #tpu.memory_space<hbm>> -> memref<10240x24xf32, #tpu.memory_space<hbm>>
        %dma_wait3A_105 = arith.constant 0 : i32
        %dma_wait3A_106 = tpu.memref_slice %dma_wait3A_104[%add3A_75, %dma_wait3A_105] : memref<10240x24xf32, #tpu.memory_space<hbm>> -> memref<128x24xf32, #tpu.memory_space<hbm>>
        %dma_wait3A_107 = arith.constant 0 : i32
        %dma_wait3A_108 = tpu.memref_slice %arg11[%add3A_75, %dma_wait3A_107] : memref<10240x24xf32, #tpu.memory_space<vmem_shared>> -> memref<128x24xf32, #tpu.memory_space<vmem_shared>>
        tpu.wait_dma2 semaphore(%run_scoped3A_92 : memref<!tpu.dma_semaphore, #tpu.memory_space<semaphore_mem>>) src(%dma_wait3A_108 : memref<128x24xf32, #tpu.memory_space<vmem_shared>>) dst(%dma_wait3A_106 : memref<128x24xf32, #tpu.memory_space<hbm>>)
        tpu.yield
      }) : () -> ()
      %mul3A_77 = arith.constant 640 : i32
      %mul3A_78 = arith.muli %arg1, %mul3A_77 : i32
      %add3A_79 = arith.constant 256 : i32
      %add3A_80 = arith.addi %mul3A_78, %add3A_79 : i32
      %run_scoped3A_81 = arith.constant 0 : i32
      "tpu.region"() ({
        %run_scoped3A_92 = tpu.sem_alloc : memref<!tpu.dma_semaphore, #tpu.memory_space<semaphore_mem>>
        %dma_start3A_93 = arith.constant 0 : i32
        %dma_start3A_94 = arith.constant 0 : i32
        %dma_start3A_95 = tpu.memref_slice %arg6[%run_scoped3A_81, %dma_start3A_93, %dma_start3A_94] : memref<2x10240x24xf32, #tpu.memory_space<hbm>> -> memref<1x10240x24xf32, #tpu.memory_space<hbm>>
        %dma_start3A_96 = tpu.memref_squeeze %dma_start3A_95 : memref<1x10240x24xf32, #tpu.memory_space<hbm>> -> memref<10240x24xf32, #tpu.memory_space<hbm>>
        %dma_start3A_97 = arith.constant 0 : i32
        %dma_start3A_98 = tpu.memref_slice %dma_start3A_96[%add3A_80, %dma_start3A_97] : memref<10240x24xf32, #tpu.memory_space<hbm>> -> memref<128x24xf32, #tpu.memory_space<hbm>>
        %dma_start3A_99 = arith.constant 0 : i32
        %dma_start3A_100 = tpu.memref_slice %arg11[%add3A_80, %dma_start3A_99] : memref<10240x24xf32, #tpu.memory_space<vmem_shared>> -> memref<128x24xf32, #tpu.memory_space<vmem_shared>>
        tpu.enqueue_dma source(%dma_start3A_100 : memref<128x24xf32, #tpu.memory_space<vmem_shared>>) target(%dma_start3A_98 : memref<128x24xf32, #tpu.memory_space<hbm>>) target_semaphore(%run_scoped3A_92 : memref<!tpu.dma_semaphore, #tpu.memory_space<semaphore_mem>>)
        %dma_wait3A_101 = arith.constant 0 : i32
        %dma_wait3A_102 = arith.constant 0 : i32
        %dma_wait3A_103 = tpu.memref_slice %arg6[%run_scoped3A_81, %dma_wait3A_101, %dma_wait3A_102] : memref<2x10240x24xf32, #tpu.memory_space<hbm>> -> memref<1x10240x24xf32, #tpu.memory_space<hbm>>
        %dma_wait3A_104 = tpu.memref_squeeze %dma_wait3A_103 : memref<1x10240x24xf32, #tpu.memory_space<hbm>> -> memref<10240x24xf32, #tpu.memory_space<hbm>>
        %dma_wait3A_105 = arith.constant 0 : i32
        %dma_wait3A_106 = tpu.memref_slice %dma_wait3A_104[%add3A_80, %dma_wait3A_105] : memref<10240x24xf32, #tpu.memory_space<hbm>> -> memref<128x24xf32, #tpu.memory_space<hbm>>
        %dma_wait3A_107 = arith.constant 0 : i32
        %dma_wait3A_108 = tpu.memref_slice %arg11[%add3A_80, %dma_wait3A_107] : memref<10240x24xf32, #tpu.memory_space<vmem_shared>> -> memref<128x24xf32, #tpu.memory_space<vmem_shared>>
        tpu.wait_dma2 semaphore(%run_scoped3A_92 : memref<!tpu.dma_semaphore, #tpu.memory_space<semaphore_mem>>) src(%dma_wait3A_108 : memref<128x24xf32, #tpu.memory_space<vmem_shared>>) dst(%dma_wait3A_106 : memref<128x24xf32, #tpu.memory_space<hbm>>)
        tpu.yield
      }) : () -> ()
      %mul3A_82 = arith.constant 640 : i32
      %mul3A_83 = arith.muli %arg1, %mul3A_82 : i32
      %add3A_84 = arith.constant 384 : i32
      %add3A_85 = arith.addi %mul3A_83, %add3A_84 : i32
      %run_scoped3A_86 = arith.constant 0 : i32
      "tpu.region"() ({
        %run_scoped3A_92 = tpu.sem_alloc : memref<!tpu.dma_semaphore, #tpu.memory_space<semaphore_mem>>
        %dma_start3A_93 = arith.constant 0 : i32
        %dma_start3A_94 = arith.constant 0 : i32
        %dma_start3A_95 = tpu.memref_slice %arg6[%run_scoped3A_86, %dma_start3A_93, %dma_start3A_94] : memref<2x10240x24xf32, #tpu.memory_space<hbm>> -> memref<1x10240x24xf32, #tpu.memory_space<hbm>>
        %dma_start3A_96 = tpu.memref_squeeze %dma_start3A_95 : memref<1x10240x24xf32, #tpu.memory_space<hbm>> -> memref<10240x24xf32, #tpu.memory_space<hbm>>
        %dma_start3A_97 = arith.constant 0 : i32
        %dma_start3A_98 = tpu.memref_slice %dma_start3A_96[%add3A_85, %dma_start3A_97] : memref<10240x24xf32, #tpu.memory_space<hbm>> -> memref<128x24xf32, #tpu.memory_space<hbm>>
        %dma_start3A_99 = arith.constant 0 : i32
        %dma_start3A_100 = tpu.memref_slice %arg11[%add3A_85, %dma_start3A_99] : memref<10240x24xf32, #tpu.memory_space<vmem_shared>> -> memref<128x24xf32, #tpu.memory_space<vmem_shared>>
        tpu.enqueue_dma source(%dma_start3A_100 : memref<128x24xf32, #tpu.memory_space<vmem_shared>>) target(%dma_start3A_98 : memref<128x24xf32, #tpu.memory_space<hbm>>) target_semaphore(%run_scoped3A_92 : memref<!tpu.dma_semaphore, #tpu.memory_space<semaphore_mem>>)
        %dma_wait3A_101 = arith.constant 0 : i32
        %dma_wait3A_102 = arith.constant 0 : i32
        %dma_wait3A_103 = tpu.memref_slice %arg6[%run_scoped3A_86, %dma_wait3A_101, %dma_wait3A_102] : memref<2x10240x24xf32, #tpu.memory_space<hbm>> -> memref<1x10240x24xf32, #tpu.memory_space<hbm>>
        %dma_wait3A_104 = tpu.memref_squeeze %dma_wait3A_103 : memref<1x10240x24xf32, #tpu.memory_space<hbm>> -> memref<10240x24xf32, #tpu.memory_space<hbm>>
        %dma_wait3A_105 = arith.constant 0 : i32
        %dma_wait3A_106 = tpu.memref_slice %dma_wait3A_104[%add3A_85, %dma_wait3A_105] : memref<10240x24xf32, #tpu.memory_space<hbm>> -> memref<128x24xf32, #tpu.memory_space<hbm>>
        %dma_wait3A_107 = arith.constant 0 : i32
        %dma_wait3A_108 = tpu.memref_slice %arg11[%add3A_85, %dma_wait3A_107] : memref<10240x24xf32, #tpu.memory_space<vmem_shared>> -> memref<128x24xf32, #tpu.memory_space<vmem_shared>>
        tpu.wait_dma2 semaphore(%run_scoped3A_92 : memref<!tpu.dma_semaphore, #tpu.memory_space<semaphore_mem>>) src(%dma_wait3A_108 : memref<128x24xf32, #tpu.memory_space<vmem_shared>>) dst(%dma_wait3A_106 : memref<128x24xf32, #tpu.memory_space<hbm>>)
        tpu.yield
      }) : () -> ()
      %mul3A_87 = arith.constant 640 : i32
      %mul3A_88 = arith.muli %arg1, %mul3A_87 : i32
      %add3A_89 = arith.constant 512 : i32
      %add3A_90 = arith.addi %mul3A_88, %add3A_89 : i32
      %run_scoped3A_91 = arith.constant 0 : i32
      "tpu.region"() ({
        %run_scoped3A_92 = tpu.sem_alloc : memref<!tpu.dma_semaphore, #tpu.memory_space<semaphore_mem>>
        %dma_start3A_93 = arith.constant 0 : i32
        %dma_start3A_94 = arith.constant 0 : i32
        %dma_start3A_95 = tpu.memref_slice %arg6[%run_scoped3A_91, %dma_start3A_93, %dma_start3A_94] : memref<2x10240x24xf32, #tpu.memory_space<hbm>> -> memref<1x10240x24xf32, #tpu.memory_space<hbm>>
        %dma_start3A_96 = tpu.memref_squeeze %dma_start3A_95 : memref<1x10240x24xf32, #tpu.memory_space<hbm>> -> memref<10240x24xf32, #tpu.memory_space<hbm>>
        %dma_start3A_97 = arith.constant 0 : i32
        %dma_start3A_98 = tpu.memref_slice %dma_start3A_96[%add3A_90, %dma_start3A_97] : memref<10240x24xf32, #tpu.memory_space<hbm>> -> memref<128x24xf32, #tpu.memory_space<hbm>>
        %dma_start3A_99 = arith.constant 0 : i32
        %dma_start3A_100 = tpu.memref_slice %arg11[%add3A_90, %dma_start3A_99] : memref<10240x24xf32, #tpu.memory_space<vmem_shared>> -> memref<128x24xf32, #tpu.memory_space<vmem_shared>>
        tpu.enqueue_dma source(%dma_start3A_100 : memref<128x24xf32, #tpu.memory_space<vmem_shared>>) target(%dma_start3A_98 : memref<128x24xf32, #tpu.memory_space<hbm>>) target_semaphore(%run_scoped3A_92 : memref<!tpu.dma_semaphore, #tpu.memory_space<semaphore_mem>>)
        %dma_wait3A_101 = arith.constant 0 : i32
        %dma_wait3A_102 = arith.constant 0 : i32
        %dma_wait3A_103 = tpu.memref_slice %arg6[%run_scoped3A_91, %dma_wait3A_101, %dma_wait3A_102] : memref<2x10240x24xf32, #tpu.memory_space<hbm>> -> memref<1x10240x24xf32, #tpu.memory_space<hbm>>
        %dma_wait3A_104 = tpu.memref_squeeze %dma_wait3A_103 : memref<1x10240x24xf32, #tpu.memory_space<hbm>> -> memref<10240x24xf32, #tpu.memory_space<hbm>>
        %dma_wait3A_105 = arith.constant 0 : i32
        %dma_wait3A_106 = tpu.memref_slice %dma_wait3A_104[%add3A_90, %dma_wait3A_105] : memref<10240x24xf32, #tpu.memory_space<hbm>> -> memref<128x24xf32, #tpu.memory_space<hbm>>
        %dma_wait3A_107 = arith.constant 0 : i32
        %dma_wait3A_108 = tpu.memref_slice %arg11[%add3A_90, %dma_wait3A_107] : memref<10240x24xf32, #tpu.memory_space<vmem_shared>> -> memref<128x24xf32, #tpu.memory_space<vmem_shared>>
        tpu.wait_dma2 semaphore(%run_scoped3A_92 : memref<!tpu.dma_semaphore, #tpu.memory_space<semaphore_mem>>) src(%dma_wait3A_108 : memref<128x24xf32, #tpu.memory_space<vmem_shared>>) dst(%dma_wait3A_106 : memref<128x24xf32, #tpu.memory_space<hbm>>)
        tpu.yield
      }) : () -> ()
    } else {
    }
    %eq3A_20 = arith.constant 1 : i32
    %eq3A_21 = arith.cmpi eq, %arg0, %eq3A_20 : i32
    %convert_element_type3A_22 = arith.extui %eq3A_21 : i1 to i32
    %cond3A_23 = arith.constant 0 : i32
    %cond3A_24 = arith.cmpi ne, %convert_element_type3A_22, %cond3A_23 : i32
    scf.if %cond3A_24 {
      %dma_start3A = arith.constant 1 : i32
      %dma_start3A_25 = arith.constant 0 : i32
      %dma_start3A_26 = arith.constant 0 : i32
      %dma_start3A_27 = tpu.memref_slice %arg7[%dma_start3A_25, %dma_start3A_26] : memref<158x128xi32, #tpu.memory_space<vmem>> -> memref<1x128xi32, #tpu.memory_space<vmem>>
      %dma_start3A_28 = tpu.memref_squeeze %dma_start3A_27 : memref<1x128xi32, #tpu.memory_space<vmem>> -> memref<128xi32, #tpu.memory_space<vmem>>
      %dma_start3A_29 = arith.constant 0 : i32
      %dma_start3A_30 = arith.constant 0 : i32
      %dma_start3A_31 = tpu.memref_slice %arg2[%dma_start3A, %dma_start3A_29, %dma_start3A_30] : memref<2x10000x24xf32, #tpu.memory_space<hbm>> -> memref<1x10000x24xf32, #tpu.memory_space<hbm>>
      %dma_start3A_32 = tpu.memref_squeeze %dma_start3A_31 : memref<1x10000x24xf32, #tpu.memory_space<hbm>> -> memref<10000x24xf32, #tpu.memory_space<hbm>>
      %dma_start3A_33 = arith.constant 0 : i32
      %dma_start3A_34 = arith.constant 0 : i32
      %dma_start3A_35 = tpu.memref_slice %dma_start3A_32[%dma_start3A_33, %dma_start3A_34] : memref<10000x24xf32, #tpu.memory_space<hbm>> -> memref<10000x24xf32, #tpu.memory_space<hbm>>
      tpu.enqueue_indirect_dma source(%dma_start3A_35 : memref<10000x24xf32, #tpu.memory_space<hbm>>) target(%arg9 : memref<128x24xf32, #tpu.memory_space<vmem>>) offsets(%dma_start3A_28 : memref<128xi32, #tpu.memory_space<vmem>>) semaphore(%arg12 : memref<!tpu.dma_semaphore, #tpu.memory_space<semaphore_mem>>)
      %dma_start3A_36 = arith.constant 1 : i32
      %dma_start3A_37 = arith.constant 1 : i32
      %dma_start3A_38 = arith.constant 0 : i32
      %dma_start3A_39 = tpu.memref_slice %arg7[%dma_start3A_37, %dma_start3A_38] : memref<158x128xi32, #tpu.memory_space<vmem>> -> memref<1x128xi32, #tpu.memory_space<vmem>>
      %dma_start3A_40 = tpu.memref_squeeze %dma_start3A_39 : memref<1x128xi32, #tpu.memory_space<vmem>> -> memref<128xi32, #tpu.memory_space<vmem>>
      %dma_start3A_41 = arith.constant 0 : i32
      %dma_start3A_42 = arith.constant 0 : i32
      %dma_start3A_43 = tpu.memref_slice %arg2[%dma_start3A_36, %dma_start3A_41, %dma_start3A_42] : memref<2x10000x24xf32, #tpu.memory_space<hbm>> -> memref<1x10000x24xf32, #tpu.memory_space<hbm>>
      %dma_start3A_44 = tpu.memref_squeeze %dma_start3A_43 : memref<1x10000x24xf32, #tpu.memory_space<hbm>> -> memref<10000x24xf32, #tpu.memory_space<hbm>>
      %dma_start3A_45 = arith.constant 0 : i32
      %dma_start3A_46 = arith.constant 0 : i32
      %dma_start3A_47 = tpu.memref_slice %dma_start3A_44[%dma_start3A_45, %dma_start3A_46] : memref<10000x24xf32, #tpu.memory_space<hbm>> -> memref<10000x24xf32, #tpu.memory_space<hbm>>
      tpu.enqueue_indirect_dma source(%dma_start3A_47 : memref<10000x24xf32, #tpu.memory_space<hbm>>) target(%arg10 : memref<128x24xf32, #tpu.memory_space<vmem>>) offsets(%dma_start3A_40 : memref<128xi32, #tpu.memory_space<vmem>>) semaphore(%arg13 : memref<!tpu.dma_semaphore, #tpu.memory_space<semaphore_mem>>)
      %scan3A = arith.constant 0 : i32
      %scan3A_48 = arith.constant 1 : i32
      %scan3A_49 = arith.constant 0 : i32
      %scan3A_50 = arith.constant 79 : i32
      %scan3A_51 = arith.addi %scan3A_49, %scan3A_50 : i32
      %scan3A_52 = arith.constant 1 : i32
      scf.for %scan3A_92 = %scan3A_49 to %scan3A_51 step %scan3A_52  : i32 {
        %mul3A_93 = arith.constant 2 : i32
        %mul3A_94 = arith.muli %mul3A_93, %scan3A_92 : i32
        %dma_wait3A_95 = arith.constant 0 : i32
        %dma_wait3A_96 = tpu.memref_slice %arg7[%mul3A_94, %dma_wait3A_95] : memref<158x128xi32, #tpu.memory_space<vmem>> -> memref<1x128xi32, #tpu.memory_space<vmem>>
        %dma_wait3A_97 = tpu.memref_squeeze %dma_wait3A_96 : memref<1x128xi32, #tpu.memory_space<vmem>> -> memref<128xi32, #tpu.memory_space<vmem>>
        %dma_wait3A_98 = arith.constant 0 : i32
        %dma_wait3A_99 = arith.constant 0 : i32
        %dma_wait3A_100 = tpu.memref_slice %arg2[%scan3A_48, %dma_wait3A_98, %dma_wait3A_99] : memref<2x10000x24xf32, #tpu.memory_space<hbm>> -> memref<1x10000x24xf32, #tpu.memory_space<hbm>>
        %dma_wait3A_101 = tpu.memref_squeeze %dma_wait3A_100 : memref<1x10000x24xf32, #tpu.memory_space<hbm>> -> memref<10000x24xf32, #tpu.memory_space<hbm>>
        %dma_wait3A_102 = arith.constant 0 : i32
        %dma_wait3A_103 = arith.constant 0 : i32
        %dma_wait3A_104 = tpu.memref_slice %dma_wait3A_101[%dma_wait3A_102, %dma_wait3A_103] : memref<10000x24xf32, #tpu.memory_space<hbm>> -> memref<10000x24xf32, #tpu.memory_space<hbm>>
        tpu.wait_indirect_dma semaphore(%arg12 : memref<!tpu.dma_semaphore, #tpu.memory_space<semaphore_mem>>) src(%dma_wait3A_104 : memref<10000x24xf32, #tpu.memory_space<hbm>>) dst(%arg9 : memref<128x24xf32, #tpu.memory_space<vmem>>)
        %dma_start3A_105 = arith.constant 0 : i32
        %dma_start3A_106 = tpu.memref_slice %arg8[%mul3A_94, %dma_start3A_105] : memref<158x128xi32, #tpu.memory_space<vmem>> -> memref<1x128xi32, #tpu.memory_space<vmem>>
        %dma_start3A_107 = tpu.memref_squeeze %dma_start3A_106 : memref<1x128xi32, #tpu.memory_space<vmem>> -> memref<128xi32, #tpu.memory_space<vmem>>
        %dma_start3A_108 = arith.constant 0 : i32
        %dma_start3A_109 = arith.constant 0 : i32
        %dma_start3A_110 = tpu.memref_slice %arg11[%dma_start3A_108, %dma_start3A_109] : memref<10240x24xf32, #tpu.memory_space<vmem_shared>> -> memref<10240x24xf32, #tpu.memory_space<vmem_shared>>
        tpu.enqueue_indirect_dma source(%arg9 : memref<128x24xf32, #tpu.memory_space<vmem>>) target(%dma_start3A_110 : memref<10240x24xf32, #tpu.memory_space<vmem_shared>>) offsets(%dma_start3A_107 : memref<128xi32, #tpu.memory_space<vmem>>) semaphore(%arg14 : memref<!tpu.dma_semaphore, #tpu.memory_space<semaphore_mem>>) {add = true}
        %add3A_111 = arith.constant 2 : i32
        %add3A_112 = arith.addi %mul3A_94, %add3A_111 : i32
        %lt3A = arith.constant 158 : i32
        %lt3A_113 = arith.cmpi slt, %add3A_112, %lt3A : i32
        %convert_element_type3A_114 = arith.extui %lt3A_113 : i1 to i32
        %cond3A_115 = arith.constant 0 : i32
        %cond3A_116 = arith.cmpi ne, %convert_element_type3A_114, %cond3A_115 : i32
        scf.if %cond3A_116 {
          %dma_wait3A_144 = arith.constant 0 : i32
          %dma_wait3A_145 = tpu.memref_slice %arg8[%mul3A_94, %dma_wait3A_144] : memref<158x128xi32, #tpu.memory_space<vmem>> -> memref<1x128xi32, #tpu.memory_space<vmem>>
          %dma_wait3A_146 = tpu.memref_squeeze %dma_wait3A_145 : memref<1x128xi32, #tpu.memory_space<vmem>> -> memref<128xi32, #tpu.memory_space<vmem>>
          %dma_wait3A_147 = arith.constant 0 : i32
          %dma_wait3A_148 = arith.constant 0 : i32
          %dma_wait3A_149 = tpu.memref_slice %arg11[%dma_wait3A_147, %dma_wait3A_148] : memref<10240x24xf32, #tpu.memory_space<vmem_shared>> -> memref<10240x24xf32, #tpu.memory_space<vmem_shared>>
          tpu.wait_indirect_dma semaphore(%arg14 : memref<!tpu.dma_semaphore, #tpu.memory_space<semaphore_mem>>) src(%arg9 : memref<128x24xf32, #tpu.memory_space<vmem>>) dst(%dma_wait3A_149 : memref<10240x24xf32, #tpu.memory_space<vmem_shared>>)
          %add3A_150 = arith.constant 2 : i32
          %add3A_151 = arith.addi %mul3A_94, %add3A_150 : i32
          %dma_start3A_152 = arith.constant 0 : i32
          %dma_start3A_153 = tpu.memref_slice %arg7[%add3A_151, %dma_start3A_152] : memref<158x128xi32, #tpu.memory_space<vmem>> -> memref<1x128xi32, #tpu.memory_space<vmem>>
          %dma_start3A_154 = tpu.memref_squeeze %dma_start3A_153 : memref<1x128xi32, #tpu.memory_space<vmem>> -> memref<128xi32, #tpu.memory_space<vmem>>
          %dma_start3A_155 = arith.constant 0 : i32
          %dma_start3A_156 = arith.constant 0 : i32
          %dma_start3A_157 = tpu.memref_slice %arg2[%scan3A_48, %dma_start3A_155, %dma_start3A_156] : memref<2x10000x24xf32, #tpu.memory_space<hbm>> -> memref<1x10000x24xf32, #tpu.memory_space<hbm>>
          %dma_start3A_158 = tpu.memref_squeeze %dma_start3A_157 : memref<1x10000x24xf32, #tpu.memory_space<hbm>> -> memref<10000x24xf32, #tpu.memory_space<hbm>>
          %dma_start3A_159 = arith.constant 0 : i32
          %dma_start3A_160 = arith.constant 0 : i32
          %dma_start3A_161 = tpu.memref_slice %dma_start3A_158[%dma_start3A_159, %dma_start3A_160] : memref<10000x24xf32, #tpu.memory_space<hbm>> -> memref<10000x24xf32, #tpu.memory_space<hbm>>
          tpu.enqueue_indirect_dma source(%dma_start3A_161 : memref<10000x24xf32, #tpu.memory_space<hbm>>) target(%arg9 : memref<128x24xf32, #tpu.memory_space<vmem>>) offsets(%dma_start3A_154 : memref<128xi32, #tpu.memory_space<vmem>>) semaphore(%arg12 : memref<!tpu.dma_semaphore, #tpu.memory_space<semaphore_mem>>)
        } else {
        }
        %add3A_117 = arith.constant 1 : i32
        %add3A_118 = arith.addi %mul3A_94, %add3A_117 : i32
        %dma_wait3A_119 = arith.constant 0 : i32
        %dma_wait3A_120 = tpu.memref_slice %arg7[%add3A_118, %dma_wait3A_119] : memref<158x128xi32, #tpu.memory_space<vmem>> -> memref<1x128xi32, #tpu.memory_space<vmem>>
        %dma_wait3A_121 = tpu.memref_squeeze %dma_wait3A_120 : memref<1x128xi32, #tpu.memory_space<vmem>> -> memref<128xi32, #tpu.memory_space<vmem>>
        %dma_wait3A_122 = arith.constant 0 : i32
        %dma_wait3A_123 = arith.constant 0 : i32
        %dma_wait3A_124 = tpu.memref_slice %arg2[%scan3A_48, %dma_wait3A_122, %dma_wait3A_123] : memref<2x10000x24xf32, #tpu.memory_space<hbm>> -> memref<1x10000x24xf32, #tpu.memory_space<hbm>>
        %dma_wait3A_125 = tpu.memref_squeeze %dma_wait3A_124 : memref<1x10000x24xf32, #tpu.memory_space<hbm>> -> memref<10000x24xf32, #tpu.memory_space<hbm>>
        %dma_wait3A_126 = arith.constant 0 : i32
        %dma_wait3A_127 = arith.constant 0 : i32
        %dma_wait3A_128 = tpu.memref_slice %dma_wait3A_125[%dma_wait3A_126, %dma_wait3A_127] : memref<10000x24xf32, #tpu.memory_space<hbm>> -> memref<10000x24xf32, #tpu.memory_space<hbm>>
        tpu.wait_indirect_dma semaphore(%arg13 : memref<!tpu.dma_semaphore, #tpu.memory_space<semaphore_mem>>) src(%dma_wait3A_128 : memref<10000x24xf32, #tpu.memory_space<hbm>>) dst(%arg10 : memref<128x24xf32, #tpu.memory_space<vmem>>)
        %add3A_129 = arith.constant 1 : i32
        %add3A_130 = arith.addi %mul3A_94, %add3A_129 : i32
        %dma_start3A_131 = arith.constant 0 : i32
        %dma_start3A_132 = tpu.memref_slice %arg8[%add3A_130, %dma_start3A_131] : memref<158x128xi32, #tpu.memory_space<vmem>> -> memref<1x128xi32, #tpu.memory_space<vmem>>
        %dma_start3A_133 = tpu.memref_squeeze %dma_start3A_132 : memref<1x128xi32, #tpu.memory_space<vmem>> -> memref<128xi32, #tpu.memory_space<vmem>>
        %dma_start3A_134 = arith.constant 0 : i32
        %dma_start3A_135 = arith.constant 0 : i32
        %dma_start3A_136 = tpu.memref_slice %arg11[%dma_start3A_134, %dma_start3A_135] : memref<10240x24xf32, #tpu.memory_space<vmem_shared>> -> memref<10240x24xf32, #tpu.memory_space<vmem_shared>>
        tpu.enqueue_indirect_dma source(%arg10 : memref<128x24xf32, #tpu.memory_space<vmem>>) target(%dma_start3A_136 : memref<10240x24xf32, #tpu.memory_space<vmem_shared>>) offsets(%dma_start3A_133 : memref<128xi32, #tpu.memory_space<vmem>>) semaphore(%arg15 : memref<!tpu.dma_semaphore, #tpu.memory_space<semaphore_mem>>) {add = true}
        %add3A_137 = arith.constant 3 : i32
        %add3A_138 = arith.addi %mul3A_94, %add3A_137 : i32
        %lt3A_139 = arith.constant 158 : i32
        %lt3A_140 = arith.cmpi slt, %add3A_138, %lt3A_139 : i32
        %convert_element_type3A_141 = arith.extui %lt3A_140 : i1 to i32
        %cond3A_142 = arith.constant 0 : i32
        %cond3A_143 = arith.cmpi ne, %convert_element_type3A_141, %cond3A_142 : i32
        scf.if %cond3A_143 {
          %add3A_144 = arith.constant 1 : i32
          %add3A_145 = arith.addi %mul3A_94, %add3A_144 : i32
          %dma_wait3A_146 = arith.constant 0 : i32
          %dma_wait3A_147 = tpu.memref_slice %arg8[%add3A_145, %dma_wait3A_146] : memref<158x128xi32, #tpu.memory_space<vmem>> -> memref<1x128xi32, #tpu.memory_space<vmem>>
          %dma_wait3A_148 = tpu.memref_squeeze %dma_wait3A_147 : memref<1x128xi32, #tpu.memory_space<vmem>> -> memref<128xi32, #tpu.memory_space<vmem>>
          %dma_wait3A_149 = arith.constant 0 : i32
          %dma_wait3A_150 = arith.constant 0 : i32
          %dma_wait3A_151 = tpu.memref_slice %arg11[%dma_wait3A_149, %dma_wait3A_150] : memref<10240x24xf32, #tpu.memory_space<vmem_shared>> -> memref<10240x24xf32, #tpu.memory_space<vmem_shared>>
          tpu.wait_indirect_dma semaphore(%arg15 : memref<!tpu.dma_semaphore, #tpu.memory_space<semaphore_mem>>) src(%arg10 : memref<128x24xf32, #tpu.memory_space<vmem>>) dst(%dma_wait3A_151 : memref<10240x24xf32, #tpu.memory_space<vmem_shared>>)
          %add3A_152 = arith.constant 3 : i32
          %add3A_153 = arith.addi %mul3A_94, %add3A_152 : i32
          %dma_start3A_154 = arith.constant 0 : i32
          %dma_start3A_155 = tpu.memref_slice %arg7[%add3A_153, %dma_start3A_154] : memref<158x128xi32, #tpu.memory_space<vmem>> -> memref<1x128xi32, #tpu.memory_space<vmem>>
          %dma_start3A_156 = tpu.memref_squeeze %dma_start3A_155 : memref<1x128xi32, #tpu.memory_space<vmem>> -> memref<128xi32, #tpu.memory_space<vmem>>
          %dma_start3A_157 = arith.constant 0 : i32
          %dma_start3A_158 = arith.constant 0 : i32
          %dma_start3A_159 = tpu.memref_slice %arg2[%scan3A_48, %dma_start3A_157, %dma_start3A_158] : memref<2x10000x24xf32, #tpu.memory_space<hbm>> -> memref<1x10000x24xf32, #tpu.memory_space<hbm>>
          %dma_start3A_160 = tpu.memref_squeeze %dma_start3A_159 : memref<1x10000x24xf32, #tpu.memory_space<hbm>> -> memref<10000x24xf32, #tpu.memory_space<hbm>>
          %dma_start3A_161 = arith.constant 0 : i32
          %dma_start3A_162 = arith.constant 0 : i32
          %dma_start3A_163 = tpu.memref_slice %dma_start3A_160[%dma_start3A_161, %dma_start3A_162] : memref<10000x24xf32, #tpu.memory_space<hbm>> -> memref<10000x24xf32, #tpu.memory_space<hbm>>
          tpu.enqueue_indirect_dma source(%dma_start3A_163 : memref<10000x24xf32, #tpu.memory_space<hbm>>) target(%arg10 : memref<128x24xf32, #tpu.memory_space<vmem>>) offsets(%dma_start3A_156 : memref<128xi32, #tpu.memory_space<vmem>>) semaphore(%arg13 : memref<!tpu.dma_semaphore, #tpu.memory_space<semaphore_mem>>)
        } else {
        }
      }
      %scan3A_53 = arith.constant 79 : i32
      %dma_wait3A = arith.constant 156 : i32
      %dma_wait3A_54 = arith.constant 0 : i32
      %dma_wait3A_55 = tpu.memref_slice %arg8[%dma_wait3A, %dma_wait3A_54] : memref<158x128xi32, #tpu.memory_space<vmem>> -> memref<1x128xi32, #tpu.memory_space<vmem>>
      %dma_wait3A_56 = tpu.memref_squeeze %dma_wait3A_55 : memref<1x128xi32, #tpu.memory_space<vmem>> -> memref<128xi32, #tpu.memory_space<vmem>>
      %dma_wait3A_57 = arith.constant 0 : i32
      %dma_wait3A_58 = arith.constant 0 : i32
      %dma_wait3A_59 = tpu.memref_slice %arg11[%dma_wait3A_57, %dma_wait3A_58] : memref<10240x24xf32, #tpu.memory_space<vmem_shared>> -> memref<10240x24xf32, #tpu.memory_space<vmem_shared>>
      tpu.wait_indirect_dma semaphore(%arg14 : memref<!tpu.dma_semaphore, #tpu.memory_space<semaphore_mem>>) src(%arg9 : memref<128x24xf32, #tpu.memory_space<vmem>>) dst(%dma_wait3A_59 : memref<10240x24xf32, #tpu.memory_space<vmem_shared>>)
      %dma_wait3A_60 = arith.constant 157 : i32
      %dma_wait3A_61 = arith.constant 0 : i32
      %dma_wait3A_62 = tpu.memref_slice %arg8[%dma_wait3A_60, %dma_wait3A_61] : memref<158x128xi32, #tpu.memory_space<vmem>> -> memref<1x128xi32, #tpu.memory_space<vmem>>
      %dma_wait3A_63 = tpu.memref_squeeze %dma_wait3A_62 : memref<1x128xi32, #tpu.memory_space<vmem>> -> memref<128xi32, #tpu.memory_space<vmem>>
      %dma_wait3A_64 = arith.constant 0 : i32
      %dma_wait3A_65 = arith.constant 0 : i32
      %dma_wait3A_66 = tpu.memref_slice %arg11[%dma_wait3A_64, %dma_wait3A_65] : memref<10240x24xf32, #tpu.memory_space<vmem_shared>> -> memref<10240x24xf32, #tpu.memory_space<vmem_shared>>
      tpu.wait_indirect_dma semaphore(%arg15 : memref<!tpu.dma_semaphore, #tpu.memory_space<semaphore_mem>>) src(%arg10 : memref<128x24xf32, #tpu.memory_space<vmem>>) dst(%dma_wait3A_66 : memref<10240x24xf32, #tpu.memory_space<vmem_shared>>)
      %barrier3A_67 = arith.constant 0 : index
      tpu.barrier barrier_id(%barrier3A_67)
      %mul3A_68 = arith.constant 640 : i32
      %mul3A_69 = arith.muli %arg1, %mul3A_68 : i32
      %add3A_70 = arith.constant 0 : i32
      %add3A_71 = arith.addi %mul3A_69, %add3A_70 : i32
      %run_scoped3A = arith.constant 1 : i32
      "tpu.region"() ({
        %run_scoped3A_92 = tpu.sem_alloc : memref<!tpu.dma_semaphore, #tpu.memory_space<semaphore_mem>>
        %dma_start3A_93 = arith.constant 0 : i32
        %dma_start3A_94 = arith.constant 0 : i32
        %dma_start3A_95 = tpu.memref_slice %arg6[%run_scoped3A, %dma_start3A_93, %dma_start3A_94] : memref<2x10240x24xf32, #tpu.memory_space<hbm>> -> memref<1x10240x24xf32, #tpu.memory_space<hbm>>
        %dma_start3A_96 = tpu.memref_squeeze %dma_start3A_95 : memref<1x10240x24xf32, #tpu.memory_space<hbm>> -> memref<10240x24xf32, #tpu.memory_space<hbm>>
        %dma_start3A_97 = arith.constant 0 : i32
        %dma_start3A_98 = tpu.memref_slice %dma_start3A_96[%add3A_71, %dma_start3A_97] : memref<10240x24xf32, #tpu.memory_space<hbm>> -> memref<128x24xf32, #tpu.memory_space<hbm>>
        %dma_start3A_99 = arith.constant 0 : i32
        %dma_start3A_100 = tpu.memref_slice %arg11[%add3A_71, %dma_start3A_99] : memref<10240x24xf32, #tpu.memory_space<vmem_shared>> -> memref<128x24xf32, #tpu.memory_space<vmem_shared>>
        tpu.enqueue_dma source(%dma_start3A_100 : memref<128x24xf32, #tpu.memory_space<vmem_shared>>) target(%dma_start3A_98 : memref<128x24xf32, #tpu.memory_space<hbm>>) target_semaphore(%run_scoped3A_92 : memref<!tpu.dma_semaphore, #tpu.memory_space<semaphore_mem>>)
        %dma_wait3A_101 = arith.constant 0 : i32
        %dma_wait3A_102 = arith.constant 0 : i32
        %dma_wait3A_103 = tpu.memref_slice %arg6[%run_scoped3A, %dma_wait3A_101, %dma_wait3A_102] : memref<2x10240x24xf32, #tpu.memory_space<hbm>> -> memref<1x10240x24xf32, #tpu.memory_space<hbm>>
        %dma_wait3A_104 = tpu.memref_squeeze %dma_wait3A_103 : memref<1x10240x24xf32, #tpu.memory_space<hbm>> -> memref<10240x24xf32, #tpu.memory_space<hbm>>
        %dma_wait3A_105 = arith.constant 0 : i32
        %dma_wait3A_106 = tpu.memref_slice %dma_wait3A_104[%add3A_71, %dma_wait3A_105] : memref<10240x24xf32, #tpu.memory_space<hbm>> -> memref<128x24xf32, #tpu.memory_space<hbm>>
        %dma_wait3A_107 = arith.constant 0 : i32
        %dma_wait3A_108 = tpu.memref_slice %arg11[%add3A_71, %dma_wait3A_107] : memref<10240x24xf32, #tpu.memory_space<vmem_shared>> -> memref<128x24xf32, #tpu.memory_space<vmem_shared>>
        tpu.wait_dma2 semaphore(%run_scoped3A_92 : memref<!tpu.dma_semaphore, #tpu.memory_space<semaphore_mem>>) src(%dma_wait3A_108 : memref<128x24xf32, #tpu.memory_space<vmem_shared>>) dst(%dma_wait3A_106 : memref<128x24xf32, #tpu.memory_space<hbm>>)
        tpu.yield
      }) : () -> ()
      %mul3A_72 = arith.constant 640 : i32
      %mul3A_73 = arith.muli %arg1, %mul3A_72 : i32
      %add3A_74 = arith.constant 128 : i32
      %add3A_75 = arith.addi %mul3A_73, %add3A_74 : i32
      %run_scoped3A_76 = arith.constant 1 : i32
      "tpu.region"() ({
        %run_scoped3A_92 = tpu.sem_alloc : memref<!tpu.dma_semaphore, #tpu.memory_space<semaphore_mem>>
        %dma_start3A_93 = arith.constant 0 : i32
        %dma_start3A_94 = arith.constant 0 : i32
        %dma_start3A_95 = tpu.memref_slice %arg6[%run_scoped3A_76, %dma_start3A_93, %dma_start3A_94] : memref<2x10240x24xf32, #tpu.memory_space<hbm>> -> memref<1x10240x24xf32, #tpu.memory_space<hbm>>
        %dma_start3A_96 = tpu.memref_squeeze %dma_start3A_95 : memref<1x10240x24xf32, #tpu.memory_space<hbm>> -> memref<10240x24xf32, #tpu.memory_space<hbm>>
        %dma_start3A_97 = arith.constant 0 : i32
        %dma_start3A_98 = tpu.memref_slice %dma_start3A_96[%add3A_75, %dma_start3A_97] : memref<10240x24xf32, #tpu.memory_space<hbm>> -> memref<128x24xf32, #tpu.memory_space<hbm>>
        %dma_start3A_99 = arith.constant 0 : i32
        %dma_start3A_100 = tpu.memref_slice %arg11[%add3A_75, %dma_start3A_99] : memref<10240x24xf32, #tpu.memory_space<vmem_shared>> -> memref<128x24xf32, #tpu.memory_space<vmem_shared>>
        tpu.enqueue_dma source(%dma_start3A_100 : memref<128x24xf32, #tpu.memory_space<vmem_shared>>) target(%dma_start3A_98 : memref<128x24xf32, #tpu.memory_space<hbm>>) target_semaphore(%run_scoped3A_92 : memref<!tpu.dma_semaphore, #tpu.memory_space<semaphore_mem>>)
        %dma_wait3A_101 = arith.constant 0 : i32
        %dma_wait3A_102 = arith.constant 0 : i32
        %dma_wait3A_103 = tpu.memref_slice %arg6[%run_scoped3A_76, %dma_wait3A_101, %dma_wait3A_102] : memref<2x10240x24xf32, #tpu.memory_space<hbm>> -> memref<1x10240x24xf32, #tpu.memory_space<hbm>>
        %dma_wait3A_104 = tpu.memref_squeeze %dma_wait3A_103 : memref<1x10240x24xf32, #tpu.memory_space<hbm>> -> memref<10240x24xf32, #tpu.memory_space<hbm>>
        %dma_wait3A_105 = arith.constant 0 : i32
        %dma_wait3A_106 = tpu.memref_slice %dma_wait3A_104[%add3A_75, %dma_wait3A_105] : memref<10240x24xf32, #tpu.memory_space<hbm>> -> memref<128x24xf32, #tpu.memory_space<hbm>>
        %dma_wait3A_107 = arith.constant 0 : i32
        %dma_wait3A_108 = tpu.memref_slice %arg11[%add3A_75, %dma_wait3A_107] : memref<10240x24xf32, #tpu.memory_space<vmem_shared>> -> memref<128x24xf32, #tpu.memory_space<vmem_shared>>
        tpu.wait_dma2 semaphore(%run_scoped3A_92 : memref<!tpu.dma_semaphore, #tpu.memory_space<semaphore_mem>>) src(%dma_wait3A_108 : memref<128x24xf32, #tpu.memory_space<vmem_shared>>) dst(%dma_wait3A_106 : memref<128x24xf32, #tpu.memory_space<hbm>>)
        tpu.yield
      }) : () -> ()
      %mul3A_77 = arith.constant 640 : i32
      %mul3A_78 = arith.muli %arg1, %mul3A_77 : i32
      %add3A_79 = arith.constant 256 : i32
      %add3A_80 = arith.addi %mul3A_78, %add3A_79 : i32
      %run_scoped3A_81 = arith.constant 1 : i32
      "tpu.region"() ({
        %run_scoped3A_92 = tpu.sem_alloc : memref<!tpu.dma_semaphore, #tpu.memory_space<semaphore_mem>>
        %dma_start3A_93 = arith.constant 0 : i32
        %dma_start3A_94 = arith.constant 0 : i32
        %dma_start3A_95 = tpu.memref_slice %arg6[%run_scoped3A_81, %dma_start3A_93, %dma_start3A_94] : memref<2x10240x24xf32, #tpu.memory_space<hbm>> -> memref<1x10240x24xf32, #tpu.memory_space<hbm>>
        %dma_start3A_96 = tpu.memref_squeeze %dma_start3A_95 : memref<1x10240x24xf32, #tpu.memory_space<hbm>> -> memref<10240x24xf32, #tpu.memory_space<hbm>>
        %dma_start3A_97 = arith.constant 0 : i32
        %dma_start3A_98 = tpu.memref_slice %dma_start3A_96[%add3A_80, %dma_start3A_97] : memref<10240x24xf32, #tpu.memory_space<hbm>> -> memref<128x24xf32, #tpu.memory_space<hbm>>
        %dma_start3A_99 = arith.constant 0 : i32
        %dma_start3A_100 = tpu.memref_slice %arg11[%add3A_80, %dma_start3A_99] : memref<10240x24xf32, #tpu.memory_space<vmem_shared>> -> memref<128x24xf32, #tpu.memory_space<vmem_shared>>
        tpu.enqueue_dma source(%dma_start3A_100 : memref<128x24xf32, #tpu.memory_space<vmem_shared>>) target(%dma_start3A_98 : memref<128x24xf32, #tpu.memory_space<hbm>>) target_semaphore(%run_scoped3A_92 : memref<!tpu.dma_semaphore, #tpu.memory_space<semaphore_mem>>)
        %dma_wait3A_101 = arith.constant 0 : i32
        %dma_wait3A_102 = arith.constant 0 : i32
        %dma_wait3A_103 = tpu.memref_slice %arg6[%run_scoped3A_81, %dma_wait3A_101, %dma_wait3A_102] : memref<2x10240x24xf32, #tpu.memory_space<hbm>> -> memref<1x10240x24xf32, #tpu.memory_space<hbm>>
        %dma_wait3A_104 = tpu.memref_squeeze %dma_wait3A_103 : memref<1x10240x24xf32, #tpu.memory_space<hbm>> -> memref<10240x24xf32, #tpu.memory_space<hbm>>
        %dma_wait3A_105 = arith.constant 0 : i32
        %dma_wait3A_106 = tpu.memref_slice %dma_wait3A_104[%add3A_80, %dma_wait3A_105] : memref<10240x24xf32, #tpu.memory_space<hbm>> -> memref<128x24xf32, #tpu.memory_space<hbm>>
        %dma_wait3A_107 = arith.constant 0 : i32
        %dma_wait3A_108 = tpu.memref_slice %arg11[%add3A_80, %dma_wait3A_107] : memref<10240x24xf32, #tpu.memory_space<vmem_shared>> -> memref<128x24xf32, #tpu.memory_space<vmem_shared>>
        tpu.wait_dma2 semaphore(%run_scoped3A_92 : memref<!tpu.dma_semaphore, #tpu.memory_space<semaphore_mem>>) src(%dma_wait3A_108 : memref<128x24xf32, #tpu.memory_space<vmem_shared>>) dst(%dma_wait3A_106 : memref<128x24xf32, #tpu.memory_space<hbm>>)
        tpu.yield
      }) : () -> ()
      %mul3A_82 = arith.constant 640 : i32
      %mul3A_83 = arith.muli %arg1, %mul3A_82 : i32
      %add3A_84 = arith.constant 384 : i32
      %add3A_85 = arith.addi %mul3A_83, %add3A_84 : i32
      %run_scoped3A_86 = arith.constant 1 : i32
      "tpu.region"() ({
        %run_scoped3A_92 = tpu.sem_alloc : memref<!tpu.dma_semaphore, #tpu.memory_space<semaphore_mem>>
        %dma_start3A_93 = arith.constant 0 : i32
        %dma_start3A_94 = arith.constant 0 : i32
        %dma_start3A_95 = tpu.memref_slice %arg6[%run_scoped3A_86, %dma_start3A_93, %dma_start3A_94] : memref<2x10240x24xf32, #tpu.memory_space<hbm>> -> memref<1x10240x24xf32, #tpu.memory_space<hbm>>
        %dma_start3A_96 = tpu.memref_squeeze %dma_start3A_95 : memref<1x10240x24xf32, #tpu.memory_space<hbm>> -> memref<10240x24xf32, #tpu.memory_space<hbm>>
        %dma_start3A_97 = arith.constant 0 : i32
        %dma_start3A_98 = tpu.memref_slice %dma_start3A_96[%add3A_85, %dma_start3A_97] : memref<10240x24xf32, #tpu.memory_space<hbm>> -> memref<128x24xf32, #tpu.memory_space<hbm>>
        %dma_start3A_99 = arith.constant 0 : i32
        %dma_start3A_100 = tpu.memref_slice %arg11[%add3A_85, %dma_start3A_99] : memref<10240x24xf32, #tpu.memory_space<vmem_shared>> -> memref<128x24xf32, #tpu.memory_space<vmem_shared>>
        tpu.enqueue_dma source(%dma_start3A_100 : memref<128x24xf32, #tpu.memory_space<vmem_shared>>) target(%dma_start3A_98 : memref<128x24xf32, #tpu.memory_space<hbm>>) target_semaphore(%run_scoped3A_92 : memref<!tpu.dma_semaphore, #tpu.memory_space<semaphore_mem>>)
        %dma_wait3A_101 = arith.constant 0 : i32
        %dma_wait3A_102 = arith.constant 0 : i32
        %dma_wait3A_103 = tpu.memref_slice %arg6[%run_scoped3A_86, %dma_wait3A_101, %dma_wait3A_102] : memref<2x10240x24xf32, #tpu.memory_space<hbm>> -> memref<1x10240x24xf32, #tpu.memory_space<hbm>>
        %dma_wait3A_104 = tpu.memref_squeeze %dma_wait3A_103 : memref<1x10240x24xf32, #tpu.memory_space<hbm>> -> memref<10240x24xf32, #tpu.memory_space<hbm>>
        %dma_wait3A_105 = arith.constant 0 : i32
        %dma_wait3A_106 = tpu.memref_slice %dma_wait3A_104[%add3A_85, %dma_wait3A_105] : memref<10240x24xf32, #tpu.memory_space<hbm>> -> memref<128x24xf32, #tpu.memory_space<hbm>>
        %dma_wait3A_107 = arith.constant 0 : i32
        %dma_wait3A_108 = tpu.memref_slice %arg11[%add3A_85, %dma_wait3A_107] : memref<10240x24xf32, #tpu.memory_space<vmem_shared>> -> memref<128x24xf32, #tpu.memory_space<vmem_shared>>
        tpu.wait_dma2 semaphore(%run_scoped3A_92 : memref<!tpu.dma_semaphore, #tpu.memory_space<semaphore_mem>>) src(%dma_wait3A_108 : memref<128x24xf32, #tpu.memory_space<vmem_shared>>) dst(%dma_wait3A_106 : memref<128x24xf32, #tpu.memory_space<hbm>>)
        tpu.yield
      }) : () -> ()
      %mul3A_87 = arith.constant 640 : i32
      %mul3A_88 = arith.muli %arg1, %mul3A_87 : i32
      %add3A_89 = arith.constant 512 : i32
      %add3A_90 = arith.addi %mul3A_88, %add3A_89 : i32
      %run_scoped3A_91 = arith.constant 1 : i32
      "tpu.region"() ({
        %run_scoped3A_92 = tpu.sem_alloc : memref<!tpu.dma_semaphore, #tpu.memory_space<semaphore_mem>>
        %dma_start3A_93 = arith.constant 0 : i32
        %dma_start3A_94 = arith.constant 0 : i32
        %dma_start3A_95 = tpu.memref_slice %arg6[%run_scoped3A_91, %dma_start3A_93, %dma_start3A_94] : memref<2x10240x24xf32, #tpu.memory_space<hbm>> -> memref<1x10240x24xf32, #tpu.memory_space<hbm>>
        %dma_start3A_96 = tpu.memref_squeeze %dma_start3A_95 : memref<1x10240x24xf32, #tpu.memory_space<hbm>> -> memref<10240x24xf32, #tpu.memory_space<hbm>>
        %dma_start3A_97 = arith.constant 0 : i32
        %dma_start3A_98 = tpu.memref_slice %dma_start3A_96[%add3A_90, %dma_start3A_97] : memref<10240x24xf32, #tpu.memory_space<hbm>> -> memref<128x24xf32, #tpu.memory_space<hbm>>
        %dma_start3A_99 = arith.constant 0 : i32
        %dma_start3A_100 = tpu.memref_slice %arg11[%add3A_90, %dma_start3A_99] : memref<10240x24xf32, #tpu.memory_space<vmem_shared>> -> memref<128x24xf32, #tpu.memory_space<vmem_shared>>
        tpu.enqueue_dma source(%dma_start3A_100 : memref<128x24xf32, #tpu.memory_space<vmem_shared>>) target(%dma_start3A_98 : memref<128x24xf32, #tpu.memory_space<hbm>>) target_semaphore(%run_scoped3A_92 : memref<!tpu.dma_semaphore, #tpu.memory_space<semaphore_mem>>)
        %dma_wait3A_101 = arith.constant 0 : i32
        %dma_wait3A_102 = arith.constant 0 : i32
        %dma_wait3A_103 = tpu.memref_slice %arg6[%run_scoped3A_91, %dma_wait3A_101, %dma_wait3A_102] : memref<2x10240x24xf32, #tpu.memory_space<hbm>> -> memref<1x10240x24xf32, #tpu.memory_space<hbm>>
        %dma_wait3A_104 = tpu.memref_squeeze %dma_wait3A_103 : memref<1x10240x24xf32, #tpu.memory_space<hbm>> -> memref<10240x24xf32, #tpu.memory_space<hbm>>
        %dma_wait3A_105 = arith.constant 0 : i32
        %dma_wait3A_106 = tpu.memref_slice %dma_wait3A_104[%add3A_90, %dma_wait3A_105] : memref<10240x24xf32, #tpu.memory_space<hbm>> -> memref<128x24xf32, #tpu.memory_space<hbm>>
        %dma_wait3A_107 = arith.constant 0 : i32
        %dma_wait3A_108 = tpu.memref_slice %arg11[%add3A_90, %dma_wait3A_107] : memref<10240x24xf32, #tpu.memory_space<vmem_shared>> -> memref<128x24xf32, #tpu.memory_space<vmem_shared>>
        tpu.wait_dma2 semaphore(%run_scoped3A_92 : memref<!tpu.dma_semaphore, #tpu.memory_space<semaphore_mem>>) src(%dma_wait3A_108 : memref<128x24xf32, #tpu.memory_space<vmem_shared>>) dst(%dma_wait3A_106 : memref<128x24xf32, #tpu.memory_space<hbm>>)
        tpu.yield
      }) : () -> ()
    } else {
    }
    return
  }
}

#map = affine_map<(d0, d1) -> (0, 0, 0)>
#map1 = affine_map<(d0, d1) -> (0, 0)>
module attributes {stable_mosaic.version = 14 : i64} {
  func.func @agg_kernel(%arg0: i32, %arg1: i32, %arg2: memref<2x10000x64xf32, #tpu.memory_space<hbm>>, %arg3: memref<16x158x128xi32, #tpu.memory_space<hbm>>, %arg4: memref<16x158x128xi32, #tpu.memory_space<hbm>>, %arg5: memref<128x64xf32, #tpu.memory_space<hbm>>, %arg6: memref<2x10240x64xf32, #tpu.memory_space<hbm>>, %arg7: memref<158x128xi32, #tpu.memory_space<vmem>>, %arg8: memref<158x128xi32, #tpu.memory_space<vmem>>, %arg9: memref<128x64xf32, #tpu.memory_space<vmem>>, %arg10: memref<128x64xf32, #tpu.memory_space<vmem>>, %arg11: memref<10240x64xf32, #tpu.memory_space<vmem_shared>>, %arg12: memref<!tpu.dma_semaphore, #tpu.memory_space<semaphore_mem>>, %arg13: memref<!tpu.dma_semaphore, #tpu.memory_space<semaphore_mem>>, %arg14: memref<!tpu.dma_semaphore, #tpu.memory_space<semaphore_mem>>, %arg15: memref<!tpu.dma_semaphore, #tpu.memory_space<semaphore_mem>>) attributes {dimension_semantics = [#tpu.dimension_semantics<core_parallel>, #tpu.dimension_semantics<subcore_parallel>], iteration_bounds = array<i64: 2, 16>, scalar_prefetch = 0 : i64, scratch_operands = 9 : i64, tpu.core_type = #tpu.core_type<sc_vector_subcore>, window_params = [{transform_indices = #map}, {transform_indices = #map}, {transform_indices = #map}, {transform_indices = #map1}, {transform_indices = #map}]} {
    "tpu.region"() ({
      %run_scoped3A = tpu.sem_alloc : memref<!tpu.dma_semaphore, #tpu.memory_space<semaphore_mem>>
      %dma_start3A = arith.constant 0 : i32
      %dma_start3A_25 = arith.constant 0 : i32
      %dma_start3A_26 = tpu.memref_slice %arg3[%arg1, %dma_start3A, %dma_start3A_25] : memref<16x158x128xi32, #tpu.memory_space<hbm>> -> memref<1x158x128xi32, #tpu.memory_space<hbm>>
      %dma_start3A_27 = tpu.memref_squeeze %dma_start3A_26 : memref<1x158x128xi32, #tpu.memory_space<hbm>> -> memref<158x128xi32, #tpu.memory_space<hbm>>
      %dma_start3A_28 = arith.constant 0 : i32
      %dma_start3A_29 = arith.constant 0 : i32
      %dma_start3A_30 = tpu.memref_slice %arg3[%arg1, %dma_start3A_28, %dma_start3A_29] : memref<16x158x128xi32, #tpu.memory_space<hbm>> -> memref<1x158x128xi32, #tpu.memory_space<hbm>>
      %dma_start3A_31 = tpu.memref_squeeze %dma_start3A_30 : memref<1x158x128xi32, #tpu.memory_space<hbm>> -> memref<158x128xi32, #tpu.memory_space<hbm>>
      tpu.enqueue_dma source(%dma_start3A_31 : memref<158x128xi32, #tpu.memory_space<hbm>>) target(%arg7 : memref<158x128xi32, #tpu.memory_space<vmem>>) target_semaphore(%run_scoped3A : memref<!tpu.dma_semaphore, #tpu.memory_space<semaphore_mem>>)
      %dma_wait3A = arith.constant 0 : i32
      %dma_wait3A_32 = arith.constant 0 : i32
      %dma_wait3A_33 = tpu.memref_slice %arg3[%arg1, %dma_wait3A, %dma_wait3A_32] : memref<16x158x128xi32, #tpu.memory_space<hbm>> -> memref<1x158x128xi32, #tpu.memory_space<hbm>>
      %dma_wait3A_34 = tpu.memref_squeeze %dma_wait3A_33 : memref<1x158x128xi32, #tpu.memory_space<hbm>> -> memref<158x128xi32, #tpu.memory_space<hbm>>
      %dma_wait3A_35 = arith.constant 0 : i32
      %dma_wait3A_36 = arith.constant 0 : i32
      %dma_wait3A_37 = tpu.memref_slice %arg3[%arg1, %dma_wait3A_35, %dma_wait3A_36] : memref<16x158x128xi32, #tpu.memory_space<hbm>> -> memref<1x158x128xi32, #tpu.memory_space<hbm>>
      %dma_wait3A_38 = tpu.memref_squeeze %dma_wait3A_37 : memref<1x158x128xi32, #tpu.memory_space<hbm>> -> memref<158x128xi32, #tpu.memory_space<hbm>>
      tpu.wait_dma2 semaphore(%run_scoped3A : memref<!tpu.dma_semaphore, #tpu.memory_space<semaphore_mem>>) src(%dma_wait3A_38 : memref<158x128xi32, #tpu.memory_space<hbm>>) dst(%arg7 : memref<158x128xi32, #tpu.memory_space<vmem>>)
      tpu.yield
    }) : () -> ()
    "tpu.region"() ({
      %run_scoped3A = tpu.sem_alloc : memref<!tpu.dma_semaphore, #tpu.memory_space<semaphore_mem>>
      %dma_start3A = arith.constant 0 : i32
      %dma_start3A_25 = arith.constant 0 : i32
      %dma_start3A_26 = tpu.memref_slice %arg4[%arg1, %dma_start3A, %dma_start3A_25] : memref<16x158x128xi32, #tpu.memory_space<hbm>> -> memref<1x158x128xi32, #tpu.memory_space<hbm>>
      %dma_start3A_27 = tpu.memref_squeeze %dma_start3A_26 : memref<1x158x128xi32, #tpu.memory_space<hbm>> -> memref<158x128xi32, #tpu.memory_space<hbm>>
      %dma_start3A_28 = arith.constant 0 : i32
      %dma_start3A_29 = arith.constant 0 : i32
      %dma_start3A_30 = tpu.memref_slice %arg4[%arg1, %dma_start3A_28, %dma_start3A_29] : memref<16x158x128xi32, #tpu.memory_space<hbm>> -> memref<1x158x128xi32, #tpu.memory_space<hbm>>
      %dma_start3A_31 = tpu.memref_squeeze %dma_start3A_30 : memref<1x158x128xi32, #tpu.memory_space<hbm>> -> memref<158x128xi32, #tpu.memory_space<hbm>>
      tpu.enqueue_dma source(%dma_start3A_31 : memref<158x128xi32, #tpu.memory_space<hbm>>) target(%arg8 : memref<158x128xi32, #tpu.memory_space<vmem>>) target_semaphore(%run_scoped3A : memref<!tpu.dma_semaphore, #tpu.memory_space<semaphore_mem>>)
      %dma_wait3A = arith.constant 0 : i32
      %dma_wait3A_32 = arith.constant 0 : i32
      %dma_wait3A_33 = tpu.memref_slice %arg4[%arg1, %dma_wait3A, %dma_wait3A_32] : memref<16x158x128xi32, #tpu.memory_space<hbm>> -> memref<1x158x128xi32, #tpu.memory_space<hbm>>
      %dma_wait3A_34 = tpu.memref_squeeze %dma_wait3A_33 : memref<1x158x128xi32, #tpu.memory_space<hbm>> -> memref<158x128xi32, #tpu.memory_space<hbm>>
      %dma_wait3A_35 = arith.constant 0 : i32
      %dma_wait3A_36 = arith.constant 0 : i32
      %dma_wait3A_37 = tpu.memref_slice %arg4[%arg1, %dma_wait3A_35, %dma_wait3A_36] : memref<16x158x128xi32, #tpu.memory_space<hbm>> -> memref<1x158x128xi32, #tpu.memory_space<hbm>>
      %dma_wait3A_38 = tpu.memref_squeeze %dma_wait3A_37 : memref<1x158x128xi32, #tpu.memory_space<hbm>> -> memref<158x128xi32, #tpu.memory_space<hbm>>
      tpu.wait_dma2 semaphore(%run_scoped3A : memref<!tpu.dma_semaphore, #tpu.memory_space<semaphore_mem>>) src(%dma_wait3A_38 : memref<158x128xi32, #tpu.memory_space<hbm>>) dst(%arg8 : memref<158x128xi32, #tpu.memory_space<vmem>>)
      tpu.yield
    }) : () -> ()
    "tpu.region"() ({
      %run_scoped3A = tpu.sem_alloc : memref<!tpu.dma_semaphore, #tpu.memory_space<semaphore_mem>>
      tpu.enqueue_dma source(%arg5 : memref<128x64xf32, #tpu.memory_space<hbm>>) target(%arg9 : memref<128x64xf32, #tpu.memory_space<vmem>>) target_semaphore(%run_scoped3A : memref<!tpu.dma_semaphore, #tpu.memory_space<semaphore_mem>>)
      tpu.wait_dma2 semaphore(%run_scoped3A : memref<!tpu.dma_semaphore, #tpu.memory_space<semaphore_mem>>) src(%arg5 : memref<128x64xf32, #tpu.memory_space<hbm>>) dst(%arg9 : memref<128x64xf32, #tpu.memory_space<vmem>>)
      tpu.yield
    }) : () -> ()
    %mul3A = arith.constant 640 : i32
    %mul3A_0 = arith.muli %arg1, %mul3A : i32
    %add3A = arith.constant 0 : i32
    %add3A_1 = arith.addi %mul3A_0, %add3A : i32
    "tpu.region"() ({
      %run_scoped3A = tpu.sem_alloc : memref<!tpu.dma_semaphore, #tpu.memory_space<semaphore_mem>>
      %dma_start3A = arith.constant 0 : i32
      %dma_start3A_25 = tpu.memref_slice %arg11[%add3A_1, %dma_start3A] : memref<10240x64xf32, #tpu.memory_space<vmem_shared>> -> memref<128x64xf32, #tpu.memory_space<vmem_shared>>
      %dma_start3A_26 = arith.constant 0 : i32
      %dma_start3A_27 = tpu.memref_slice %arg11[%add3A_1, %dma_start3A_26] : memref<10240x64xf32, #tpu.memory_space<vmem_shared>> -> memref<128x64xf32, #tpu.memory_space<vmem_shared>>
      tpu.enqueue_dma source(%arg9 : memref<128x64xf32, #tpu.memory_space<vmem>>) target(%dma_start3A_27 : memref<128x64xf32, #tpu.memory_space<vmem_shared>>) target_semaphore(%run_scoped3A : memref<!tpu.dma_semaphore, #tpu.memory_space<semaphore_mem>>)
      %dma_wait3A = arith.constant 0 : i32
      %dma_wait3A_28 = tpu.memref_slice %arg11[%add3A_1, %dma_wait3A] : memref<10240x64xf32, #tpu.memory_space<vmem_shared>> -> memref<128x64xf32, #tpu.memory_space<vmem_shared>>
      %dma_wait3A_29 = arith.constant 0 : i32
      %dma_wait3A_30 = tpu.memref_slice %arg11[%add3A_1, %dma_wait3A_29] : memref<10240x64xf32, #tpu.memory_space<vmem_shared>> -> memref<128x64xf32, #tpu.memory_space<vmem_shared>>
      tpu.wait_dma2 semaphore(%run_scoped3A : memref<!tpu.dma_semaphore, #tpu.memory_space<semaphore_mem>>) src(%arg9 : memref<128x64xf32, #tpu.memory_space<vmem>>) dst(%dma_wait3A_30 : memref<128x64xf32, #tpu.memory_space<vmem_shared>>)
      tpu.yield
    }) : () -> ()
    %mul3A_2 = arith.constant 640 : i32
    %mul3A_3 = arith.muli %arg1, %mul3A_2 : i32
    %add3A_4 = arith.constant 128 : i32
    %add3A_5 = arith.addi %mul3A_3, %add3A_4 : i32
    "tpu.region"() ({
      %run_scoped3A = tpu.sem_alloc : memref<!tpu.dma_semaphore, #tpu.memory_space<semaphore_mem>>
      %dma_start3A = arith.constant 0 : i32
      %dma_start3A_25 = tpu.memref_slice %arg11[%add3A_5, %dma_start3A] : memref<10240x64xf32, #tpu.memory_space<vmem_shared>> -> memref<128x64xf32, #tpu.memory_space<vmem_shared>>
      %dma_start3A_26 = arith.constant 0 : i32
      %dma_start3A_27 = tpu.memref_slice %arg11[%add3A_5, %dma_start3A_26] : memref<10240x64xf32, #tpu.memory_space<vmem_shared>> -> memref<128x64xf32, #tpu.memory_space<vmem_shared>>
      tpu.enqueue_dma source(%arg9 : memref<128x64xf32, #tpu.memory_space<vmem>>) target(%dma_start3A_27 : memref<128x64xf32, #tpu.memory_space<vmem_shared>>) target_semaphore(%run_scoped3A : memref<!tpu.dma_semaphore, #tpu.memory_space<semaphore_mem>>)
      %dma_wait3A = arith.constant 0 : i32
      %dma_wait3A_28 = tpu.memref_slice %arg11[%add3A_5, %dma_wait3A] : memref<10240x64xf32, #tpu.memory_space<vmem_shared>> -> memref<128x64xf32, #tpu.memory_space<vmem_shared>>
      %dma_wait3A_29 = arith.constant 0 : i32
      %dma_wait3A_30 = tpu.memref_slice %arg11[%add3A_5, %dma_wait3A_29] : memref<10240x64xf32, #tpu.memory_space<vmem_shared>> -> memref<128x64xf32, #tpu.memory_space<vmem_shared>>
      tpu.wait_dma2 semaphore(%run_scoped3A : memref<!tpu.dma_semaphore, #tpu.memory_space<semaphore_mem>>) src(%arg9 : memref<128x64xf32, #tpu.memory_space<vmem>>) dst(%dma_wait3A_30 : memref<128x64xf32, #tpu.memory_space<vmem_shared>>)
      tpu.yield
    }) : () -> ()
    %mul3A_6 = arith.constant 640 : i32
    %mul3A_7 = arith.muli %arg1, %mul3A_6 : i32
    %add3A_8 = arith.constant 256 : i32
    %add3A_9 = arith.addi %mul3A_7, %add3A_8 : i32
    "tpu.region"() ({
      %run_scoped3A = tpu.sem_alloc : memref<!tpu.dma_semaphore, #tpu.memory_space<semaphore_mem>>
      %dma_start3A = arith.constant 0 : i32
      %dma_start3A_25 = tpu.memref_slice %arg11[%add3A_9, %dma_start3A] : memref<10240x64xf32, #tpu.memory_space<vmem_shared>> -> memref<128x64xf32, #tpu.memory_space<vmem_shared>>
      %dma_start3A_26 = arith.constant 0 : i32
      %dma_start3A_27 = tpu.memref_slice %arg11[%add3A_9, %dma_start3A_26] : memref<10240x64xf32, #tpu.memory_space<vmem_shared>> -> memref<128x64xf32, #tpu.memory_space<vmem_shared>>
      tpu.enqueue_dma source(%arg9 : memref<128x64xf32, #tpu.memory_space<vmem>>) target(%dma_start3A_27 : memref<128x64xf32, #tpu.memory_space<vmem_shared>>) target_semaphore(%run_scoped3A : memref<!tpu.dma_semaphore, #tpu.memory_space<semaphore_mem>>)
      %dma_wait3A = arith.constant 0 : i32
      %dma_wait3A_28 = tpu.memref_slice %arg11[%add3A_9, %dma_wait3A] : memref<10240x64xf32, #tpu.memory_space<vmem_shared>> -> memref<128x64xf32, #tpu.memory_space<vmem_shared>>
      %dma_wait3A_29 = arith.constant 0 : i32
      %dma_wait3A_30 = tpu.memref_slice %arg11[%add3A_9, %dma_wait3A_29] : memref<10240x64xf32, #tpu.memory_space<vmem_shared>> -> memref<128x64xf32, #tpu.memory_space<vmem_shared>>
      tpu.wait_dma2 semaphore(%run_scoped3A : memref<!tpu.dma_semaphore, #tpu.memory_space<semaphore_mem>>) src(%arg9 : memref<128x64xf32, #tpu.memory_space<vmem>>) dst(%dma_wait3A_30 : memref<128x64xf32, #tpu.memory_space<vmem_shared>>)
      tpu.yield
    }) : () -> ()
    %mul3A_10 = arith.constant 640 : i32
    %mul3A_11 = arith.muli %arg1, %mul3A_10 : i32
    %add3A_12 = arith.constant 384 : i32
    %add3A_13 = arith.addi %mul3A_11, %add3A_12 : i32
    "tpu.region"() ({
      %run_scoped3A = tpu.sem_alloc : memref<!tpu.dma_semaphore, #tpu.memory_space<semaphore_mem>>
      %dma_start3A = arith.constant 0 : i32
      %dma_start3A_25 = tpu.memref_slice %arg11[%add3A_13, %dma_start3A] : memref<10240x64xf32, #tpu.memory_space<vmem_shared>> -> memref<128x64xf32, #tpu.memory_space<vmem_shared>>
      %dma_start3A_26 = arith.constant 0 : i32
      %dma_start3A_27 = tpu.memref_slice %arg11[%add3A_13, %dma_start3A_26] : memref<10240x64xf32, #tpu.memory_space<vmem_shared>> -> memref<128x64xf32, #tpu.memory_space<vmem_shared>>
      tpu.enqueue_dma source(%arg9 : memref<128x64xf32, #tpu.memory_space<vmem>>) target(%dma_start3A_27 : memref<128x64xf32, #tpu.memory_space<vmem_shared>>) target_semaphore(%run_scoped3A : memref<!tpu.dma_semaphore, #tpu.memory_space<semaphore_mem>>)
      %dma_wait3A = arith.constant 0 : i32
      %dma_wait3A_28 = tpu.memref_slice %arg11[%add3A_13, %dma_wait3A] : memref<10240x64xf32, #tpu.memory_space<vmem_shared>> -> memref<128x64xf32, #tpu.memory_space<vmem_shared>>
      %dma_wait3A_29 = arith.constant 0 : i32
      %dma_wait3A_30 = tpu.memref_slice %arg11[%add3A_13, %dma_wait3A_29] : memref<10240x64xf32, #tpu.memory_space<vmem_shared>> -> memref<128x64xf32, #tpu.memory_space<vmem_shared>>
      tpu.wait_dma2 semaphore(%run_scoped3A : memref<!tpu.dma_semaphore, #tpu.memory_space<semaphore_mem>>) src(%arg9 : memref<128x64xf32, #tpu.memory_space<vmem>>) dst(%dma_wait3A_30 : memref<128x64xf32, #tpu.memory_space<vmem_shared>>)
      tpu.yield
    }) : () -> ()
    %mul3A_14 = arith.constant 640 : i32
    %mul3A_15 = arith.muli %arg1, %mul3A_14 : i32
    %add3A_16 = arith.constant 512 : i32
    %add3A_17 = arith.addi %mul3A_15, %add3A_16 : i32
    "tpu.region"() ({
      %run_scoped3A = tpu.sem_alloc : memref<!tpu.dma_semaphore, #tpu.memory_space<semaphore_mem>>
      %dma_start3A = arith.constant 0 : i32
      %dma_start3A_25 = tpu.memref_slice %arg11[%add3A_17, %dma_start3A] : memref<10240x64xf32, #tpu.memory_space<vmem_shared>> -> memref<128x64xf32, #tpu.memory_space<vmem_shared>>
      %dma_start3A_26 = arith.constant 0 : i32
      %dma_start3A_27 = tpu.memref_slice %arg11[%add3A_17, %dma_start3A_26] : memref<10240x64xf32, #tpu.memory_space<vmem_shared>> -> memref<128x64xf32, #tpu.memory_space<vmem_shared>>
      tpu.enqueue_dma source(%arg9 : memref<128x64xf32, #tpu.memory_space<vmem>>) target(%dma_start3A_27 : memref<128x64xf32, #tpu.memory_space<vmem_shared>>) target_semaphore(%run_scoped3A : memref<!tpu.dma_semaphore, #tpu.memory_space<semaphore_mem>>)
      %dma_wait3A = arith.constant 0 : i32
      %dma_wait3A_28 = tpu.memref_slice %arg11[%add3A_17, %dma_wait3A] : memref<10240x64xf32, #tpu.memory_space<vmem_shared>> -> memref<128x64xf32, #tpu.memory_space<vmem_shared>>
      %dma_wait3A_29 = arith.constant 0 : i32
      %dma_wait3A_30 = tpu.memref_slice %arg11[%add3A_17, %dma_wait3A_29] : memref<10240x64xf32, #tpu.memory_space<vmem_shared>> -> memref<128x64xf32, #tpu.memory_space<vmem_shared>>
      tpu.wait_dma2 semaphore(%run_scoped3A : memref<!tpu.dma_semaphore, #tpu.memory_space<semaphore_mem>>) src(%arg9 : memref<128x64xf32, #tpu.memory_space<vmem>>) dst(%dma_wait3A_30 : memref<128x64xf32, #tpu.memory_space<vmem_shared>>)
      tpu.yield
    }) : () -> ()
    %barrier3A = arith.constant 0 : index
    tpu.barrier barrier_id(%barrier3A)
    %eq3A = arith.constant 0 : i32
    %eq3A_18 = arith.cmpi eq, %arg0, %eq3A : i32
    %convert_element_type3A = arith.extui %eq3A_18 : i1 to i32
    %cond3A = arith.constant 0 : i32
    %cond3A_19 = arith.cmpi ne, %convert_element_type3A, %cond3A : i32
    scf.if %cond3A_19 {
      %dma_start3A = arith.constant 0 : i32
      %dma_start3A_25 = arith.constant 0 : i32
      %dma_start3A_26 = arith.constant 0 : i32
      %dma_start3A_27 = tpu.memref_slice %arg7[%dma_start3A_25, %dma_start3A_26] : memref<158x128xi32, #tpu.memory_space<vmem>> -> memref<1x128xi32, #tpu.memory_space<vmem>>
      %dma_start3A_28 = tpu.memref_squeeze %dma_start3A_27 : memref<1x128xi32, #tpu.memory_space<vmem>> -> memref<128xi32, #tpu.memory_space<vmem>>
      %dma_start3A_29 = arith.constant 0 : i32
      %dma_start3A_30 = arith.constant 0 : i32
      %dma_start3A_31 = tpu.memref_slice %arg2[%dma_start3A, %dma_start3A_29, %dma_start3A_30] : memref<2x10000x64xf32, #tpu.memory_space<hbm>> -> memref<1x10000x64xf32, #tpu.memory_space<hbm>>
      %dma_start3A_32 = tpu.memref_squeeze %dma_start3A_31 : memref<1x10000x64xf32, #tpu.memory_space<hbm>> -> memref<10000x64xf32, #tpu.memory_space<hbm>>
      %dma_start3A_33 = arith.constant 0 : i32
      %dma_start3A_34 = arith.constant 0 : i32
      %dma_start3A_35 = tpu.memref_slice %dma_start3A_32[%dma_start3A_33, %dma_start3A_34] : memref<10000x64xf32, #tpu.memory_space<hbm>> -> memref<10000x64xf32, #tpu.memory_space<hbm>>
      tpu.enqueue_indirect_dma source(%dma_start3A_35 : memref<10000x64xf32, #tpu.memory_space<hbm>>) target(%arg9 : memref<128x64xf32, #tpu.memory_space<vmem>>) offsets(%dma_start3A_28 : memref<128xi32, #tpu.memory_space<vmem>>) semaphore(%arg12 : memref<!tpu.dma_semaphore, #tpu.memory_space<semaphore_mem>>)
      %dma_start3A_36 = arith.constant 0 : i32
      %dma_start3A_37 = arith.constant 1 : i32
      %dma_start3A_38 = arith.constant 0 : i32
      %dma_start3A_39 = tpu.memref_slice %arg7[%dma_start3A_37, %dma_start3A_38] : memref<158x128xi32, #tpu.memory_space<vmem>> -> memref<1x128xi32, #tpu.memory_space<vmem>>
      %dma_start3A_40 = tpu.memref_squeeze %dma_start3A_39 : memref<1x128xi32, #tpu.memory_space<vmem>> -> memref<128xi32, #tpu.memory_space<vmem>>
      %dma_start3A_41 = arith.constant 0 : i32
      %dma_start3A_42 = arith.constant 0 : i32
      %dma_start3A_43 = tpu.memref_slice %arg2[%dma_start3A_36, %dma_start3A_41, %dma_start3A_42] : memref<2x10000x64xf32, #tpu.memory_space<hbm>> -> memref<1x10000x64xf32, #tpu.memory_space<hbm>>
      %dma_start3A_44 = tpu.memref_squeeze %dma_start3A_43 : memref<1x10000x64xf32, #tpu.memory_space<hbm>> -> memref<10000x64xf32, #tpu.memory_space<hbm>>
      %dma_start3A_45 = arith.constant 0 : i32
      %dma_start3A_46 = arith.constant 0 : i32
      %dma_start3A_47 = tpu.memref_slice %dma_start3A_44[%dma_start3A_45, %dma_start3A_46] : memref<10000x64xf32, #tpu.memory_space<hbm>> -> memref<10000x64xf32, #tpu.memory_space<hbm>>
      tpu.enqueue_indirect_dma source(%dma_start3A_47 : memref<10000x64xf32, #tpu.memory_space<hbm>>) target(%arg10 : memref<128x64xf32, #tpu.memory_space<vmem>>) offsets(%dma_start3A_40 : memref<128xi32, #tpu.memory_space<vmem>>) semaphore(%arg13 : memref<!tpu.dma_semaphore, #tpu.memory_space<semaphore_mem>>)
      %scan3A = arith.constant 0 : i32
      %scan3A_48 = arith.constant 0 : i32
      %scan3A_49 = arith.constant 0 : i32
      %scan3A_50 = arith.constant 79 : i32
      %scan3A_51 = arith.addi %scan3A_49, %scan3A_50 : i32
      %scan3A_52 = arith.constant 1 : i32
      scf.for %scan3A_92 = %scan3A_49 to %scan3A_51 step %scan3A_52  : i32 {
        %mul3A_93 = arith.constant 2 : i32
        %mul3A_94 = arith.muli %mul3A_93, %scan3A_92 : i32
        %dma_wait3A_95 = arith.constant 0 : i32
        %dma_wait3A_96 = tpu.memref_slice %arg7[%mul3A_94, %dma_wait3A_95] : memref<158x128xi32, #tpu.memory_space<vmem>> -> memref<1x128xi32, #tpu.memory_space<vmem>>
        %dma_wait3A_97 = tpu.memref_squeeze %dma_wait3A_96 : memref<1x128xi32, #tpu.memory_space<vmem>> -> memref<128xi32, #tpu.memory_space<vmem>>
        %dma_wait3A_98 = arith.constant 0 : i32
        %dma_wait3A_99 = arith.constant 0 : i32
        %dma_wait3A_100 = tpu.memref_slice %arg2[%scan3A_48, %dma_wait3A_98, %dma_wait3A_99] : memref<2x10000x64xf32, #tpu.memory_space<hbm>> -> memref<1x10000x64xf32, #tpu.memory_space<hbm>>
        %dma_wait3A_101 = tpu.memref_squeeze %dma_wait3A_100 : memref<1x10000x64xf32, #tpu.memory_space<hbm>> -> memref<10000x64xf32, #tpu.memory_space<hbm>>
        %dma_wait3A_102 = arith.constant 0 : i32
        %dma_wait3A_103 = arith.constant 0 : i32
        %dma_wait3A_104 = tpu.memref_slice %dma_wait3A_101[%dma_wait3A_102, %dma_wait3A_103] : memref<10000x64xf32, #tpu.memory_space<hbm>> -> memref<10000x64xf32, #tpu.memory_space<hbm>>
        tpu.wait_indirect_dma semaphore(%arg12 : memref<!tpu.dma_semaphore, #tpu.memory_space<semaphore_mem>>) src(%dma_wait3A_104 : memref<10000x64xf32, #tpu.memory_space<hbm>>) dst(%arg9 : memref<128x64xf32, #tpu.memory_space<vmem>>)
        %dma_start3A_105 = arith.constant 0 : i32
        %dma_start3A_106 = tpu.memref_slice %arg8[%mul3A_94, %dma_start3A_105] : memref<158x128xi32, #tpu.memory_space<vmem>> -> memref<1x128xi32, #tpu.memory_space<vmem>>
        %dma_start3A_107 = tpu.memref_squeeze %dma_start3A_106 : memref<1x128xi32, #tpu.memory_space<vmem>> -> memref<128xi32, #tpu.memory_space<vmem>>
        %dma_start3A_108 = arith.constant 0 : i32
        %dma_start3A_109 = arith.constant 0 : i32
        %dma_start3A_110 = tpu.memref_slice %arg11[%dma_start3A_108, %dma_start3A_109] : memref<10240x64xf32, #tpu.memory_space<vmem_shared>> -> memref<10240x64xf32, #tpu.memory_space<vmem_shared>>
        tpu.enqueue_indirect_dma source(%arg9 : memref<128x64xf32, #tpu.memory_space<vmem>>) target(%dma_start3A_110 : memref<10240x64xf32, #tpu.memory_space<vmem_shared>>) offsets(%dma_start3A_107 : memref<128xi32, #tpu.memory_space<vmem>>) semaphore(%arg14 : memref<!tpu.dma_semaphore, #tpu.memory_space<semaphore_mem>>) {add = true}
        %add3A_111 = arith.constant 2 : i32
        %add3A_112 = arith.addi %mul3A_94, %add3A_111 : i32
        %lt3A = arith.constant 158 : i32
        %lt3A_113 = arith.cmpi slt, %add3A_112, %lt3A : i32
        %convert_element_type3A_114 = arith.extui %lt3A_113 : i1 to i32
        %cond3A_115 = arith.constant 0 : i32
        %cond3A_116 = arith.cmpi ne, %convert_element_type3A_114, %cond3A_115 : i32
        scf.if %cond3A_116 {
          %dma_wait3A_144 = arith.constant 0 : i32
          %dma_wait3A_145 = tpu.memref_slice %arg8[%mul3A_94, %dma_wait3A_144] : memref<158x128xi32, #tpu.memory_space<vmem>> -> memref<1x128xi32, #tpu.memory_space<vmem>>
          %dma_wait3A_146 = tpu.memref_squeeze %dma_wait3A_145 : memref<1x128xi32, #tpu.memory_space<vmem>> -> memref<128xi32, #tpu.memory_space<vmem>>
          %dma_wait3A_147 = arith.constant 0 : i32
          %dma_wait3A_148 = arith.constant 0 : i32
          %dma_wait3A_149 = tpu.memref_slice %arg11[%dma_wait3A_147, %dma_wait3A_148] : memref<10240x64xf32, #tpu.memory_space<vmem_shared>> -> memref<10240x64xf32, #tpu.memory_space<vmem_shared>>
          tpu.wait_indirect_dma semaphore(%arg14 : memref<!tpu.dma_semaphore, #tpu.memory_space<semaphore_mem>>) src(%arg9 : memref<128x64xf32, #tpu.memory_space<vmem>>) dst(%dma_wait3A_149 : memref<10240x64xf32, #tpu.memory_space<vmem_shared>>)
          %add3A_150 = arith.constant 2 : i32
          %add3A_151 = arith.addi %mul3A_94, %add3A_150 : i32
          %dma_start3A_152 = arith.constant 0 : i32
          %dma_start3A_153 = tpu.memref_slice %arg7[%add3A_151, %dma_start3A_152] : memref<158x128xi32, #tpu.memory_space<vmem>> -> memref<1x128xi32, #tpu.memory_space<vmem>>
          %dma_start3A_154 = tpu.memref_squeeze %dma_start3A_153 : memref<1x128xi32, #tpu.memory_space<vmem>> -> memref<128xi32, #tpu.memory_space<vmem>>
          %dma_start3A_155 = arith.constant 0 : i32
          %dma_start3A_156 = arith.constant 0 : i32
          %dma_start3A_157 = tpu.memref_slice %arg2[%scan3A_48, %dma_start3A_155, %dma_start3A_156] : memref<2x10000x64xf32, #tpu.memory_space<hbm>> -> memref<1x10000x64xf32, #tpu.memory_space<hbm>>
          %dma_start3A_158 = tpu.memref_squeeze %dma_start3A_157 : memref<1x10000x64xf32, #tpu.memory_space<hbm>> -> memref<10000x64xf32, #tpu.memory_space<hbm>>
          %dma_start3A_159 = arith.constant 0 : i32
          %dma_start3A_160 = arith.constant 0 : i32
          %dma_start3A_161 = tpu.memref_slice %dma_start3A_158[%dma_start3A_159, %dma_start3A_160] : memref<10000x64xf32, #tpu.memory_space<hbm>> -> memref<10000x64xf32, #tpu.memory_space<hbm>>
          tpu.enqueue_indirect_dma source(%dma_start3A_161 : memref<10000x64xf32, #tpu.memory_space<hbm>>) target(%arg9 : memref<128x64xf32, #tpu.memory_space<vmem>>) offsets(%dma_start3A_154 : memref<128xi32, #tpu.memory_space<vmem>>) semaphore(%arg12 : memref<!tpu.dma_semaphore, #tpu.memory_space<semaphore_mem>>)
        } else {
        }
        %add3A_117 = arith.constant 1 : i32
        %add3A_118 = arith.addi %mul3A_94, %add3A_117 : i32
        %dma_wait3A_119 = arith.constant 0 : i32
        %dma_wait3A_120 = tpu.memref_slice %arg7[%add3A_118, %dma_wait3A_119] : memref<158x128xi32, #tpu.memory_space<vmem>> -> memref<1x128xi32, #tpu.memory_space<vmem>>
        %dma_wait3A_121 = tpu.memref_squeeze %dma_wait3A_120 : memref<1x128xi32, #tpu.memory_space<vmem>> -> memref<128xi32, #tpu.memory_space<vmem>>
        %dma_wait3A_122 = arith.constant 0 : i32
        %dma_wait3A_123 = arith.constant 0 : i32
        %dma_wait3A_124 = tpu.memref_slice %arg2[%scan3A_48, %dma_wait3A_122, %dma_wait3A_123] : memref<2x10000x64xf32, #tpu.memory_space<hbm>> -> memref<1x10000x64xf32, #tpu.memory_space<hbm>>
        %dma_wait3A_125 = tpu.memref_squeeze %dma_wait3A_124 : memref<1x10000x64xf32, #tpu.memory_space<hbm>> -> memref<10000x64xf32, #tpu.memory_space<hbm>>
        %dma_wait3A_126 = arith.constant 0 : i32
        %dma_wait3A_127 = arith.constant 0 : i32
        %dma_wait3A_128 = tpu.memref_slice %dma_wait3A_125[%dma_wait3A_126, %dma_wait3A_127] : memref<10000x64xf32, #tpu.memory_space<hbm>> -> memref<10000x64xf32, #tpu.memory_space<hbm>>
        tpu.wait_indirect_dma semaphore(%arg13 : memref<!tpu.dma_semaphore, #tpu.memory_space<semaphore_mem>>) src(%dma_wait3A_128 : memref<10000x64xf32, #tpu.memory_space<hbm>>) dst(%arg10 : memref<128x64xf32, #tpu.memory_space<vmem>>)
        %add3A_129 = arith.constant 1 : i32
        %add3A_130 = arith.addi %mul3A_94, %add3A_129 : i32
        %dma_start3A_131 = arith.constant 0 : i32
        %dma_start3A_132 = tpu.memref_slice %arg8[%add3A_130, %dma_start3A_131] : memref<158x128xi32, #tpu.memory_space<vmem>> -> memref<1x128xi32, #tpu.memory_space<vmem>>
        %dma_start3A_133 = tpu.memref_squeeze %dma_start3A_132 : memref<1x128xi32, #tpu.memory_space<vmem>> -> memref<128xi32, #tpu.memory_space<vmem>>
        %dma_start3A_134 = arith.constant 0 : i32
        %dma_start3A_135 = arith.constant 0 : i32
        %dma_start3A_136 = tpu.memref_slice %arg11[%dma_start3A_134, %dma_start3A_135] : memref<10240x64xf32, #tpu.memory_space<vmem_shared>> -> memref<10240x64xf32, #tpu.memory_space<vmem_shared>>
        tpu.enqueue_indirect_dma source(%arg10 : memref<128x64xf32, #tpu.memory_space<vmem>>) target(%dma_start3A_136 : memref<10240x64xf32, #tpu.memory_space<vmem_shared>>) offsets(%dma_start3A_133 : memref<128xi32, #tpu.memory_space<vmem>>) semaphore(%arg15 : memref<!tpu.dma_semaphore, #tpu.memory_space<semaphore_mem>>) {add = true}
        %add3A_137 = arith.constant 3 : i32
        %add3A_138 = arith.addi %mul3A_94, %add3A_137 : i32
        %lt3A_139 = arith.constant 158 : i32
        %lt3A_140 = arith.cmpi slt, %add3A_138, %lt3A_139 : i32
        %convert_element_type3A_141 = arith.extui %lt3A_140 : i1 to i32
        %cond3A_142 = arith.constant 0 : i32
        %cond3A_143 = arith.cmpi ne, %convert_element_type3A_141, %cond3A_142 : i32
        scf.if %cond3A_143 {
          %add3A_144 = arith.constant 1 : i32
          %add3A_145 = arith.addi %mul3A_94, %add3A_144 : i32
          %dma_wait3A_146 = arith.constant 0 : i32
          %dma_wait3A_147 = tpu.memref_slice %arg8[%add3A_145, %dma_wait3A_146] : memref<158x128xi32, #tpu.memory_space<vmem>> -> memref<1x128xi32, #tpu.memory_space<vmem>>
          %dma_wait3A_148 = tpu.memref_squeeze %dma_wait3A_147 : memref<1x128xi32, #tpu.memory_space<vmem>> -> memref<128xi32, #tpu.memory_space<vmem>>
          %dma_wait3A_149 = arith.constant 0 : i32
          %dma_wait3A_150 = arith.constant 0 : i32
          %dma_wait3A_151 = tpu.memref_slice %arg11[%dma_wait3A_149, %dma_wait3A_150] : memref<10240x64xf32, #tpu.memory_space<vmem_shared>> -> memref<10240x64xf32, #tpu.memory_space<vmem_shared>>
          tpu.wait_indirect_dma semaphore(%arg15 : memref<!tpu.dma_semaphore, #tpu.memory_space<semaphore_mem>>) src(%arg10 : memref<128x64xf32, #tpu.memory_space<vmem>>) dst(%dma_wait3A_151 : memref<10240x64xf32, #tpu.memory_space<vmem_shared>>)
          %add3A_152 = arith.constant 3 : i32
          %add3A_153 = arith.addi %mul3A_94, %add3A_152 : i32
          %dma_start3A_154 = arith.constant 0 : i32
          %dma_start3A_155 = tpu.memref_slice %arg7[%add3A_153, %dma_start3A_154] : memref<158x128xi32, #tpu.memory_space<vmem>> -> memref<1x128xi32, #tpu.memory_space<vmem>>
          %dma_start3A_156 = tpu.memref_squeeze %dma_start3A_155 : memref<1x128xi32, #tpu.memory_space<vmem>> -> memref<128xi32, #tpu.memory_space<vmem>>
          %dma_start3A_157 = arith.constant 0 : i32
          %dma_start3A_158 = arith.constant 0 : i32
          %dma_start3A_159 = tpu.memref_slice %arg2[%scan3A_48, %dma_start3A_157, %dma_start3A_158] : memref<2x10000x64xf32, #tpu.memory_space<hbm>> -> memref<1x10000x64xf32, #tpu.memory_space<hbm>>
          %dma_start3A_160 = tpu.memref_squeeze %dma_start3A_159 : memref<1x10000x64xf32, #tpu.memory_space<hbm>> -> memref<10000x64xf32, #tpu.memory_space<hbm>>
          %dma_start3A_161 = arith.constant 0 : i32
          %dma_start3A_162 = arith.constant 0 : i32
          %dma_start3A_163 = tpu.memref_slice %dma_start3A_160[%dma_start3A_161, %dma_start3A_162] : memref<10000x64xf32, #tpu.memory_space<hbm>> -> memref<10000x64xf32, #tpu.memory_space<hbm>>
          tpu.enqueue_indirect_dma source(%dma_start3A_163 : memref<10000x64xf32, #tpu.memory_space<hbm>>) target(%arg10 : memref<128x64xf32, #tpu.memory_space<vmem>>) offsets(%dma_start3A_156 : memref<128xi32, #tpu.memory_space<vmem>>) semaphore(%arg13 : memref<!tpu.dma_semaphore, #tpu.memory_space<semaphore_mem>>)
        } else {
        }
      }
      %scan3A_53 = arith.constant 79 : i32
      %dma_wait3A = arith.constant 156 : i32
      %dma_wait3A_54 = arith.constant 0 : i32
      %dma_wait3A_55 = tpu.memref_slice %arg8[%dma_wait3A, %dma_wait3A_54] : memref<158x128xi32, #tpu.memory_space<vmem>> -> memref<1x128xi32, #tpu.memory_space<vmem>>
      %dma_wait3A_56 = tpu.memref_squeeze %dma_wait3A_55 : memref<1x128xi32, #tpu.memory_space<vmem>> -> memref<128xi32, #tpu.memory_space<vmem>>
      %dma_wait3A_57 = arith.constant 0 : i32
      %dma_wait3A_58 = arith.constant 0 : i32
      %dma_wait3A_59 = tpu.memref_slice %arg11[%dma_wait3A_57, %dma_wait3A_58] : memref<10240x64xf32, #tpu.memory_space<vmem_shared>> -> memref<10240x64xf32, #tpu.memory_space<vmem_shared>>
      tpu.wait_indirect_dma semaphore(%arg14 : memref<!tpu.dma_semaphore, #tpu.memory_space<semaphore_mem>>) src(%arg9 : memref<128x64xf32, #tpu.memory_space<vmem>>) dst(%dma_wait3A_59 : memref<10240x64xf32, #tpu.memory_space<vmem_shared>>)
      %dma_wait3A_60 = arith.constant 157 : i32
      %dma_wait3A_61 = arith.constant 0 : i32
      %dma_wait3A_62 = tpu.memref_slice %arg8[%dma_wait3A_60, %dma_wait3A_61] : memref<158x128xi32, #tpu.memory_space<vmem>> -> memref<1x128xi32, #tpu.memory_space<vmem>>
      %dma_wait3A_63 = tpu.memref_squeeze %dma_wait3A_62 : memref<1x128xi32, #tpu.memory_space<vmem>> -> memref<128xi32, #tpu.memory_space<vmem>>
      %dma_wait3A_64 = arith.constant 0 : i32
      %dma_wait3A_65 = arith.constant 0 : i32
      %dma_wait3A_66 = tpu.memref_slice %arg11[%dma_wait3A_64, %dma_wait3A_65] : memref<10240x64xf32, #tpu.memory_space<vmem_shared>> -> memref<10240x64xf32, #tpu.memory_space<vmem_shared>>
      tpu.wait_indirect_dma semaphore(%arg15 : memref<!tpu.dma_semaphore, #tpu.memory_space<semaphore_mem>>) src(%arg10 : memref<128x64xf32, #tpu.memory_space<vmem>>) dst(%dma_wait3A_66 : memref<10240x64xf32, #tpu.memory_space<vmem_shared>>)
      %barrier3A_67 = arith.constant 0 : index
      tpu.barrier barrier_id(%barrier3A_67)
      %mul3A_68 = arith.constant 640 : i32
      %mul3A_69 = arith.muli %arg1, %mul3A_68 : i32
      %add3A_70 = arith.constant 0 : i32
      %add3A_71 = arith.addi %mul3A_69, %add3A_70 : i32
      %run_scoped3A = arith.constant 0 : i32
      "tpu.region"() ({
        %run_scoped3A_92 = tpu.sem_alloc : memref<!tpu.dma_semaphore, #tpu.memory_space<semaphore_mem>>
        %dma_start3A_93 = arith.constant 0 : i32
        %dma_start3A_94 = arith.constant 0 : i32
        %dma_start3A_95 = tpu.memref_slice %arg6[%run_scoped3A, %dma_start3A_93, %dma_start3A_94] : memref<2x10240x64xf32, #tpu.memory_space<hbm>> -> memref<1x10240x64xf32, #tpu.memory_space<hbm>>
        %dma_start3A_96 = tpu.memref_squeeze %dma_start3A_95 : memref<1x10240x64xf32, #tpu.memory_space<hbm>> -> memref<10240x64xf32, #tpu.memory_space<hbm>>
        %dma_start3A_97 = arith.constant 0 : i32
        %dma_start3A_98 = tpu.memref_slice %dma_start3A_96[%add3A_71, %dma_start3A_97] : memref<10240x64xf32, #tpu.memory_space<hbm>> -> memref<128x64xf32, #tpu.memory_space<hbm>>
        %dma_start3A_99 = arith.constant 0 : i32
        %dma_start3A_100 = tpu.memref_slice %arg11[%add3A_71, %dma_start3A_99] : memref<10240x64xf32, #tpu.memory_space<vmem_shared>> -> memref<128x64xf32, #tpu.memory_space<vmem_shared>>
        tpu.enqueue_dma source(%dma_start3A_100 : memref<128x64xf32, #tpu.memory_space<vmem_shared>>) target(%dma_start3A_98 : memref<128x64xf32, #tpu.memory_space<hbm>>) target_semaphore(%run_scoped3A_92 : memref<!tpu.dma_semaphore, #tpu.memory_space<semaphore_mem>>)
        %dma_wait3A_101 = arith.constant 0 : i32
        %dma_wait3A_102 = arith.constant 0 : i32
        %dma_wait3A_103 = tpu.memref_slice %arg6[%run_scoped3A, %dma_wait3A_101, %dma_wait3A_102] : memref<2x10240x64xf32, #tpu.memory_space<hbm>> -> memref<1x10240x64xf32, #tpu.memory_space<hbm>>
        %dma_wait3A_104 = tpu.memref_squeeze %dma_wait3A_103 : memref<1x10240x64xf32, #tpu.memory_space<hbm>> -> memref<10240x64xf32, #tpu.memory_space<hbm>>
        %dma_wait3A_105 = arith.constant 0 : i32
        %dma_wait3A_106 = tpu.memref_slice %dma_wait3A_104[%add3A_71, %dma_wait3A_105] : memref<10240x64xf32, #tpu.memory_space<hbm>> -> memref<128x64xf32, #tpu.memory_space<hbm>>
        %dma_wait3A_107 = arith.constant 0 : i32
        %dma_wait3A_108 = tpu.memref_slice %arg11[%add3A_71, %dma_wait3A_107] : memref<10240x64xf32, #tpu.memory_space<vmem_shared>> -> memref<128x64xf32, #tpu.memory_space<vmem_shared>>
        tpu.wait_dma2 semaphore(%run_scoped3A_92 : memref<!tpu.dma_semaphore, #tpu.memory_space<semaphore_mem>>) src(%dma_wait3A_108 : memref<128x64xf32, #tpu.memory_space<vmem_shared>>) dst(%dma_wait3A_106 : memref<128x64xf32, #tpu.memory_space<hbm>>)
        tpu.yield
      }) : () -> ()
      %mul3A_72 = arith.constant 640 : i32
      %mul3A_73 = arith.muli %arg1, %mul3A_72 : i32
      %add3A_74 = arith.constant 128 : i32
      %add3A_75 = arith.addi %mul3A_73, %add3A_74 : i32
      %run_scoped3A_76 = arith.constant 0 : i32
      "tpu.region"() ({
        %run_scoped3A_92 = tpu.sem_alloc : memref<!tpu.dma_semaphore, #tpu.memory_space<semaphore_mem>>
        %dma_start3A_93 = arith.constant 0 : i32
        %dma_start3A_94 = arith.constant 0 : i32
        %dma_start3A_95 = tpu.memref_slice %arg6[%run_scoped3A_76, %dma_start3A_93, %dma_start3A_94] : memref<2x10240x64xf32, #tpu.memory_space<hbm>> -> memref<1x10240x64xf32, #tpu.memory_space<hbm>>
        %dma_start3A_96 = tpu.memref_squeeze %dma_start3A_95 : memref<1x10240x64xf32, #tpu.memory_space<hbm>> -> memref<10240x64xf32, #tpu.memory_space<hbm>>
        %dma_start3A_97 = arith.constant 0 : i32
        %dma_start3A_98 = tpu.memref_slice %dma_start3A_96[%add3A_75, %dma_start3A_97] : memref<10240x64xf32, #tpu.memory_space<hbm>> -> memref<128x64xf32, #tpu.memory_space<hbm>>
        %dma_start3A_99 = arith.constant 0 : i32
        %dma_start3A_100 = tpu.memref_slice %arg11[%add3A_75, %dma_start3A_99] : memref<10240x64xf32, #tpu.memory_space<vmem_shared>> -> memref<128x64xf32, #tpu.memory_space<vmem_shared>>
        tpu.enqueue_dma source(%dma_start3A_100 : memref<128x64xf32, #tpu.memory_space<vmem_shared>>) target(%dma_start3A_98 : memref<128x64xf32, #tpu.memory_space<hbm>>) target_semaphore(%run_scoped3A_92 : memref<!tpu.dma_semaphore, #tpu.memory_space<semaphore_mem>>)
        %dma_wait3A_101 = arith.constant 0 : i32
        %dma_wait3A_102 = arith.constant 0 : i32
        %dma_wait3A_103 = tpu.memref_slice %arg6[%run_scoped3A_76, %dma_wait3A_101, %dma_wait3A_102] : memref<2x10240x64xf32, #tpu.memory_space<hbm>> -> memref<1x10240x64xf32, #tpu.memory_space<hbm>>
        %dma_wait3A_104 = tpu.memref_squeeze %dma_wait3A_103 : memref<1x10240x64xf32, #tpu.memory_space<hbm>> -> memref<10240x64xf32, #tpu.memory_space<hbm>>
        %dma_wait3A_105 = arith.constant 0 : i32
        %dma_wait3A_106 = tpu.memref_slice %dma_wait3A_104[%add3A_75, %dma_wait3A_105] : memref<10240x64xf32, #tpu.memory_space<hbm>> -> memref<128x64xf32, #tpu.memory_space<hbm>>
        %dma_wait3A_107 = arith.constant 0 : i32
        %dma_wait3A_108 = tpu.memref_slice %arg11[%add3A_75, %dma_wait3A_107] : memref<10240x64xf32, #tpu.memory_space<vmem_shared>> -> memref<128x64xf32, #tpu.memory_space<vmem_shared>>
        tpu.wait_dma2 semaphore(%run_scoped3A_92 : memref<!tpu.dma_semaphore, #tpu.memory_space<semaphore_mem>>) src(%dma_wait3A_108 : memref<128x64xf32, #tpu.memory_space<vmem_shared>>) dst(%dma_wait3A_106 : memref<128x64xf32, #tpu.memory_space<hbm>>)
        tpu.yield
      }) : () -> ()
      %mul3A_77 = arith.constant 640 : i32
      %mul3A_78 = arith.muli %arg1, %mul3A_77 : i32
      %add3A_79 = arith.constant 256 : i32
      %add3A_80 = arith.addi %mul3A_78, %add3A_79 : i32
      %run_scoped3A_81 = arith.constant 0 : i32
      "tpu.region"() ({
        %run_scoped3A_92 = tpu.sem_alloc : memref<!tpu.dma_semaphore, #tpu.memory_space<semaphore_mem>>
        %dma_start3A_93 = arith.constant 0 : i32
        %dma_start3A_94 = arith.constant 0 : i32
        %dma_start3A_95 = tpu.memref_slice %arg6[%run_scoped3A_81, %dma_start3A_93, %dma_start3A_94] : memref<2x10240x64xf32, #tpu.memory_space<hbm>> -> memref<1x10240x64xf32, #tpu.memory_space<hbm>>
        %dma_start3A_96 = tpu.memref_squeeze %dma_start3A_95 : memref<1x10240x64xf32, #tpu.memory_space<hbm>> -> memref<10240x64xf32, #tpu.memory_space<hbm>>
        %dma_start3A_97 = arith.constant 0 : i32
        %dma_start3A_98 = tpu.memref_slice %dma_start3A_96[%add3A_80, %dma_start3A_97] : memref<10240x64xf32, #tpu.memory_space<hbm>> -> memref<128x64xf32, #tpu.memory_space<hbm>>
        %dma_start3A_99 = arith.constant 0 : i32
        %dma_start3A_100 = tpu.memref_slice %arg11[%add3A_80, %dma_start3A_99] : memref<10240x64xf32, #tpu.memory_space<vmem_shared>> -> memref<128x64xf32, #tpu.memory_space<vmem_shared>>
        tpu.enqueue_dma source(%dma_start3A_100 : memref<128x64xf32, #tpu.memory_space<vmem_shared>>) target(%dma_start3A_98 : memref<128x64xf32, #tpu.memory_space<hbm>>) target_semaphore(%run_scoped3A_92 : memref<!tpu.dma_semaphore, #tpu.memory_space<semaphore_mem>>)
        %dma_wait3A_101 = arith.constant 0 : i32
        %dma_wait3A_102 = arith.constant 0 : i32
        %dma_wait3A_103 = tpu.memref_slice %arg6[%run_scoped3A_81, %dma_wait3A_101, %dma_wait3A_102] : memref<2x10240x64xf32, #tpu.memory_space<hbm>> -> memref<1x10240x64xf32, #tpu.memory_space<hbm>>
        %dma_wait3A_104 = tpu.memref_squeeze %dma_wait3A_103 : memref<1x10240x64xf32, #tpu.memory_space<hbm>> -> memref<10240x64xf32, #tpu.memory_space<hbm>>
        %dma_wait3A_105 = arith.constant 0 : i32
        %dma_wait3A_106 = tpu.memref_slice %dma_wait3A_104[%add3A_80, %dma_wait3A_105] : memref<10240x64xf32, #tpu.memory_space<hbm>> -> memref<128x64xf32, #tpu.memory_space<hbm>>
        %dma_wait3A_107 = arith.constant 0 : i32
        %dma_wait3A_108 = tpu.memref_slice %arg11[%add3A_80, %dma_wait3A_107] : memref<10240x64xf32, #tpu.memory_space<vmem_shared>> -> memref<128x64xf32, #tpu.memory_space<vmem_shared>>
        tpu.wait_dma2 semaphore(%run_scoped3A_92 : memref<!tpu.dma_semaphore, #tpu.memory_space<semaphore_mem>>) src(%dma_wait3A_108 : memref<128x64xf32, #tpu.memory_space<vmem_shared>>) dst(%dma_wait3A_106 : memref<128x64xf32, #tpu.memory_space<hbm>>)
        tpu.yield
      }) : () -> ()
      %mul3A_82 = arith.constant 640 : i32
      %mul3A_83 = arith.muli %arg1, %mul3A_82 : i32
      %add3A_84 = arith.constant 384 : i32
      %add3A_85 = arith.addi %mul3A_83, %add3A_84 : i32
      %run_scoped3A_86 = arith.constant 0 : i32
      "tpu.region"() ({
        %run_scoped3A_92 = tpu.sem_alloc : memref<!tpu.dma_semaphore, #tpu.memory_space<semaphore_mem>>
        %dma_start3A_93 = arith.constant 0 : i32
        %dma_start3A_94 = arith.constant 0 : i32
        %dma_start3A_95 = tpu.memref_slice %arg6[%run_scoped3A_86, %dma_start3A_93, %dma_start3A_94] : memref<2x10240x64xf32, #tpu.memory_space<hbm>> -> memref<1x10240x64xf32, #tpu.memory_space<hbm>>
        %dma_start3A_96 = tpu.memref_squeeze %dma_start3A_95 : memref<1x10240x64xf32, #tpu.memory_space<hbm>> -> memref<10240x64xf32, #tpu.memory_space<hbm>>
        %dma_start3A_97 = arith.constant 0 : i32
        %dma_start3A_98 = tpu.memref_slice %dma_start3A_96[%add3A_85, %dma_start3A_97] : memref<10240x64xf32, #tpu.memory_space<hbm>> -> memref<128x64xf32, #tpu.memory_space<hbm>>
        %dma_start3A_99 = arith.constant 0 : i32
        %dma_start3A_100 = tpu.memref_slice %arg11[%add3A_85, %dma_start3A_99] : memref<10240x64xf32, #tpu.memory_space<vmem_shared>> -> memref<128x64xf32, #tpu.memory_space<vmem_shared>>
        tpu.enqueue_dma source(%dma_start3A_100 : memref<128x64xf32, #tpu.memory_space<vmem_shared>>) target(%dma_start3A_98 : memref<128x64xf32, #tpu.memory_space<hbm>>) target_semaphore(%run_scoped3A_92 : memref<!tpu.dma_semaphore, #tpu.memory_space<semaphore_mem>>)
        %dma_wait3A_101 = arith.constant 0 : i32
        %dma_wait3A_102 = arith.constant 0 : i32
        %dma_wait3A_103 = tpu.memref_slice %arg6[%run_scoped3A_86, %dma_wait3A_101, %dma_wait3A_102] : memref<2x10240x64xf32, #tpu.memory_space<hbm>> -> memref<1x10240x64xf32, #tpu.memory_space<hbm>>
        %dma_wait3A_104 = tpu.memref_squeeze %dma_wait3A_103 : memref<1x10240x64xf32, #tpu.memory_space<hbm>> -> memref<10240x64xf32, #tpu.memory_space<hbm>>
        %dma_wait3A_105 = arith.constant 0 : i32
        %dma_wait3A_106 = tpu.memref_slice %dma_wait3A_104[%add3A_85, %dma_wait3A_105] : memref<10240x64xf32, #tpu.memory_space<hbm>> -> memref<128x64xf32, #tpu.memory_space<hbm>>
        %dma_wait3A_107 = arith.constant 0 : i32
        %dma_wait3A_108 = tpu.memref_slice %arg11[%add3A_85, %dma_wait3A_107] : memref<10240x64xf32, #tpu.memory_space<vmem_shared>> -> memref<128x64xf32, #tpu.memory_space<vmem_shared>>
        tpu.wait_dma2 semaphore(%run_scoped3A_92 : memref<!tpu.dma_semaphore, #tpu.memory_space<semaphore_mem>>) src(%dma_wait3A_108 : memref<128x64xf32, #tpu.memory_space<vmem_shared>>) dst(%dma_wait3A_106 : memref<128x64xf32, #tpu.memory_space<hbm>>)
        tpu.yield
      }) : () -> ()
      %mul3A_87 = arith.constant 640 : i32
      %mul3A_88 = arith.muli %arg1, %mul3A_87 : i32
      %add3A_89 = arith.constant 512 : i32
      %add3A_90 = arith.addi %mul3A_88, %add3A_89 : i32
      %run_scoped3A_91 = arith.constant 0 : i32
      "tpu.region"() ({
        %run_scoped3A_92 = tpu.sem_alloc : memref<!tpu.dma_semaphore, #tpu.memory_space<semaphore_mem>>
        %dma_start3A_93 = arith.constant 0 : i32
        %dma_start3A_94 = arith.constant 0 : i32
        %dma_start3A_95 = tpu.memref_slice %arg6[%run_scoped3A_91, %dma_start3A_93, %dma_start3A_94] : memref<2x10240x64xf32, #tpu.memory_space<hbm>> -> memref<1x10240x64xf32, #tpu.memory_space<hbm>>
        %dma_start3A_96 = tpu.memref_squeeze %dma_start3A_95 : memref<1x10240x64xf32, #tpu.memory_space<hbm>> -> memref<10240x64xf32, #tpu.memory_space<hbm>>
        %dma_start3A_97 = arith.constant 0 : i32
        %dma_start3A_98 = tpu.memref_slice %dma_start3A_96[%add3A_90, %dma_start3A_97] : memref<10240x64xf32, #tpu.memory_space<hbm>> -> memref<128x64xf32, #tpu.memory_space<hbm>>
        %dma_start3A_99 = arith.constant 0 : i32
        %dma_start3A_100 = tpu.memref_slice %arg11[%add3A_90, %dma_start3A_99] : memref<10240x64xf32, #tpu.memory_space<vmem_shared>> -> memref<128x64xf32, #tpu.memory_space<vmem_shared>>
        tpu.enqueue_dma source(%dma_start3A_100 : memref<128x64xf32, #tpu.memory_space<vmem_shared>>) target(%dma_start3A_98 : memref<128x64xf32, #tpu.memory_space<hbm>>) target_semaphore(%run_scoped3A_92 : memref<!tpu.dma_semaphore, #tpu.memory_space<semaphore_mem>>)
        %dma_wait3A_101 = arith.constant 0 : i32
        %dma_wait3A_102 = arith.constant 0 : i32
        %dma_wait3A_103 = tpu.memref_slice %arg6[%run_scoped3A_91, %dma_wait3A_101, %dma_wait3A_102] : memref<2x10240x64xf32, #tpu.memory_space<hbm>> -> memref<1x10240x64xf32, #tpu.memory_space<hbm>>
        %dma_wait3A_104 = tpu.memref_squeeze %dma_wait3A_103 : memref<1x10240x64xf32, #tpu.memory_space<hbm>> -> memref<10240x64xf32, #tpu.memory_space<hbm>>
        %dma_wait3A_105 = arith.constant 0 : i32
        %dma_wait3A_106 = tpu.memref_slice %dma_wait3A_104[%add3A_90, %dma_wait3A_105] : memref<10240x64xf32, #tpu.memory_space<hbm>> -> memref<128x64xf32, #tpu.memory_space<hbm>>
        %dma_wait3A_107 = arith.constant 0 : i32
        %dma_wait3A_108 = tpu.memref_slice %arg11[%add3A_90, %dma_wait3A_107] : memref<10240x64xf32, #tpu.memory_space<vmem_shared>> -> memref<128x64xf32, #tpu.memory_space<vmem_shared>>
        tpu.wait_dma2 semaphore(%run_scoped3A_92 : memref<!tpu.dma_semaphore, #tpu.memory_space<semaphore_mem>>) src(%dma_wait3A_108 : memref<128x64xf32, #tpu.memory_space<vmem_shared>>) dst(%dma_wait3A_106 : memref<128x64xf32, #tpu.memory_space<hbm>>)
        tpu.yield
      }) : () -> ()
    } else {
    }
    %eq3A_20 = arith.constant 1 : i32
    %eq3A_21 = arith.cmpi eq, %arg0, %eq3A_20 : i32
    %convert_element_type3A_22 = arith.extui %eq3A_21 : i1 to i32
    %cond3A_23 = arith.constant 0 : i32
    %cond3A_24 = arith.cmpi ne, %convert_element_type3A_22, %cond3A_23 : i32
    scf.if %cond3A_24 {
      %dma_start3A = arith.constant 1 : i32
      %dma_start3A_25 = arith.constant 0 : i32
      %dma_start3A_26 = arith.constant 0 : i32
      %dma_start3A_27 = tpu.memref_slice %arg7[%dma_start3A_25, %dma_start3A_26] : memref<158x128xi32, #tpu.memory_space<vmem>> -> memref<1x128xi32, #tpu.memory_space<vmem>>
      %dma_start3A_28 = tpu.memref_squeeze %dma_start3A_27 : memref<1x128xi32, #tpu.memory_space<vmem>> -> memref<128xi32, #tpu.memory_space<vmem>>
      %dma_start3A_29 = arith.constant 0 : i32
      %dma_start3A_30 = arith.constant 0 : i32
      %dma_start3A_31 = tpu.memref_slice %arg2[%dma_start3A, %dma_start3A_29, %dma_start3A_30] : memref<2x10000x64xf32, #tpu.memory_space<hbm>> -> memref<1x10000x64xf32, #tpu.memory_space<hbm>>
      %dma_start3A_32 = tpu.memref_squeeze %dma_start3A_31 : memref<1x10000x64xf32, #tpu.memory_space<hbm>> -> memref<10000x64xf32, #tpu.memory_space<hbm>>
      %dma_start3A_33 = arith.constant 0 : i32
      %dma_start3A_34 = arith.constant 0 : i32
      %dma_start3A_35 = tpu.memref_slice %dma_start3A_32[%dma_start3A_33, %dma_start3A_34] : memref<10000x64xf32, #tpu.memory_space<hbm>> -> memref<10000x64xf32, #tpu.memory_space<hbm>>
      tpu.enqueue_indirect_dma source(%dma_start3A_35 : memref<10000x64xf32, #tpu.memory_space<hbm>>) target(%arg9 : memref<128x64xf32, #tpu.memory_space<vmem>>) offsets(%dma_start3A_28 : memref<128xi32, #tpu.memory_space<vmem>>) semaphore(%arg12 : memref<!tpu.dma_semaphore, #tpu.memory_space<semaphore_mem>>)
      %dma_start3A_36 = arith.constant 1 : i32
      %dma_start3A_37 = arith.constant 1 : i32
      %dma_start3A_38 = arith.constant 0 : i32
      %dma_start3A_39 = tpu.memref_slice %arg7[%dma_start3A_37, %dma_start3A_38] : memref<158x128xi32, #tpu.memory_space<vmem>> -> memref<1x128xi32, #tpu.memory_space<vmem>>
      %dma_start3A_40 = tpu.memref_squeeze %dma_start3A_39 : memref<1x128xi32, #tpu.memory_space<vmem>> -> memref<128xi32, #tpu.memory_space<vmem>>
      %dma_start3A_41 = arith.constant 0 : i32
      %dma_start3A_42 = arith.constant 0 : i32
      %dma_start3A_43 = tpu.memref_slice %arg2[%dma_start3A_36, %dma_start3A_41, %dma_start3A_42] : memref<2x10000x64xf32, #tpu.memory_space<hbm>> -> memref<1x10000x64xf32, #tpu.memory_space<hbm>>
      %dma_start3A_44 = tpu.memref_squeeze %dma_start3A_43 : memref<1x10000x64xf32, #tpu.memory_space<hbm>> -> memref<10000x64xf32, #tpu.memory_space<hbm>>
      %dma_start3A_45 = arith.constant 0 : i32
      %dma_start3A_46 = arith.constant 0 : i32
      %dma_start3A_47 = tpu.memref_slice %dma_start3A_44[%dma_start3A_45, %dma_start3A_46] : memref<10000x64xf32, #tpu.memory_space<hbm>> -> memref<10000x64xf32, #tpu.memory_space<hbm>>
      tpu.enqueue_indirect_dma source(%dma_start3A_47 : memref<10000x64xf32, #tpu.memory_space<hbm>>) target(%arg10 : memref<128x64xf32, #tpu.memory_space<vmem>>) offsets(%dma_start3A_40 : memref<128xi32, #tpu.memory_space<vmem>>) semaphore(%arg13 : memref<!tpu.dma_semaphore, #tpu.memory_space<semaphore_mem>>)
      %scan3A = arith.constant 0 : i32
      %scan3A_48 = arith.constant 1 : i32
      %scan3A_49 = arith.constant 0 : i32
      %scan3A_50 = arith.constant 79 : i32
      %scan3A_51 = arith.addi %scan3A_49, %scan3A_50 : i32
      %scan3A_52 = arith.constant 1 : i32
      scf.for %scan3A_92 = %scan3A_49 to %scan3A_51 step %scan3A_52  : i32 {
        %mul3A_93 = arith.constant 2 : i32
        %mul3A_94 = arith.muli %mul3A_93, %scan3A_92 : i32
        %dma_wait3A_95 = arith.constant 0 : i32
        %dma_wait3A_96 = tpu.memref_slice %arg7[%mul3A_94, %dma_wait3A_95] : memref<158x128xi32, #tpu.memory_space<vmem>> -> memref<1x128xi32, #tpu.memory_space<vmem>>
        %dma_wait3A_97 = tpu.memref_squeeze %dma_wait3A_96 : memref<1x128xi32, #tpu.memory_space<vmem>> -> memref<128xi32, #tpu.memory_space<vmem>>
        %dma_wait3A_98 = arith.constant 0 : i32
        %dma_wait3A_99 = arith.constant 0 : i32
        %dma_wait3A_100 = tpu.memref_slice %arg2[%scan3A_48, %dma_wait3A_98, %dma_wait3A_99] : memref<2x10000x64xf32, #tpu.memory_space<hbm>> -> memref<1x10000x64xf32, #tpu.memory_space<hbm>>
        %dma_wait3A_101 = tpu.memref_squeeze %dma_wait3A_100 : memref<1x10000x64xf32, #tpu.memory_space<hbm>> -> memref<10000x64xf32, #tpu.memory_space<hbm>>
        %dma_wait3A_102 = arith.constant 0 : i32
        %dma_wait3A_103 = arith.constant 0 : i32
        %dma_wait3A_104 = tpu.memref_slice %dma_wait3A_101[%dma_wait3A_102, %dma_wait3A_103] : memref<10000x64xf32, #tpu.memory_space<hbm>> -> memref<10000x64xf32, #tpu.memory_space<hbm>>
        tpu.wait_indirect_dma semaphore(%arg12 : memref<!tpu.dma_semaphore, #tpu.memory_space<semaphore_mem>>) src(%dma_wait3A_104 : memref<10000x64xf32, #tpu.memory_space<hbm>>) dst(%arg9 : memref<128x64xf32, #tpu.memory_space<vmem>>)
        %dma_start3A_105 = arith.constant 0 : i32
        %dma_start3A_106 = tpu.memref_slice %arg8[%mul3A_94, %dma_start3A_105] : memref<158x128xi32, #tpu.memory_space<vmem>> -> memref<1x128xi32, #tpu.memory_space<vmem>>
        %dma_start3A_107 = tpu.memref_squeeze %dma_start3A_106 : memref<1x128xi32, #tpu.memory_space<vmem>> -> memref<128xi32, #tpu.memory_space<vmem>>
        %dma_start3A_108 = arith.constant 0 : i32
        %dma_start3A_109 = arith.constant 0 : i32
        %dma_start3A_110 = tpu.memref_slice %arg11[%dma_start3A_108, %dma_start3A_109] : memref<10240x64xf32, #tpu.memory_space<vmem_shared>> -> memref<10240x64xf32, #tpu.memory_space<vmem_shared>>
        tpu.enqueue_indirect_dma source(%arg9 : memref<128x64xf32, #tpu.memory_space<vmem>>) target(%dma_start3A_110 : memref<10240x64xf32, #tpu.memory_space<vmem_shared>>) offsets(%dma_start3A_107 : memref<128xi32, #tpu.memory_space<vmem>>) semaphore(%arg14 : memref<!tpu.dma_semaphore, #tpu.memory_space<semaphore_mem>>) {add = true}
        %add3A_111 = arith.constant 2 : i32
        %add3A_112 = arith.addi %mul3A_94, %add3A_111 : i32
        %lt3A = arith.constant 158 : i32
        %lt3A_113 = arith.cmpi slt, %add3A_112, %lt3A : i32
        %convert_element_type3A_114 = arith.extui %lt3A_113 : i1 to i32
        %cond3A_115 = arith.constant 0 : i32
        %cond3A_116 = arith.cmpi ne, %convert_element_type3A_114, %cond3A_115 : i32
        scf.if %cond3A_116 {
          %dma_wait3A_144 = arith.constant 0 : i32
          %dma_wait3A_145 = tpu.memref_slice %arg8[%mul3A_94, %dma_wait3A_144] : memref<158x128xi32, #tpu.memory_space<vmem>> -> memref<1x128xi32, #tpu.memory_space<vmem>>
          %dma_wait3A_146 = tpu.memref_squeeze %dma_wait3A_145 : memref<1x128xi32, #tpu.memory_space<vmem>> -> memref<128xi32, #tpu.memory_space<vmem>>
          %dma_wait3A_147 = arith.constant 0 : i32
          %dma_wait3A_148 = arith.constant 0 : i32
          %dma_wait3A_149 = tpu.memref_slice %arg11[%dma_wait3A_147, %dma_wait3A_148] : memref<10240x64xf32, #tpu.memory_space<vmem_shared>> -> memref<10240x64xf32, #tpu.memory_space<vmem_shared>>
          tpu.wait_indirect_dma semaphore(%arg14 : memref<!tpu.dma_semaphore, #tpu.memory_space<semaphore_mem>>) src(%arg9 : memref<128x64xf32, #tpu.memory_space<vmem>>) dst(%dma_wait3A_149 : memref<10240x64xf32, #tpu.memory_space<vmem_shared>>)
          %add3A_150 = arith.constant 2 : i32
          %add3A_151 = arith.addi %mul3A_94, %add3A_150 : i32
          %dma_start3A_152 = arith.constant 0 : i32
          %dma_start3A_153 = tpu.memref_slice %arg7[%add3A_151, %dma_start3A_152] : memref<158x128xi32, #tpu.memory_space<vmem>> -> memref<1x128xi32, #tpu.memory_space<vmem>>
          %dma_start3A_154 = tpu.memref_squeeze %dma_start3A_153 : memref<1x128xi32, #tpu.memory_space<vmem>> -> memref<128xi32, #tpu.memory_space<vmem>>
          %dma_start3A_155 = arith.constant 0 : i32
          %dma_start3A_156 = arith.constant 0 : i32
          %dma_start3A_157 = tpu.memref_slice %arg2[%scan3A_48, %dma_start3A_155, %dma_start3A_156] : memref<2x10000x64xf32, #tpu.memory_space<hbm>> -> memref<1x10000x64xf32, #tpu.memory_space<hbm>>
          %dma_start3A_158 = tpu.memref_squeeze %dma_start3A_157 : memref<1x10000x64xf32, #tpu.memory_space<hbm>> -> memref<10000x64xf32, #tpu.memory_space<hbm>>
          %dma_start3A_159 = arith.constant 0 : i32
          %dma_start3A_160 = arith.constant 0 : i32
          %dma_start3A_161 = tpu.memref_slice %dma_start3A_158[%dma_start3A_159, %dma_start3A_160] : memref<10000x64xf32, #tpu.memory_space<hbm>> -> memref<10000x64xf32, #tpu.memory_space<hbm>>
          tpu.enqueue_indirect_dma source(%dma_start3A_161 : memref<10000x64xf32, #tpu.memory_space<hbm>>) target(%arg9 : memref<128x64xf32, #tpu.memory_space<vmem>>) offsets(%dma_start3A_154 : memref<128xi32, #tpu.memory_space<vmem>>) semaphore(%arg12 : memref<!tpu.dma_semaphore, #tpu.memory_space<semaphore_mem>>)
        } else {
        }
        %add3A_117 = arith.constant 1 : i32
        %add3A_118 = arith.addi %mul3A_94, %add3A_117 : i32
        %dma_wait3A_119 = arith.constant 0 : i32
        %dma_wait3A_120 = tpu.memref_slice %arg7[%add3A_118, %dma_wait3A_119] : memref<158x128xi32, #tpu.memory_space<vmem>> -> memref<1x128xi32, #tpu.memory_space<vmem>>
        %dma_wait3A_121 = tpu.memref_squeeze %dma_wait3A_120 : memref<1x128xi32, #tpu.memory_space<vmem>> -> memref<128xi32, #tpu.memory_space<vmem>>
        %dma_wait3A_122 = arith.constant 0 : i32
        %dma_wait3A_123 = arith.constant 0 : i32
        %dma_wait3A_124 = tpu.memref_slice %arg2[%scan3A_48, %dma_wait3A_122, %dma_wait3A_123] : memref<2x10000x64xf32, #tpu.memory_space<hbm>> -> memref<1x10000x64xf32, #tpu.memory_space<hbm>>
        %dma_wait3A_125 = tpu.memref_squeeze %dma_wait3A_124 : memref<1x10000x64xf32, #tpu.memory_space<hbm>> -> memref<10000x64xf32, #tpu.memory_space<hbm>>
        %dma_wait3A_126 = arith.constant 0 : i32
        %dma_wait3A_127 = arith.constant 0 : i32
        %dma_wait3A_128 = tpu.memref_slice %dma_wait3A_125[%dma_wait3A_126, %dma_wait3A_127] : memref<10000x64xf32, #tpu.memory_space<hbm>> -> memref<10000x64xf32, #tpu.memory_space<hbm>>
        tpu.wait_indirect_dma semaphore(%arg13 : memref<!tpu.dma_semaphore, #tpu.memory_space<semaphore_mem>>) src(%dma_wait3A_128 : memref<10000x64xf32, #tpu.memory_space<hbm>>) dst(%arg10 : memref<128x64xf32, #tpu.memory_space<vmem>>)
        %add3A_129 = arith.constant 1 : i32
        %add3A_130 = arith.addi %mul3A_94, %add3A_129 : i32
        %dma_start3A_131 = arith.constant 0 : i32
        %dma_start3A_132 = tpu.memref_slice %arg8[%add3A_130, %dma_start3A_131] : memref<158x128xi32, #tpu.memory_space<vmem>> -> memref<1x128xi32, #tpu.memory_space<vmem>>
        %dma_start3A_133 = tpu.memref_squeeze %dma_start3A_132 : memref<1x128xi32, #tpu.memory_space<vmem>> -> memref<128xi32, #tpu.memory_space<vmem>>
        %dma_start3A_134 = arith.constant 0 : i32
        %dma_start3A_135 = arith.constant 0 : i32
        %dma_start3A_136 = tpu.memref_slice %arg11[%dma_start3A_134, %dma_start3A_135] : memref<10240x64xf32, #tpu.memory_space<vmem_shared>> -> memref<10240x64xf32, #tpu.memory_space<vmem_shared>>
        tpu.enqueue_indirect_dma source(%arg10 : memref<128x64xf32, #tpu.memory_space<vmem>>) target(%dma_start3A_136 : memref<10240x64xf32, #tpu.memory_space<vmem_shared>>) offsets(%dma_start3A_133 : memref<128xi32, #tpu.memory_space<vmem>>) semaphore(%arg15 : memref<!tpu.dma_semaphore, #tpu.memory_space<semaphore_mem>>) {add = true}
        %add3A_137 = arith.constant 3 : i32
        %add3A_138 = arith.addi %mul3A_94, %add3A_137 : i32
        %lt3A_139 = arith.constant 158 : i32
        %lt3A_140 = arith.cmpi slt, %add3A_138, %lt3A_139 : i32
        %convert_element_type3A_141 = arith.extui %lt3A_140 : i1 to i32
        %cond3A_142 = arith.constant 0 : i32
        %cond3A_143 = arith.cmpi ne, %convert_element_type3A_141, %cond3A_142 : i32
        scf.if %cond3A_143 {
          %add3A_144 = arith.constant 1 : i32
          %add3A_145 = arith.addi %mul3A_94, %add3A_144 : i32
          %dma_wait3A_146 = arith.constant 0 : i32
          %dma_wait3A_147 = tpu.memref_slice %arg8[%add3A_145, %dma_wait3A_146] : memref<158x128xi32, #tpu.memory_space<vmem>> -> memref<1x128xi32, #tpu.memory_space<vmem>>
          %dma_wait3A_148 = tpu.memref_squeeze %dma_wait3A_147 : memref<1x128xi32, #tpu.memory_space<vmem>> -> memref<128xi32, #tpu.memory_space<vmem>>
          %dma_wait3A_149 = arith.constant 0 : i32
          %dma_wait3A_150 = arith.constant 0 : i32
          %dma_wait3A_151 = tpu.memref_slice %arg11[%dma_wait3A_149, %dma_wait3A_150] : memref<10240x64xf32, #tpu.memory_space<vmem_shared>> -> memref<10240x64xf32, #tpu.memory_space<vmem_shared>>
          tpu.wait_indirect_dma semaphore(%arg15 : memref<!tpu.dma_semaphore, #tpu.memory_space<semaphore_mem>>) src(%arg10 : memref<128x64xf32, #tpu.memory_space<vmem>>) dst(%dma_wait3A_151 : memref<10240x64xf32, #tpu.memory_space<vmem_shared>>)
          %add3A_152 = arith.constant 3 : i32
          %add3A_153 = arith.addi %mul3A_94, %add3A_152 : i32
          %dma_start3A_154 = arith.constant 0 : i32
          %dma_start3A_155 = tpu.memref_slice %arg7[%add3A_153, %dma_start3A_154] : memref<158x128xi32, #tpu.memory_space<vmem>> -> memref<1x128xi32, #tpu.memory_space<vmem>>
          %dma_start3A_156 = tpu.memref_squeeze %dma_start3A_155 : memref<1x128xi32, #tpu.memory_space<vmem>> -> memref<128xi32, #tpu.memory_space<vmem>>
          %dma_start3A_157 = arith.constant 0 : i32
          %dma_start3A_158 = arith.constant 0 : i32
          %dma_start3A_159 = tpu.memref_slice %arg2[%scan3A_48, %dma_start3A_157, %dma_start3A_158] : memref<2x10000x64xf32, #tpu.memory_space<hbm>> -> memref<1x10000x64xf32, #tpu.memory_space<hbm>>
          %dma_start3A_160 = tpu.memref_squeeze %dma_start3A_159 : memref<1x10000x64xf32, #tpu.memory_space<hbm>> -> memref<10000x64xf32, #tpu.memory_space<hbm>>
          %dma_start3A_161 = arith.constant 0 : i32
          %dma_start3A_162 = arith.constant 0 : i32
          %dma_start3A_163 = tpu.memref_slice %dma_start3A_160[%dma_start3A_161, %dma_start3A_162] : memref<10000x64xf32, #tpu.memory_space<hbm>> -> memref<10000x64xf32, #tpu.memory_space<hbm>>
          tpu.enqueue_indirect_dma source(%dma_start3A_163 : memref<10000x64xf32, #tpu.memory_space<hbm>>) target(%arg10 : memref<128x64xf32, #tpu.memory_space<vmem>>) offsets(%dma_start3A_156 : memref<128xi32, #tpu.memory_space<vmem>>) semaphore(%arg13 : memref<!tpu.dma_semaphore, #tpu.memory_space<semaphore_mem>>)
        } else {
        }
      }
      %scan3A_53 = arith.constant 79 : i32
      %dma_wait3A = arith.constant 156 : i32
      %dma_wait3A_54 = arith.constant 0 : i32
      %dma_wait3A_55 = tpu.memref_slice %arg8[%dma_wait3A, %dma_wait3A_54] : memref<158x128xi32, #tpu.memory_space<vmem>> -> memref<1x128xi32, #tpu.memory_space<vmem>>
      %dma_wait3A_56 = tpu.memref_squeeze %dma_wait3A_55 : memref<1x128xi32, #tpu.memory_space<vmem>> -> memref<128xi32, #tpu.memory_space<vmem>>
      %dma_wait3A_57 = arith.constant 0 : i32
      %dma_wait3A_58 = arith.constant 0 : i32
      %dma_wait3A_59 = tpu.memref_slice %arg11[%dma_wait3A_57, %dma_wait3A_58] : memref<10240x64xf32, #tpu.memory_space<vmem_shared>> -> memref<10240x64xf32, #tpu.memory_space<vmem_shared>>
      tpu.wait_indirect_dma semaphore(%arg14 : memref<!tpu.dma_semaphore, #tpu.memory_space<semaphore_mem>>) src(%arg9 : memref<128x64xf32, #tpu.memory_space<vmem>>) dst(%dma_wait3A_59 : memref<10240x64xf32, #tpu.memory_space<vmem_shared>>)
      %dma_wait3A_60 = arith.constant 157 : i32
      %dma_wait3A_61 = arith.constant 0 : i32
      %dma_wait3A_62 = tpu.memref_slice %arg8[%dma_wait3A_60, %dma_wait3A_61] : memref<158x128xi32, #tpu.memory_space<vmem>> -> memref<1x128xi32, #tpu.memory_space<vmem>>
      %dma_wait3A_63 = tpu.memref_squeeze %dma_wait3A_62 : memref<1x128xi32, #tpu.memory_space<vmem>> -> memref<128xi32, #tpu.memory_space<vmem>>
      %dma_wait3A_64 = arith.constant 0 : i32
      %dma_wait3A_65 = arith.constant 0 : i32
      %dma_wait3A_66 = tpu.memref_slice %arg11[%dma_wait3A_64, %dma_wait3A_65] : memref<10240x64xf32, #tpu.memory_space<vmem_shared>> -> memref<10240x64xf32, #tpu.memory_space<vmem_shared>>
      tpu.wait_indirect_dma semaphore(%arg15 : memref<!tpu.dma_semaphore, #tpu.memory_space<semaphore_mem>>) src(%arg10 : memref<128x64xf32, #tpu.memory_space<vmem>>) dst(%dma_wait3A_66 : memref<10240x64xf32, #tpu.memory_space<vmem_shared>>)
      %barrier3A_67 = arith.constant 0 : index
      tpu.barrier barrier_id(%barrier3A_67)
      %mul3A_68 = arith.constant 640 : i32
      %mul3A_69 = arith.muli %arg1, %mul3A_68 : i32
      %add3A_70 = arith.constant 0 : i32
      %add3A_71 = arith.addi %mul3A_69, %add3A_70 : i32
      %run_scoped3A = arith.constant 1 : i32
      "tpu.region"() ({
        %run_scoped3A_92 = tpu.sem_alloc : memref<!tpu.dma_semaphore, #tpu.memory_space<semaphore_mem>>
        %dma_start3A_93 = arith.constant 0 : i32
        %dma_start3A_94 = arith.constant 0 : i32
        %dma_start3A_95 = tpu.memref_slice %arg6[%run_scoped3A, %dma_start3A_93, %dma_start3A_94] : memref<2x10240x64xf32, #tpu.memory_space<hbm>> -> memref<1x10240x64xf32, #tpu.memory_space<hbm>>
        %dma_start3A_96 = tpu.memref_squeeze %dma_start3A_95 : memref<1x10240x64xf32, #tpu.memory_space<hbm>> -> memref<10240x64xf32, #tpu.memory_space<hbm>>
        %dma_start3A_97 = arith.constant 0 : i32
        %dma_start3A_98 = tpu.memref_slice %dma_start3A_96[%add3A_71, %dma_start3A_97] : memref<10240x64xf32, #tpu.memory_space<hbm>> -> memref<128x64xf32, #tpu.memory_space<hbm>>
        %dma_start3A_99 = arith.constant 0 : i32
        %dma_start3A_100 = tpu.memref_slice %arg11[%add3A_71, %dma_start3A_99] : memref<10240x64xf32, #tpu.memory_space<vmem_shared>> -> memref<128x64xf32, #tpu.memory_space<vmem_shared>>
        tpu.enqueue_dma source(%dma_start3A_100 : memref<128x64xf32, #tpu.memory_space<vmem_shared>>) target(%dma_start3A_98 : memref<128x64xf32, #tpu.memory_space<hbm>>) target_semaphore(%run_scoped3A_92 : memref<!tpu.dma_semaphore, #tpu.memory_space<semaphore_mem>>)
        %dma_wait3A_101 = arith.constant 0 : i32
        %dma_wait3A_102 = arith.constant 0 : i32
        %dma_wait3A_103 = tpu.memref_slice %arg6[%run_scoped3A, %dma_wait3A_101, %dma_wait3A_102] : memref<2x10240x64xf32, #tpu.memory_space<hbm>> -> memref<1x10240x64xf32, #tpu.memory_space<hbm>>
        %dma_wait3A_104 = tpu.memref_squeeze %dma_wait3A_103 : memref<1x10240x64xf32, #tpu.memory_space<hbm>> -> memref<10240x64xf32, #tpu.memory_space<hbm>>
        %dma_wait3A_105 = arith.constant 0 : i32
        %dma_wait3A_106 = tpu.memref_slice %dma_wait3A_104[%add3A_71, %dma_wait3A_105] : memref<10240x64xf32, #tpu.memory_space<hbm>> -> memref<128x64xf32, #tpu.memory_space<hbm>>
        %dma_wait3A_107 = arith.constant 0 : i32
        %dma_wait3A_108 = tpu.memref_slice %arg11[%add3A_71, %dma_wait3A_107] : memref<10240x64xf32, #tpu.memory_space<vmem_shared>> -> memref<128x64xf32, #tpu.memory_space<vmem_shared>>
        tpu.wait_dma2 semaphore(%run_scoped3A_92 : memref<!tpu.dma_semaphore, #tpu.memory_space<semaphore_mem>>) src(%dma_wait3A_108 : memref<128x64xf32, #tpu.memory_space<vmem_shared>>) dst(%dma_wait3A_106 : memref<128x64xf32, #tpu.memory_space<hbm>>)
        tpu.yield
      }) : () -> ()
      %mul3A_72 = arith.constant 640 : i32
      %mul3A_73 = arith.muli %arg1, %mul3A_72 : i32
      %add3A_74 = arith.constant 128 : i32
      %add3A_75 = arith.addi %mul3A_73, %add3A_74 : i32
      %run_scoped3A_76 = arith.constant 1 : i32
      "tpu.region"() ({
        %run_scoped3A_92 = tpu.sem_alloc : memref<!tpu.dma_semaphore, #tpu.memory_space<semaphore_mem>>
        %dma_start3A_93 = arith.constant 0 : i32
        %dma_start3A_94 = arith.constant 0 : i32
        %dma_start3A_95 = tpu.memref_slice %arg6[%run_scoped3A_76, %dma_start3A_93, %dma_start3A_94] : memref<2x10240x64xf32, #tpu.memory_space<hbm>> -> memref<1x10240x64xf32, #tpu.memory_space<hbm>>
        %dma_start3A_96 = tpu.memref_squeeze %dma_start3A_95 : memref<1x10240x64xf32, #tpu.memory_space<hbm>> -> memref<10240x64xf32, #tpu.memory_space<hbm>>
        %dma_start3A_97 = arith.constant 0 : i32
        %dma_start3A_98 = tpu.memref_slice %dma_start3A_96[%add3A_75, %dma_start3A_97] : memref<10240x64xf32, #tpu.memory_space<hbm>> -> memref<128x64xf32, #tpu.memory_space<hbm>>
        %dma_start3A_99 = arith.constant 0 : i32
        %dma_start3A_100 = tpu.memref_slice %arg11[%add3A_75, %dma_start3A_99] : memref<10240x64xf32, #tpu.memory_space<vmem_shared>> -> memref<128x64xf32, #tpu.memory_space<vmem_shared>>
        tpu.enqueue_dma source(%dma_start3A_100 : memref<128x64xf32, #tpu.memory_space<vmem_shared>>) target(%dma_start3A_98 : memref<128x64xf32, #tpu.memory_space<hbm>>) target_semaphore(%run_scoped3A_92 : memref<!tpu.dma_semaphore, #tpu.memory_space<semaphore_mem>>)
        %dma_wait3A_101 = arith.constant 0 : i32
        %dma_wait3A_102 = arith.constant 0 : i32
        %dma_wait3A_103 = tpu.memref_slice %arg6[%run_scoped3A_76, %dma_wait3A_101, %dma_wait3A_102] : memref<2x10240x64xf32, #tpu.memory_space<hbm>> -> memref<1x10240x64xf32, #tpu.memory_space<hbm>>
        %dma_wait3A_104 = tpu.memref_squeeze %dma_wait3A_103 : memref<1x10240x64xf32, #tpu.memory_space<hbm>> -> memref<10240x64xf32, #tpu.memory_space<hbm>>
        %dma_wait3A_105 = arith.constant 0 : i32
        %dma_wait3A_106 = tpu.memref_slice %dma_wait3A_104[%add3A_75, %dma_wait3A_105] : memref<10240x64xf32, #tpu.memory_space<hbm>> -> memref<128x64xf32, #tpu.memory_space<hbm>>
        %dma_wait3A_107 = arith.constant 0 : i32
        %dma_wait3A_108 = tpu.memref_slice %arg11[%add3A_75, %dma_wait3A_107] : memref<10240x64xf32, #tpu.memory_space<vmem_shared>> -> memref<128x64xf32, #tpu.memory_space<vmem_shared>>
        tpu.wait_dma2 semaphore(%run_scoped3A_92 : memref<!tpu.dma_semaphore, #tpu.memory_space<semaphore_mem>>) src(%dma_wait3A_108 : memref<128x64xf32, #tpu.memory_space<vmem_shared>>) dst(%dma_wait3A_106 : memref<128x64xf32, #tpu.memory_space<hbm>>)
        tpu.yield
      }) : () -> ()
      %mul3A_77 = arith.constant 640 : i32
      %mul3A_78 = arith.muli %arg1, %mul3A_77 : i32
      %add3A_79 = arith.constant 256 : i32
      %add3A_80 = arith.addi %mul3A_78, %add3A_79 : i32
      %run_scoped3A_81 = arith.constant 1 : i32
      "tpu.region"() ({
        %run_scoped3A_92 = tpu.sem_alloc : memref<!tpu.dma_semaphore, #tpu.memory_space<semaphore_mem>>
        %dma_start3A_93 = arith.constant 0 : i32
        %dma_start3A_94 = arith.constant 0 : i32
        %dma_start3A_95 = tpu.memref_slice %arg6[%run_scoped3A_81, %dma_start3A_93, %dma_start3A_94] : memref<2x10240x64xf32, #tpu.memory_space<hbm>> -> memref<1x10240x64xf32, #tpu.memory_space<hbm>>
        %dma_start3A_96 = tpu.memref_squeeze %dma_start3A_95 : memref<1x10240x64xf32, #tpu.memory_space<hbm>> -> memref<10240x64xf32, #tpu.memory_space<hbm>>
        %dma_start3A_97 = arith.constant 0 : i32
        %dma_start3A_98 = tpu.memref_slice %dma_start3A_96[%add3A_80, %dma_start3A_97] : memref<10240x64xf32, #tpu.memory_space<hbm>> -> memref<128x64xf32, #tpu.memory_space<hbm>>
        %dma_start3A_99 = arith.constant 0 : i32
        %dma_start3A_100 = tpu.memref_slice %arg11[%add3A_80, %dma_start3A_99] : memref<10240x64xf32, #tpu.memory_space<vmem_shared>> -> memref<128x64xf32, #tpu.memory_space<vmem_shared>>
        tpu.enqueue_dma source(%dma_start3A_100 : memref<128x64xf32, #tpu.memory_space<vmem_shared>>) target(%dma_start3A_98 : memref<128x64xf32, #tpu.memory_space<hbm>>) target_semaphore(%run_scoped3A_92 : memref<!tpu.dma_semaphore, #tpu.memory_space<semaphore_mem>>)
        %dma_wait3A_101 = arith.constant 0 : i32
        %dma_wait3A_102 = arith.constant 0 : i32
        %dma_wait3A_103 = tpu.memref_slice %arg6[%run_scoped3A_81, %dma_wait3A_101, %dma_wait3A_102] : memref<2x10240x64xf32, #tpu.memory_space<hbm>> -> memref<1x10240x64xf32, #tpu.memory_space<hbm>>
        %dma_wait3A_104 = tpu.memref_squeeze %dma_wait3A_103 : memref<1x10240x64xf32, #tpu.memory_space<hbm>> -> memref<10240x64xf32, #tpu.memory_space<hbm>>
        %dma_wait3A_105 = arith.constant 0 : i32
        %dma_wait3A_106 = tpu.memref_slice %dma_wait3A_104[%add3A_80, %dma_wait3A_105] : memref<10240x64xf32, #tpu.memory_space<hbm>> -> memref<128x64xf32, #tpu.memory_space<hbm>>
        %dma_wait3A_107 = arith.constant 0 : i32
        %dma_wait3A_108 = tpu.memref_slice %arg11[%add3A_80, %dma_wait3A_107] : memref<10240x64xf32, #tpu.memory_space<vmem_shared>> -> memref<128x64xf32, #tpu.memory_space<vmem_shared>>
        tpu.wait_dma2 semaphore(%run_scoped3A_92 : memref<!tpu.dma_semaphore, #tpu.memory_space<semaphore_mem>>) src(%dma_wait3A_108 : memref<128x64xf32, #tpu.memory_space<vmem_shared>>) dst(%dma_wait3A_106 : memref<128x64xf32, #tpu.memory_space<hbm>>)
        tpu.yield
      }) : () -> ()
      %mul3A_82 = arith.constant 640 : i32
      %mul3A_83 = arith.muli %arg1, %mul3A_82 : i32
      %add3A_84 = arith.constant 384 : i32
      %add3A_85 = arith.addi %mul3A_83, %add3A_84 : i32
      %run_scoped3A_86 = arith.constant 1 : i32
      "tpu.region"() ({
        %run_scoped3A_92 = tpu.sem_alloc : memref<!tpu.dma_semaphore, #tpu.memory_space<semaphore_mem>>
        %dma_start3A_93 = arith.constant 0 : i32
        %dma_start3A_94 = arith.constant 0 : i32
        %dma_start3A_95 = tpu.memref_slice %arg6[%run_scoped3A_86, %dma_start3A_93, %dma_start3A_94] : memref<2x10240x64xf32, #tpu.memory_space<hbm>> -> memref<1x10240x64xf32, #tpu.memory_space<hbm>>
        %dma_start3A_96 = tpu.memref_squeeze %dma_start3A_95 : memref<1x10240x64xf32, #tpu.memory_space<hbm>> -> memref<10240x64xf32, #tpu.memory_space<hbm>>
        %dma_start3A_97 = arith.constant 0 : i32
        %dma_start3A_98 = tpu.memref_slice %dma_start3A_96[%add3A_85, %dma_start3A_97] : memref<10240x64xf32, #tpu.memory_space<hbm>> -> memref<128x64xf32, #tpu.memory_space<hbm>>
        %dma_start3A_99 = arith.constant 0 : i32
        %dma_start3A_100 = tpu.memref_slice %arg11[%add3A_85, %dma_start3A_99] : memref<10240x64xf32, #tpu.memory_space<vmem_shared>> -> memref<128x64xf32, #tpu.memory_space<vmem_shared>>
        tpu.enqueue_dma source(%dma_start3A_100 : memref<128x64xf32, #tpu.memory_space<vmem_shared>>) target(%dma_start3A_98 : memref<128x64xf32, #tpu.memory_space<hbm>>) target_semaphore(%run_scoped3A_92 : memref<!tpu.dma_semaphore, #tpu.memory_space<semaphore_mem>>)
        %dma_wait3A_101 = arith.constant 0 : i32
        %dma_wait3A_102 = arith.constant 0 : i32
        %dma_wait3A_103 = tpu.memref_slice %arg6[%run_scoped3A_86, %dma_wait3A_101, %dma_wait3A_102] : memref<2x10240x64xf32, #tpu.memory_space<hbm>> -> memref<1x10240x64xf32, #tpu.memory_space<hbm>>
        %dma_wait3A_104 = tpu.memref_squeeze %dma_wait3A_103 : memref<1x10240x64xf32, #tpu.memory_space<hbm>> -> memref<10240x64xf32, #tpu.memory_space<hbm>>
        %dma_wait3A_105 = arith.constant 0 : i32
        %dma_wait3A_106 = tpu.memref_slice %dma_wait3A_104[%add3A_85, %dma_wait3A_105] : memref<10240x64xf32, #tpu.memory_space<hbm>> -> memref<128x64xf32, #tpu.memory_space<hbm>>
        %dma_wait3A_107 = arith.constant 0 : i32
        %dma_wait3A_108 = tpu.memref_slice %arg11[%add3A_85, %dma_wait3A_107] : memref<10240x64xf32, #tpu.memory_space<vmem_shared>> -> memref<128x64xf32, #tpu.memory_space<vmem_shared>>
        tpu.wait_dma2 semaphore(%run_scoped3A_92 : memref<!tpu.dma_semaphore, #tpu.memory_space<semaphore_mem>>) src(%dma_wait3A_108 : memref<128x64xf32, #tpu.memory_space<vmem_shared>>) dst(%dma_wait3A_106 : memref<128x64xf32, #tpu.memory_space<hbm>>)
        tpu.yield
      }) : () -> ()
      %mul3A_87 = arith.constant 640 : i32
      %mul3A_88 = arith.muli %arg1, %mul3A_87 : i32
      %add3A_89 = arith.constant 512 : i32
      %add3A_90 = arith.addi %mul3A_88, %add3A_89 : i32
      %run_scoped3A_91 = arith.constant 1 : i32
      "tpu.region"() ({
        %run_scoped3A_92 = tpu.sem_alloc : memref<!tpu.dma_semaphore, #tpu.memory_space<semaphore_mem>>
        %dma_start3A_93 = arith.constant 0 : i32
        %dma_start3A_94 = arith.constant 0 : i32
        %dma_start3A_95 = tpu.memref_slice %arg6[%run_scoped3A_91, %dma_start3A_93, %dma_start3A_94] : memref<2x10240x64xf32, #tpu.memory_space<hbm>> -> memref<1x10240x64xf32, #tpu.memory_space<hbm>>
        %dma_start3A_96 = tpu.memref_squeeze %dma_start3A_95 : memref<1x10240x64xf32, #tpu.memory_space<hbm>> -> memref<10240x64xf32, #tpu.memory_space<hbm>>
        %dma_start3A_97 = arith.constant 0 : i32
        %dma_start3A_98 = tpu.memref_slice %dma_start3A_96[%add3A_90, %dma_start3A_97] : memref<10240x64xf32, #tpu.memory_space<hbm>> -> memref<128x64xf32, #tpu.memory_space<hbm>>
        %dma_start3A_99 = arith.constant 0 : i32
        %dma_start3A_100 = tpu.memref_slice %arg11[%add3A_90, %dma_start3A_99] : memref<10240x64xf32, #tpu.memory_space<vmem_shared>> -> memref<128x64xf32, #tpu.memory_space<vmem_shared>>
        tpu.enqueue_dma source(%dma_start3A_100 : memref<128x64xf32, #tpu.memory_space<vmem_shared>>) target(%dma_start3A_98 : memref<128x64xf32, #tpu.memory_space<hbm>>) target_semaphore(%run_scoped3A_92 : memref<!tpu.dma_semaphore, #tpu.memory_space<semaphore_mem>>)
        %dma_wait3A_101 = arith.constant 0 : i32
        %dma_wait3A_102 = arith.constant 0 : i32
        %dma_wait3A_103 = tpu.memref_slice %arg6[%run_scoped3A_91, %dma_wait3A_101, %dma_wait3A_102] : memref<2x10240x64xf32, #tpu.memory_space<hbm>> -> memref<1x10240x64xf32, #tpu.memory_space<hbm>>
        %dma_wait3A_104 = tpu.memref_squeeze %dma_wait3A_103 : memref<1x10240x64xf32, #tpu.memory_space<hbm>> -> memref<10240x64xf32, #tpu.memory_space<hbm>>
        %dma_wait3A_105 = arith.constant 0 : i32
        %dma_wait3A_106 = tpu.memref_slice %dma_wait3A_104[%add3A_90, %dma_wait3A_105] : memref<10240x64xf32, #tpu.memory_space<hbm>> -> memref<128x64xf32, #tpu.memory_space<hbm>>
        %dma_wait3A_107 = arith.constant 0 : i32
        %dma_wait3A_108 = tpu.memref_slice %arg11[%add3A_90, %dma_wait3A_107] : memref<10240x64xf32, #tpu.memory_space<vmem_shared>> -> memref<128x64xf32, #tpu.memory_space<vmem_shared>>
        tpu.wait_dma2 semaphore(%run_scoped3A_92 : memref<!tpu.dma_semaphore, #tpu.memory_space<semaphore_mem>>) src(%dma_wait3A_108 : memref<128x64xf32, #tpu.memory_space<vmem_shared>>) dst(%dma_wait3A_106 : memref<128x64xf32, #tpu.memory_space<hbm>>)
        tpu.yield
      }) : () -> ()
    } else {
    }
    return
  }
}

module attributes {stable_mosaic.version = 14 : i64} {
  func.func @body(%arg0: i32, %arg1: memref<1000x128xf32, #tpu.memory_space<vmem>>, %arg2: memref<128x128xf32, #tpu.memory_space<vmem>>, %arg3: memref<2x1000x8xf32, #tpu.memory_space<vmem>>, %arg4: memref<2x1000x64xf32, #tpu.memory_space<vmem>>) attributes {dimension_semantics = [#tpu.dimension_semantics<arbitrary>], iteration_bounds = array<i64: 10>, scalar_prefetch = 0 : i64, scratch_operands = 0 : i64, tpu.core_type = #tpu.core_type<tc>, window_params = [{transform_indices = @transform_0, window_bounds = array<i64: 1000, 128>}, {pipeline_mode = #tpu.pipeline_mode<synchronous>, transform_indices = @transform_1, window_bounds = array<i64: 128, 128>}, {transform_indices = @transform_2, window_bounds = array<i64: 2, 1000, 8>}, {transform_indices = @transform_3, window_bounds = array<i64: 2, 1000, 64>}]} {
    %get3A = arith.constant 0 : index
    %get3A_0 = arith.constant 0 : index
    %get3A_1 = arith.constant 0 : index
    %get3A_2 = vector.load %arg3[%get3A, %get3A_0, %get3A_1] : memref<2x1000x8xf32, #tpu.memory_space<vmem>>, vector<1x1000x1xf32>
    %get3A_3 = vector.shape_cast %get3A_2 : vector<1x1000x1xf32> to vector<1000x1xf32>
    %get3A_4 = arith.constant 1 : index
    %get3A_5 = arith.constant 0 : index
    %get3A_6 = arith.constant 0 : index
    %get3A_7 = vector.load %arg3[%get3A_4, %get3A_5, %get3A_6] : memref<2x1000x8xf32, #tpu.memory_space<vmem>>, vector<1x1000x1xf32>
    %get3A_8 = vector.shape_cast %get3A_7 : vector<1x1000x1xf32> to vector<1000x1xf32>
    %add3A = arith.addf %get3A_3, %get3A_8 : vector<1000x1xf32>
    %add3A_9 = arith.constant 1.000000e+00 : f32
    %add3A_10 = vector.broadcast %add3A_9 : f32 to vector<1000x1xf32>
    %add3A_11 = arith.addf %add3A, %add3A_10 : vector<1000x1xf32>
    %rsqrt3A = math.rsqrt %add3A_11 : vector<1000x1xf32>
    %get3A_12 = arith.constant 0 : index
    %get3A_13 = arith.constant 0 : index
    %get3A_14 = vector.load %arg1[%get3A_12, %get3A_13] : memref<1000x128xf32, #tpu.memory_space<vmem>>, vector<1000x128xf32>
    %get3A_15 = arith.constant 0 : index
    %get3A_16 = arith.constant 0 : index
    %get3A_17 = vector.load %arg2[%get3A_15, %get3A_16] : memref<128x128xf32, #tpu.memory_space<vmem>>, vector<128x128xf32>
    %dot_general3A = arith.constant dense<0.000000e+00> : vector<1000x128xf32>
    %dot_general3A_18 = tpu.matmul %get3A_14, %get3A_17, %dot_general3A {dimension_numbers = #tpu.dot_dimension_numbers<[1], [0], [0], [1], [0, 0, 1, 1], [], []>, transpose_lhs_hint = false} : vector<1000x128xf32>, vector<128x128xf32>, vector<1000x128xf32> -> vector<1000x128xf32>
    %mul3A = vector.broadcast %rsqrt3A : vector<1000x1xf32> to vector<1000x128xf32>
    %mul3A_19 = arith.mulf %dot_general3A_18, %mul3A : vector<1000x128xf32>
    %slice3A = vector.extract_strided_slice %mul3A_19 {offsets = [0, 0], sizes = [1000, 64], strides = [1, 1]} : vector<1000x128xf32> to vector<1000x64xf32>
    %swap3A = arith.constant 0 : index
    %swap3A_20 = arith.constant 0 : index
    %swap3A_21 = arith.constant 0 : index
    %swap3A_22 = vector.load %arg4[%swap3A, %swap3A_20, %swap3A_21] : memref<2x1000x64xf32, #tpu.memory_space<vmem>>, vector<1x1000x64xf32>
    %swap3A_23 = vector.shape_cast %swap3A_22 : vector<1x1000x64xf32> to vector<1000x64xf32>
    %swap3A_24 = vector.shape_cast %slice3A : vector<1000x64xf32> to vector<1x1000x64xf32>
    tpu.vector_store %arg4[%swap3A, %swap3A_20, %swap3A_21], %swap3A_24 {strides = array<i32>} : memref<2x1000x64xf32, #tpu.memory_space<vmem>>, vector<1x1000x64xf32>,
    %slice3A_25 = vector.extract_strided_slice %mul3A_19 {offsets = [0, 64], sizes = [1000, 64], strides = [1, 1]} : vector<1000x128xf32> to vector<1000x64xf32>
    %swap3A_26 = arith.constant 1 : index
    %swap3A_27 = arith.constant 0 : index
    %swap3A_28 = arith.constant 0 : index
    %swap3A_29 = vector.load %arg4[%swap3A_26, %swap3A_27, %swap3A_28] : memref<2x1000x64xf32, #tpu.memory_space<vmem>>, vector<1x1000x64xf32>
    %swap3A_30 = vector.shape_cast %swap3A_29 : vector<1x1000x64xf32> to vector<1000x64xf32>
    %swap3A_31 = vector.shape_cast %slice3A_25 : vector<1000x64xf32> to vector<1x1000x64xf32>
    tpu.vector_store %arg4[%swap3A_26, %swap3A_27, %swap3A_28], %swap3A_31 {strides = array<i32>} : memref<2x1000x64xf32, #tpu.memory_space<vmem>>, vector<1x1000x64xf32>,
    return
  }
  func.func @transform_0(%arg0: i32) -> (i32, i32) {
    %c0_i32 = arith.constant 0 : i32
    %c0_i32_0 = arith.constant 0 : i32
    return %arg0, %c0_i32 : i32, i32
  }
  func.func @transform_1(%arg0: i32) -> (i32, i32) {
    %c0_i32 = arith.constant 0 : i32
    %c0_i32_0 = arith.constant 0 : i32
    %c0_i32_1 = arith.constant 0 : i32
    return %c0_i32, %c0_i32_0 : i32, i32
  }
  func.func @transform_2(%arg0: i32) -> (i32, i32, i32) {
    %c0_i32 = arith.constant 0 : i32
    %c0_i32_0 = arith.constant 0 : i32
    %c0_i32_1 = arith.constant 0 : i32
    return %c0_i32, %arg0, %c0_i32_0 : i32, i32, i32
  }
  func.func @transform_3(%arg0: i32) -> (i32, i32, i32) {
    %c0_i32 = arith.constant 0 : i32
    %c0_i32_0 = arith.constant 0 : i32
    %c0_i32_1 = arith.constant 0 : i32
    return %c0_i32, %arg0, %c0_i32_0 : i32, i32, i32
  }
}

module attributes {stable_mosaic.version = 14 : i64} {
  func.func @body(%arg0: i32, %arg1: memref<2x1000x64xf32, #tpu.memory_space<vmem>>, %arg2: memref<2x1000x64xf32, #tpu.memory_space<vmem>>, %arg3: memref<2x1000x8xf32, #tpu.memory_space<vmem>>, %arg4: memref<1x128xf32, #tpu.memory_space<vmem>>, %arg5: memref<128x40xf32, #tpu.memory_space<vmem>>, %arg6: memref<2x1000x24xf32, #tpu.memory_space<vmem>>) attributes {dimension_semantics = [#tpu.dimension_semantics<arbitrary>], iteration_bounds = array<i64: 10>, scalar_prefetch = 0 : i64, scratch_operands = 0 : i64, tpu.core_type = #tpu.core_type<tc>, window_params = [{transform_indices = @transform_0, window_bounds = array<i64: 2, 1000, 64>}, {transform_indices = @transform_1, window_bounds = array<i64: 2, 1000, 64>}, {transform_indices = @transform_2, window_bounds = array<i64: 2, 1000, 8>}, {pipeline_mode = #tpu.pipeline_mode<synchronous>, transform_indices = @transform_3, window_bounds = array<i64: 1, 128>}, {pipeline_mode = #tpu.pipeline_mode<synchronous>, transform_indices = @transform_4, window_bounds = array<i64: 128, 40>}, {transform_indices = @transform_5, window_bounds = array<i64: 2, 1000, 24>}]} {
    %get3A = arith.constant 0 : index
    %get3A_0 = arith.constant 0 : index
    %get3A_1 = arith.constant 0 : index
    %get3A_2 = vector.load %arg3[%get3A, %get3A_0, %get3A_1] : memref<2x1000x8xf32, #tpu.memory_space<vmem>>, vector<1x1000x1xf32>
    %get3A_3 = vector.shape_cast %get3A_2 : vector<1x1000x1xf32> to vector<1000x1xf32>
    %get3A_4 = arith.constant 1 : index
    %get3A_5 = arith.constant 0 : index
    %get3A_6 = arith.constant 0 : index
    %get3A_7 = vector.load %arg3[%get3A_4, %get3A_5, %get3A_6] : memref<2x1000x8xf32, #tpu.memory_space<vmem>>, vector<1x1000x1xf32>
    %get3A_8 = vector.shape_cast %get3A_7 : vector<1x1000x1xf32> to vector<1000x1xf32>
    %add3A = arith.addf %get3A_3, %get3A_8 : vector<1000x1xf32>
    %add3A_9 = arith.constant 1.000000e+00 : f32
    %add3A_10 = vector.broadcast %add3A_9 : f32 to vector<1000x1xf32>
    %add3A_11 = arith.addf %add3A, %add3A_10 : vector<1000x1xf32>
    %rsqrt3A = math.rsqrt %add3A_11 : vector<1000x1xf32>
    %get3A_12 = arith.constant 0 : index
    %get3A_13 = arith.constant 0 : index
    %get3A_14 = arith.constant 0 : index
    %get3A_15 = vector.load %arg1[%get3A_12, %get3A_13, %get3A_14] : memref<2x1000x64xf32, #tpu.memory_space<vmem>>, vector<1x1000x64xf32>
    %get3A_16 = vector.shape_cast %get3A_15 : vector<1x1000x64xf32> to vector<1000x64xf32>
    %get3A_17 = arith.constant 1 : index
    %get3A_18 = arith.constant 0 : index
    %get3A_19 = arith.constant 0 : index
    %get3A_20 = vector.load %arg1[%get3A_17, %get3A_18, %get3A_19] : memref<2x1000x64xf32, #tpu.memory_space<vmem>>, vector<1x1000x64xf32>
    %get3A_21 = vector.shape_cast %get3A_20 : vector<1x1000x64xf32> to vector<1000x64xf32>
    %concatenate3A = tpu.concatenate %get3A_16, %get3A_21 in 1 : vector<1000x64xf32>, vector<1000x64xf32> -> vector<1000x128xf32>
    %get3A_22 = arith.constant 0 : index
    %get3A_23 = arith.constant 0 : index
    %get3A_24 = arith.constant 0 : index
    %get3A_25 = vector.load %arg2[%get3A_22, %get3A_23, %get3A_24] : memref<2x1000x64xf32, #tpu.memory_space<vmem>>, vector<1x1000x64xf32>
    %get3A_26 = vector.shape_cast %get3A_25 : vector<1x1000x64xf32> to vector<1000x64xf32>
    %get3A_27 = arith.constant 1 : index
    %get3A_28 = arith.constant 0 : index
    %get3A_29 = arith.constant 0 : index
    %get3A_30 = vector.load %arg2[%get3A_27, %get3A_28, %get3A_29] : memref<2x1000x64xf32, #tpu.memory_space<vmem>>, vector<1x1000x64xf32>
    %get3A_31 = vector.shape_cast %get3A_30 : vector<1x1000x64xf32> to vector<1000x64xf32>
    %concatenate3A_32 = tpu.concatenate %get3A_26, %get3A_31 in 1 : vector<1000x64xf32>, vector<1000x64xf32> -> vector<1000x128xf32>
    %add3A_33 = arith.addf %concatenate3A, %concatenate3A_32 : vector<1000x128xf32>
    %mul3A = vector.broadcast %rsqrt3A : vector<1000x1xf32> to vector<1000x128xf32>
    %mul3A_34 = arith.mulf %add3A_33, %mul3A : vector<1000x128xf32>
    %get3A_35 = arith.constant 0 : index
    %get3A_36 = arith.constant 0 : index
    %get3A_37 = vector.load %arg4[%get3A_35, %get3A_36] : memref<1x128xf32, #tpu.memory_space<vmem>>, vector<1x128xf32>
    %add3A_38 = vector.broadcast %get3A_37 : vector<1x128xf32> to vector<1000x128xf32>
    %add3A_39 = arith.addf %mul3A_34, %add3A_38 : vector<1000x128xf32>
    %max3A = arith.constant 0.000000e+00 : f32
    %max3A_40 = vector.broadcast %max3A : f32 to vector<1000x128xf32>
    %max3A_41 = arith.maximumf %add3A_39, %max3A_40 : vector<1000x128xf32>
    %get3A_42 = arith.constant 0 : index
    %get3A_43 = arith.constant 0 : index
    %get3A_44 = vector.load %arg5[%get3A_42, %get3A_43] : memref<128x40xf32, #tpu.memory_space<vmem>>, vector<128x40xf32>
    %dot_general3A = arith.constant dense<0.000000e+00> : vector<1000x40xf32>
    %dot_general3A_45 = tpu.matmul %max3A_41, %get3A_44, %dot_general3A {dimension_numbers = #tpu.dot_dimension_numbers<[1], [0], [0], [1], [0, 0, 1, 1], [], []>, transpose_lhs_hint = false} : vector<1000x128xf32>, vector<128x40xf32>, vector<1000x40xf32> -> vector<1000x40xf32>
    %mul3A_46 = vector.broadcast %rsqrt3A : vector<1000x1xf32> to vector<1000x40xf32>
    %mul3A_47 = arith.mulf %dot_general3A_45, %mul3A_46 : vector<1000x40xf32>
    %broadcast_in_dim3A = arith.constant 0.000000e+00 : f32
    %broadcast_in_dim3A_48 = vector.broadcast %broadcast_in_dim3A : f32 to vector<1000x8xf32>
    %concatenate3A_49 = tpu.concatenate %mul3A_47, %broadcast_in_dim3A_48 in 1 : vector<1000x40xf32>, vector<1000x8xf32> -> vector<1000x48xf32>
    %slice3A = vector.extract_strided_slice %concatenate3A_49 {offsets = [0, 0], sizes = [1000, 24], strides = [1, 1]} : vector<1000x48xf32> to vector<1000x24xf32>
    %swap3A = arith.constant 0 : index
    %swap3A_50 = arith.constant 0 : index
    %swap3A_51 = arith.constant 0 : index
    %swap3A_52 = vector.load %arg6[%swap3A, %swap3A_50, %swap3A_51] : memref<2x1000x24xf32, #tpu.memory_space<vmem>>, vector<1x1000x24xf32>
    %swap3A_53 = vector.shape_cast %swap3A_52 : vector<1x1000x24xf32> to vector<1000x24xf32>
    %swap3A_54 = vector.shape_cast %slice3A : vector<1000x24xf32> to vector<1x1000x24xf32>
    tpu.vector_store %arg6[%swap3A, %swap3A_50, %swap3A_51], %swap3A_54 {strides = array<i32>} : memref<2x1000x24xf32, #tpu.memory_space<vmem>>, vector<1x1000x24xf32>,
    %slice3A_55 = vector.extract_strided_slice %concatenate3A_49 {offsets = [0, 24], sizes = [1000, 24], strides = [1, 1]} : vector<1000x48xf32> to vector<1000x24xf32>
    %swap3A_56 = arith.constant 1 : index
    %swap3A_57 = arith.constant 0 : index
    %swap3A_58 = arith.constant 0 : index
    %swap3A_59 = vector.load %arg6[%swap3A_56, %swap3A_57, %swap3A_58] : memref<2x1000x24xf32, #tpu.memory_space<vmem>>, vector<1x1000x24xf32>
    %swap3A_60 = vector.shape_cast %swap3A_59 : vector<1x1000x24xf32> to vector<1000x24xf32>
    %swap3A_61 = vector.shape_cast %slice3A_55 : vector<1000x24xf32> to vector<1x1000x24xf32>
    tpu.vector_store %arg6[%swap3A_56, %swap3A_57, %swap3A_58], %swap3A_61 {strides = array<i32>} : memref<2x1000x24xf32, #tpu.memory_space<vmem>>, vector<1x1000x24xf32>,
    return
  }
  func.func @transform_0(%arg0: i32) -> (i32, i32, i32) {
    %c0_i32 = arith.constant 0 : i32
    %c0_i32_0 = arith.constant 0 : i32
    %c0_i32_1 = arith.constant 0 : i32
    return %c0_i32, %arg0, %c0_i32_0 : i32, i32, i32
  }
  func.func @transform_1(%arg0: i32) -> (i32, i32, i32) {
    %c0_i32 = arith.constant 0 : i32
    %c0_i32_0 = arith.constant 0 : i32
    %c0_i32_1 = arith.constant 0 : i32
    return %c0_i32, %arg0, %c0_i32_0 : i32, i32, i32
  }
  func.func @transform_2(%arg0: i32) -> (i32, i32, i32) {
    %c0_i32 = arith.constant 0 : i32
    %c0_i32_0 = arith.constant 0 : i32
    %c0_i32_1 = arith.constant 0 : i32
    return %c0_i32, %arg0, %c0_i32_0 : i32, i32, i32
  }
  func.func @transform_3(%arg0: i32) -> (i32, i32) {
    %c0_i32 = arith.constant 0 : i32
    %c0_i32_0 = arith.constant 0 : i32
    %c0_i32_1 = arith.constant 0 : i32
    return %c0_i32, %c0_i32_0 : i32, i32
  }
  func.func @transform_4(%arg0: i32) -> (i32, i32) {
    %c0_i32 = arith.constant 0 : i32
    %c0_i32_0 = arith.constant 0 : i32
    %c0_i32_1 = arith.constant 0 : i32
    return %c0_i32, %c0_i32_0 : i32, i32
  }
  func.func @transform_5(%arg0: i32) -> (i32, i32, i32) {
    %c0_i32 = arith.constant 0 : i32
    %c0_i32_0 = arith.constant 0 : i32
    %c0_i32_1 = arith.constant 0 : i32
    return %c0_i32, %arg0, %c0_i32_0 : i32, i32, i32
  }
}

module attributes {stable_mosaic.version = 14 : i64} {
  func.func @body(%arg0: i32, %arg1: memref<2x1000x24xf32, #tpu.memory_space<vmem>>, %arg2: memref<2x1000x24xf32, #tpu.memory_space<vmem>>, %arg3: memref<2x1000x8xf32, #tpu.memory_space<vmem>>, %arg4: memref<1x40xf32, #tpu.memory_space<vmem>>, %arg5: memref<1000x40xf32, #tpu.memory_space<vmem>>) attributes {dimension_semantics = [#tpu.dimension_semantics<arbitrary>], iteration_bounds = array<i64: 10>, scalar_prefetch = 0 : i64, scratch_operands = 0 : i64, tpu.core_type = #tpu.core_type<tc>, window_params = [{transform_indices = @transform_0, window_bounds = array<i64: 2, 1000, 24>}, {transform_indices = @transform_1, window_bounds = array<i64: 2, 1000, 24>}, {transform_indices = @transform_2, window_bounds = array<i64: 2, 1000, 8>}, {pipeline_mode = #tpu.pipeline_mode<synchronous>, transform_indices = @transform_3, window_bounds = array<i64: 1, 40>}, {transform_indices = @transform_4, window_bounds = array<i64: 1000, 40>}]} {
    %get3A = arith.constant 0 : index
    %get3A_0 = arith.constant 0 : index
    %get3A_1 = arith.constant 0 : index
    %get3A_2 = vector.load %arg3[%get3A, %get3A_0, %get3A_1] : memref<2x1000x8xf32, #tpu.memory_space<vmem>>, vector<1x1000x1xf32>
    %get3A_3 = vector.shape_cast %get3A_2 : vector<1x1000x1xf32> to vector<1000x1xf32>
    %get3A_4 = arith.constant 1 : index
    %get3A_5 = arith.constant 0 : index
    %get3A_6 = arith.constant 0 : index
    %get3A_7 = vector.load %arg3[%get3A_4, %get3A_5, %get3A_6] : memref<2x1000x8xf32, #tpu.memory_space<vmem>>, vector<1x1000x1xf32>
    %get3A_8 = vector.shape_cast %get3A_7 : vector<1x1000x1xf32> to vector<1000x1xf32>
    %add3A = arith.addf %get3A_3, %get3A_8 : vector<1000x1xf32>
    %add3A_9 = arith.constant 1.000000e+00 : f32
    %add3A_10 = vector.broadcast %add3A_9 : f32 to vector<1000x1xf32>
    %add3A_11 = arith.addf %add3A, %add3A_10 : vector<1000x1xf32>
    %rsqrt3A = math.rsqrt %add3A_11 : vector<1000x1xf32>
    %get3A_12 = arith.constant 0 : index
    %get3A_13 = arith.constant 0 : index
    %get3A_14 = arith.constant 0 : index
    %get3A_15 = vector.load %arg1[%get3A_12, %get3A_13, %get3A_14] : memref<2x1000x24xf32, #tpu.memory_space<vmem>>, vector<1x1000x24xf32>
    %get3A_16 = vector.shape_cast %get3A_15 : vector<1x1000x24xf32> to vector<1000x24xf32>
    %get3A_17 = arith.constant 1 : index
    %get3A_18 = arith.constant 0 : index
    %get3A_19 = arith.constant 0 : index
    %get3A_20 = vector.load %arg1[%get3A_17, %get3A_18, %get3A_19] : memref<2x1000x24xf32, #tpu.memory_space<vmem>>, vector<1x1000x24xf32>
    %get3A_21 = vector.shape_cast %get3A_20 : vector<1x1000x24xf32> to vector<1000x24xf32>
    %concatenate3A = tpu.concatenate %get3A_16, %get3A_21 in 1 : vector<1000x24xf32>, vector<1000x24xf32> -> vector<1000x48xf32>
    %get3A_22 = arith.constant 0 : index
    %get3A_23 = arith.constant 0 : index
    %get3A_24 = arith.constant 0 : index
    %get3A_25 = vector.load %arg2[%get3A_22, %get3A_23, %get3A_24] : memref<2x1000x24xf32, #tpu.memory_space<vmem>>, vector<1x1000x24xf32>
    %get3A_26 = vector.shape_cast %get3A_25 : vector<1x1000x24xf32> to vector<1000x24xf32>
    %get3A_27 = arith.constant 1 : index
    %get3A_28 = arith.constant 0 : index
    %get3A_29 = arith.constant 0 : index
    %get3A_30 = vector.load %arg2[%get3A_27, %get3A_28, %get3A_29] : memref<2x1000x24xf32, #tpu.memory_space<vmem>>, vector<1x1000x24xf32>
    %get3A_31 = vector.shape_cast %get3A_30 : vector<1x1000x24xf32> to vector<1000x24xf32>
    %concatenate3A_32 = tpu.concatenate %get3A_26, %get3A_31 in 1 : vector<1000x24xf32>, vector<1000x24xf32> -> vector<1000x48xf32>
    %add3A_33 = arith.addf %concatenate3A, %concatenate3A_32 : vector<1000x48xf32>
    %mul3A = vector.broadcast %rsqrt3A : vector<1000x1xf32> to vector<1000x48xf32>
    %mul3A_34 = arith.mulf %add3A_33, %mul3A : vector<1000x48xf32>
    %slice3A = vector.extract_strided_slice %mul3A_34 {offsets = [0, 0], sizes = [1000, 40], strides = [1, 1]} : vector<1000x48xf32> to vector<1000x40xf32>
    %get3A_35 = arith.constant 0 : index
    %get3A_36 = arith.constant 0 : index
    %get3A_37 = vector.load %arg4[%get3A_35, %get3A_36] : memref<1x40xf32, #tpu.memory_space<vmem>>, vector<1x40xf32>
    %add3A_38 = vector.broadcast %get3A_37 : vector<1x40xf32> to vector<1000x40xf32>
    %add3A_39 = arith.addf %slice3A, %add3A_38 : vector<1000x40xf32>
    %swap3A = arith.constant 0 : index
    %swap3A_40 = arith.constant 0 : index
    %swap3A_41 = vector.load %arg5[%swap3A, %swap3A_40] : memref<1000x40xf32, #tpu.memory_space<vmem>>, vector<1000x40xf32>
    tpu.vector_store %arg5[%swap3A, %swap3A_40], %add3A_39 {strides = array<i32>} : memref<1000x40xf32, #tpu.memory_space<vmem>>, vector<1000x40xf32>,
    return
  }
  func.func @transform_0(%arg0: i32) -> (i32, i32, i32) {
    %c0_i32 = arith.constant 0 : i32
    %c0_i32_0 = arith.constant 0 : i32
    %c0_i32_1 = arith.constant 0 : i32
    return %c0_i32, %arg0, %c0_i32_0 : i32, i32, i32
  }
  func.func @transform_1(%arg0: i32) -> (i32, i32, i32) {
    %c0_i32 = arith.constant 0 : i32
    %c0_i32_0 = arith.constant 0 : i32
    %c0_i32_1 = arith.constant 0 : i32
    return %c0_i32, %arg0, %c0_i32_0 : i32, i32, i32
  }
  func.func @transform_2(%arg0: i32) -> (i32, i32, i32) {
    %c0_i32 = arith.constant 0 : i32
    %c0_i32_0 = arith.constant 0 : i32
    %c0_i32_1 = arith.constant 0 : i32
    return %c0_i32, %arg0, %c0_i32_0 : i32, i32, i32
  }
  func.func @transform_3(%arg0: i32) -> (i32, i32) {
    %c0_i32 = arith.constant 0 : i32
    %c0_i32_0 = arith.constant 0 : i32
    %c0_i32_1 = arith.constant 0 : i32
    return %c0_i32, %c0_i32_0 : i32, i32
  }
  func.func @transform_4(%arg0: i32) -> (i32, i32) {
    %c0_i32 = arith.constant 0 : i32
    %c0_i32_0 = arith.constant 0 : i32
    return %arg0, %c0_i32 : i32, i32
  }
}

</mosaic_0001>

<sc_bundles>
// kernel: kernel.11.cloned.1.call-start
scs
__scs_entry_jumppad:
0x0: {  	(pc) =	sbr.rel $0x88, $3  }
0x1: {  	(tag) =	ssettag $0x0;
	lr =	simm.s32 $0x1  }
0x2: {  	[smem:$0x3F9B] =	sst lr;
	_ =	strace $0xD0000000  }
0x3: {  	_ = 	snop  }
0x4: {  	_ = 	snop  }
0x5: {  	_ = 	snop  }
0x6: {  	_ = 	snop  }
0x7: {  	_ = 	snop  }
__scs_overlays_trampoline_lowered:
0x8: {  	[smem:$0x3FAA] =	sst s0  }
0x9: {  	[smem:$0x3FAB] =	sst s1  }
0xa: {  	[smem:$0x3FAC] =	sst s2  }
0xb: {  	[smem:$0x3FAD] =	sst s3  }
0xc: {  	[smem:$0x3FAE] =	sst s4  }
0xd: {  	[smem:$0x3FAF] =	sst s5  }
0xe: {  	[smem:$0x3FB0] =	sst s6  }
0xf: {  	[smem:$0x3FB1] =	sst s7  }
0x10: {  	[smem:$0x3FB2] =	sst s8  }
0x11: {  	[smem:$0x3FB3] =	sst s9;
	s0 =	simm.s32 @!p0 $0x0  }
0x12: {  	s1 =	sld [smem:$0x3F99];
	s0 =	simm.s32 @p0 $0x1  }
0x13: {  	[smem:$0x3FB4] =	sst s0;
	s0 =	simm.s32 @!p1 $0x0  }
0x14: {  	s2 =	sld [smem:$0x3F98];
	s0 =	simm.s32 @p1 $0x1  }
0x15: {  	[smem:$0x3FB5] =	sst s0;
	s0 =	simm.s32 @!p2 $0x0  }
0x16: {  	s3 =	sld [smem:$0x3FDB];
	s0 =	simm.s32 @p2 $0x1  }
0x17: {  	s4 =	simm.s32 $0x1BF5;
	[smem:$0x3FB7] =	sst s0  }
0x18: {  	s0 =	sld [smem:$0x3F9A];
	_ =	swait.ge [sflag:s4], $0x0  }
0x19: {  	s7 =	sld [smem:$0x3F9B]  }
0x1a: {  	s8 =	sadd.s32 $0xFFFFE003, lr  }
0x1b: {  	s9 =	sadd.s32 $0xFFFFFEF7, lr;
	s5 =	simm.s32 $0xFFFFFFFF;
	p2 =	slt.u32 s8, $0xFFFFF086  }
0x1c: {  	p1 =	slt.u32 s9, $0xF7A;
	s5 =	simm.s32 @!p2 $0x0  }
0x1d: {  	s5 =	simm.s32 @p1 $0x1;
	p0 =	seq.s32 s7, s2  }
0x1e: {  	s7 =	smul.u32 @!p0 $0xF7A, s2;
	p2 =	seq.s32 @!p0 s5, $0x0  }
0x1f: {  	s9 =	smul.u32 $0xF7A, s1;
	s8 =	simm.s32 @!p0 $0x1BF5;
	p2 =	por !p2, p0  }
0x20: {  	[sflag:s8] =	ssyncset.s32 @!p0 $0xFFFFF086;
	s6 =	sadd.s32 @!p0 s3, s7;
	s7 =	simm.s32 @!p0 $0x108  }
0x21: {  	s3 =	sadd.s32 s3, s9;
	s6 =	sadd.s32 @!p0 $0x88, s6;
	s7 =	simm.s32 @p2 $0x1082  }
0x22: {  	[simem:s7], [sflag:s8] =	dma.local @!p0 [hbm:s6], $0xF7A  }
0x23: {  	s9 =	sor.u32 $0xD0000000, s2;
	s6 =	simm.s32 $0x108;
	_ =	swait.ge @!p0 [sflag:s8], $0x0  }
0x24: {  	s3 =	sadd.s32 $0x88, s3;
	s6 =	simm.s32 @!p1 $0x1082;
	[sflag:s4] =	ssyncset.s32 $0xFFFFF086  }
0x25: {  	[simem:s6], [sflag:s4] =	dma.local [hbm:s3], $0xF7A  }
0x26: {  	[smem:$0x3F9B] =	sst s1;
	(tag) =	ssettag s2;
	_ =	strace s9  }
0x27: {  	s1 =	sld [smem:$0x3FAB]  }
0x28: {  	s2 =	sld [smem:$0x3FAC]  }
0x29: {  	s4 =	sld [smem:$0x3FAE]  }
0x2a: {  	p0 =	seq.s32 s5, $0x0;
	s5 =	sld [smem:$0x3FAF]  }
0x2b: {  	s6 =	sld [smem:$0x3FB0]  }
0x2c: {  	s7 =	sld [smem:$0x3FB1]  }
0x2d: {  	s3 =	simm.s32 $0x108;
	s8 =	sld [smem:$0x3FB2]  }
0x2e: {  	s3 =	simm.s32 @!p0 $0x1082;
	s9 =	sld [smem:$0x3FB3]  }
0x2f: {  	lr =	sadd.s32 s0, s3;
	s0 =	sld [smem:$0x3FAA]  }
0x30: {  	s3 =	sld [smem:$0x3FAD]  }
0x31: {  	[smem:$0x3FB6] =	sst s10  }
0x32: {  	s10 =	sld [smem:$0x3FB4];
	_ =	sdelay $0x3  }
0x33: {  	p0 =	seq.s32 s10, $0x1;
	s10 =	sld [smem:$0x3FB6];
	_ =	sdelay $0x3  }
0x34: {  	[smem:$0x3FB6] =	sst s10  }
0x35: {  	s10 =	sld [smem:$0x3FB5];
	_ =	sdelay $0x3  }
0x36: {  	p1 =	seq.s32 s10, $0x1;
	s10 =	sld [smem:$0x3FB6];
	_ =	sdelay $0x3  }
0x37: {  	[smem:$0x3FB6] =	sst s10  }
0x38: {  	s10 =	sld [smem:$0x3FB7]  }
0x39: {  	_ = 	snop;
	(pc) =	sbr.ind lr, $3  }
0x3a: {  	_ = 	snop  }
0x3b: {  	_ = 	snop  }
0x3c: {  	p2 =	seq.s32 s10, $0x1;
	s10 =	sld [smem:$0x3FB6]  }
0x3d: {  	_ =	shalt  }
0x3e: {  	_ =	shalt  }
0x3f: {  	_ =	shalt  }
0x40: {  	_ =	shalt  }
0x41: {  	_ =	shalt  }
0x42: {  	_ =	shalt  }
0x43: {  	_ =	shalt  }
0x44: {  	_ =	shalt  }
0x45: {  	_ =	shalt  }
0x46: {  	_ =	shalt  }
0x47: {  	_ =	shalt  }
0x48: {  	_ =	shalt  }
0x49: {  	_ =	shalt  }
0x4a: {  	_ =	shalt  }
0x4b: {  	_ =	shalt  }
0x4c: {  	_ =	shalt  }
0x4d: {  	_ =	shalt  }
0x4e: {  	_ =	shalt  }
0x4f: {  	_ =	shalt  }
0x50: {  	_ =	shalt  }
0x51: {  	_ =	shalt  }
0x52: {  	_ =	shalt  }
0x53: {  	_ =	shalt  }
0x54: {  	_ =	shalt  }
0x55: {  	_ =	shalt  }
0x56: {  	_ =	shalt  }
0x57: {  	_ =	shalt  }
0x58: {  	_ =	shalt  }
0x59: {  	_ =	shalt  }
0x5a: {  	_ =	shalt  }
0x5b: {  	_ =	shalt  }
0x5c: {  	_ =	shalt  }
0x5d: {  	_ =	shalt  }
0x5e: {  	_ =	shalt  }
0x5f: {  	_ =	shalt  }
0x60: {  	_ =	shalt  }
0x61: {  	_ =	shalt  }
0x62: {  	_ =	shalt  }
0x63: {  	_ =	shalt  }
0x64: {  	_ =	shalt  }
0x65: {  	_ =	shalt  }
0x66: {  	_ =	shalt  }
0x67: {  	_ =	shalt  }
0x68: {  	_ =	shalt  }
0x69: {  	_ =	shalt  }
0x6a: {  	_ =	shalt  }
0x6b: {  	_ =	shalt  }
0x6c: {  	_ =	shalt  }
0x6d: {  	_ =	shalt  }
0x6e: {  	_ =	shalt  }
0x6f: {  	_ =	shalt  }
0x70: {  	_ =	shalt  }
0x71: {  	_ =	shalt  }
0x72: {  	_ =	shalt  }
0x73: {  	_ =	shalt  }
0x74: {  	_ =	shalt  }
0x75: {  	_ =	shalt  }
0x76: {  	_ =	shalt  }
0x77: {  	_ =	shalt  }
0x78: {  	_ =	shalt  }
0x79: {  	_ =	shalt  }
0x7a: {  	_ =	shalt  }
0x7b: {  	_ =	shalt  }
0x7c: {  	_ =	shalt  }
0x7d: {  	_ =	shalt  }
0x7e: {  	_ =	shalt  }
0x7f: {  	_ =	shalt  }
0x80: {  	_ =	shalt  }
0x81: {  	_ =	shalt  }
0x82: {  	_ =	shalt  }
0x83: {  	_ =	shalt  }
0x84: {  	_ =	shalt  }
0x85: {  	_ =	shalt  }
0x86: {  	_ =	shalt  }
0x87: {  	_ =	shalt  }
.Lfunc_end0:
.L_simem_size_0:
called_computation.1_lowered:
.L_overlay_start_0:
0x88: {  	s2 =	sld [smem:$0x3FD9]  }
0x89: {  	s3 =	sld [smem:$0x3FFE];
	_ =	sdelay $0x1  }
0x8a: {  	s1 =	srdreg.scid  }
0x8b: {  	s0 =	sand.u32 $0x1, s1  }
0x8c: {  	s17 =	sshll.u32 s0, $0xA;
	s2 =	sadd.s32 s3, s2  }
0x8d: {  	s2 =	sadd.s32 s2, s17  }
0x8e: {  	[smem:$0x3FC2] =	sst s2  }
0x8f: {  	_ = 	snop  }
0x90: {  	s2 =	sld [smem:$0x3FD0];
	(tm) =	ssettm $0x1  }
0x91: {  	s18 =	sld [smem:$0x3FFB];
	_ =	sdelay $0x3  }
0x92: {  	_ =	strace s18  }
0x93: {  	s3 =	sld [smem:$0x3FFC];
	_ =	sdelay $0x3  }
0x94: {  	_ =	strace s3  }
0x95: {  	s3 =	sld [smem:$0x3FFD];
	_ =	sdelay $0x3  }
0x96: {  	_ =	strace s3  }
0x97: {  	_ =	strace $0x8FFFFFFF  }
0x98: {  	s19 =	sld [smem:$0x3FDB];
	_ =	sdelay $0x1  }
0x99: {  	s4 =	simm.s32 $_scs_section_size  }
0x9a: {  	s5 =	simm.s32 $_size__tile_overlayer_lowered;
	s6 =	simm.s32 $_tile_overlayer_lowered  }
0x9b: {  	s22 =	simm.s32 $0x1BFF;
	s21 =	sshll.u32 s6, $0x1;
	s3 =	sadd.s32 s4, s19  }
0x9c: {  	s7 =	simm.s32 $0x0;
	s20 =	sshll.u32 s5, $0x1;
	s5 =	sadd.s32 s21, s3  }
0x9d: {  	[timem:s7], [sflag:s22] =	dma.local [hbm:s5], s20  }
0x9e: {  	_ =	swait.ge [sflag:s22], s20  }
0x9f: {  	s4 =	ssub.s32 $0x0, s20;
	[sflag:s22] =	ssyncset.done $0x0  }
0xa0: {  	[sflag:s22] =	ssyncadd.s32 s4;
	_ =	sdelay $0x1  }
0xa1: {  	s23 =	simm.s32 $0x1B8B  }
0xa2: {  	_ =	swait.ge [sflag:s23], $0x1  }
0xa3: {  	[sflag:s23] =	ssyncset.done $0x0  }
0xa4: {  	s25 =	simm.s32 $0x1B8E;
	s24 =	sld [smem:$0x3FFE];
	[sflag:s23] =	ssyncadd.s32 $0xFFFFFFFF  }
0xa5: {  	s26 =	simm.s32 $execute0_lowered;
	[smem:$0x3FD2] =	sst s25  }
0xa6: {  	s5 =	sshll.u32 s26, $0x1;
	_ =	strace $0x80000049;
	[dreg:$0x1] =	wrdreg $0xFFFFFFFF  }
0xa7: {  	s28 =	simm.s32 $_size_execute0_lowered;
	s3 =	sadd.s32 s3, s5;
	[dreg:$0x0] =	wrdreg $0x0  }
0xa8: {  	s5 =	sshll.u32 s28, $0x1;
	[dreg:$0x2] =	wrdreg s3  }
0xa9: {  	[dreg:$0x3] =	wrdreg s5  }
0xaa: {  	[dreg:$0x4] =	wrdreg $0xC0  }
0xab: {  	_ =	task [dreg:s7], $0x5FFFF  }
0xac: {  	[dreg:$0x1] =	wrdreg $0xFFFFFFFF  }
0xad: {  	[dreg:$0x0] =	wrdreg $0x60  }
0xae: {  	[dreg:$0x2] =	wrdreg s24  }
0xaf: {  	[dreg:$0x3] =	wrdreg s2  }
0xb0: {  	[dreg:$0x4] =	wrdreg $0xDE000  }
0xb1: {  	[dreg:$0x5] =	wrdreg $0x9  }
0xb2: {  	_ =	task.clear_ibuf [dreg:s7], $0x6FFFF;
	_ =	strace $0x90000049  }
0xb3: {  	s29 =	simm.s32 $0x9;
	_ =	strace $0x8000004B  }
0xb4: {  	_ =	swait.ge [sflag:s29], $0x1  }
0xb5: {  	[sflag:s29] =	ssyncadd.s32 $0xFFFFFFFF  }
0xb6: {  	_ =	strace $0x9000004B  }
0xb7: {  	_ =	sfence  }
0xb8: {  	s30 =	sld [smem:$0x0];
	_ =	sdelay $0x2  }
0xb9: {  	s31 =	sshll.u32 s1, $0xD;
	s1 =	sshrl.u32 s1, $0x2  }
0xba: {  	s3 =	sand.u32 $0x4000, s31;
	s1 =	sadd.s32 s1, s30  }
0xbb: {  	s0 =	sor.u32 s3, s0;
	s1 =	sshll.u32 s1, $0x11  }
0xbc: {  	s0 =	sor.u32 s1, s0  }
0xbd: {  	s0 =	sadd.s32 $0x8F2B, s0  }
0xbe: {  	[sflag:s0] =	ssyncadd.remote.s32 $0x1  }
0xbf: {  	_ =	sfence.sel $0xFFFF  }
0xc0: {  	[dreg:$0x0] =	wrdreg $0xFFFFFFFF;
	(pc) =	sbr.abs _section_cstart, $3  }
0xc1: {  	[dreg:$0x1] =	wrdreg $0xFFFFFFFF  }
0xc2: {  	_ =	task.clear_ibuf [dreg:s7], $0x2FFFF;
	_ =	strace $0x9FFFFFFF  }
0xc3: {  	(tm) =	ssettm $0x7FFFFFFF  }
tec
execute0_lowered:
.L_overlay_start_1:
0x0: {  	(tag) =	ssettag $0x1  }
0x1: {  	s0 =	rddreg [dreg:$0x0]  }
0x2: {  	s3 =	rddreg [dreg:$0x2];
	s4 =	simm.s32 $0x0  }
0x3: {  	s8 =	stileid.u32;
	s1 =	srdreg.scid;
	s29 =	simm.s32 $0x9E00  }
0x4: {  	s30 =	simm.s32 $0x80;
	s31 =	simm.s32 $0xBE00;
	s28 =	simm.s32 $0x9D80  }
0x5: {  	s20 =	simm.s32 $0x0;
	[smem:$0x7FF] =	sst s4;
	s2 =	smul.u32 $0x9E0, s8  }
0x6: {  	s1 =	sand.u32 $0x1, s1;
	s5 =	sadd.s32 $0xB8A00, s0;
	s13 =	smul.u32 $0xA000, s8  }
0x7: {  	s15 =	sadd.s32 $0xDFC00, s0;
	_ =	strace $0x8000004A;
	s6 =	ssub.s32 $0x2, s1  }
0x8: {  	p0 =	seq.s32 s1, $0x1;
	s1 =	simm.s32 $0x2;
	s2 =	sadd.s32 s2, s0  }
0x9: {  	s7 =	sshrl.u32 s6, $0x1;
	s8 =	sadd.s32 s13, s3;
	s21 =	sadd.s32 $0x2000, s13  }
0xa: {  	s17 =	sadd.s32 $0x4000, s13;
	s18 =	sadd.s32 $0x6000, s13;
	s19 =	sadd.s32 $0x8000, s13  }
0xb: {  	s13 =	sshrl.u32 s13, $0x3;
	s16 =	ssub.s32 s6, s7;
	s6 =	sadd.s32 $0x6C00, s2  }
0xc: {  	s7 =	sadd.s32 $0x10A00, s2;
	s9 =	sadd.s32 s21, s3;
	s10 =	sadd.s32 s17, s3  }
0xd: {  	s11 =	sadd.s32 s18, s3;
	s12 =	sadd.s32 s19, s3;
	s14 =	sshrl.u32 s21, $0x3  }
0xe: {  	s22 =	sadd.s32 s15, s13;
	s17 =	sshrl.u32 s17, $0x3;
	s18 =	sshrl.u32 s18, $0x3  }
0xf: {  	s19 =	sshrl.u32 s19, $0x3;
	[dreg:$0x4] =	wrdreg s22;
	s23 =	sadd.s32 s15, s14  }
.Ltmp0:
0x10: {  	s24 =	sadd.s32 s15, s17;
	[dreg:$0x5] =	wrdreg s23;
	(pc) =	sbr.rel .LBB2_1-.Ltmp0, $4  }
0x11: {  	s2 =	simm.s32 $0x3;
	s25 =	sadd.s32 s15, s18;
	[dreg:$0x6] =	wrdreg s24  }
0x12: {  	s26 =	sadd.s32 s15, s19;
	s15 =	simm.s32 $0x4;
	[dreg:$0x7] =	wrdreg s25  }
0x13: {  	[dreg:$0x8] =	wrdreg s26;
	s23 =	sadd.s32 $0xCC280, s0;
	s24 =	sadd.s32 $0xF3C00, s0  }
0x14: {  	s25 =	smax.u32 s16, $0x1;
	s26 =	simm.s32 $0x5;
	s0 =	simm.s32 $0x1  }
.LBB2_7:
0x15: {  	[tilespmem:s31], [sflag:$0x2] =	stream.indirect.gather [hbm4b:s23+s30], $0x40, s22, s30, $0xb8;
	[tilespmem:$0x17E00] =	vst v63  }
0x16: {  	_ =	swait.ge [sflag:s0], $0x2000  }
0x17: {  	[sflag:s0] =	ssyncset.done $0x0  }
0x18: {  	s16 =	simm.s32 $0x9D00;
	[sflag:s0] =	ssyncadd.s32 $0xFFFFE000  }
0x19: {  	[spmem:s3] =	stream.indirect.scatter.add.f32 [tilespmem:s29], [sflag:$0x3], $0x40, s16, s30, $0xb8;
	[tilespmem:$0x17E00] =	vst v63  }
0x1a: {  	_ =	swait.ge [sflag:s1], $0x2000  }
0x1b: {  	[sflag:s1] =	ssyncset.done $0x0  }
0x1c: {  	[sflag:s1] =	ssyncadd.s32 $0xFFFFE000  }
0x1d: {  	[spmem:s3] =	stream.indirect.scatter.add.f32 [tilespmem:s31], [sflag:$0x4], $0x40, s28, s30, $0xb8;
	[tilespmem:$0x17E00] =	vst v63  }
0x1e: {  	_ =	swait.ge [sflag:s2], $0x2000  }
0x1f: {  	[sflag:s2] =	ssyncset.done $0x0  }
0x20: {  	[sflag:s2] =	ssyncadd.s32 $0xFFFFE000  }
0x21: {  	_ =	swait.ge [sflag:s15], $0x2000  }
0x22: {  	s22 =	stileid.u32;
	[sflag:s15] =	ssyncset.done $0x0  }
0x23: {  	s16 =	sshll.u32 s22, $0x6;
	s22 =	sadd.s32 s13, s24;
	[sflag:s15] =	ssyncadd.s32 $0xFFFFE000  }
0x24: {  	s21 =	sor.u32 $0x1C05, s16;
	s16 =	sshrl.u32 s8, $0x3;
	[bflag:$0x0] =	sbarrier.arrive $0xFFFF  }
0x25: {  	[hbm:s22], [sflag:s21] =	dma.local [spmem:s16], $0x400  }
0x26: {  	_ =	swait.ge [sflag:s26], $0x400  }
0x27: {  	[sflag:s26] =	ssyncset.done $0x0  }
0x28: {  	s16 =	sadd.s32 s14, s24;
	s22 =	sshrl.u32 s9, $0x3;
	[sflag:s26] =	ssyncadd.s32 $0xFFFFFC00  }
0x29: {  	[hbm:s16], [sflag:s21] =	dma.local [spmem:s22], $0x400  }
0x2a: {  	_ =	swait.ge [sflag:s26], $0x400  }
0x2b: {  	[sflag:s26] =	ssyncset.done $0x0  }
0x2c: {  	s16 =	sadd.s32 s17, s24;
	s22 =	sshrl.u32 s10, $0x3;
	[sflag:s26] =	ssyncadd.s32 $0xFFFFFC00  }
0x2d: {  	[hbm:s16], [sflag:s21] =	dma.local [spmem:s22], $0x400  }
0x2e: {  	_ =	swait.ge [sflag:s26], $0x400  }
0x2f: {  	[sflag:s26] =	ssyncset.done $0x0  }
0x30: {  	s16 =	sadd.s32 s18, s24;
	s22 =	sshrl.u32 s11, $0x3;
	[sflag:s26] =	ssyncadd.s32 $0xFFFFFC00  }
0x31: {  	[hbm:s16], [sflag:s21] =	dma.local [spmem:s22], $0x400  }
0x32: {  	_ =	swait.ge [sflag:s26], $0x400  }
0x33: {  	[sflag:s26] =	ssyncset.done $0x0  }
0x34: {  	s22 =	sadd.s32 s19, s24;
	[sflag:s26] =	ssyncadd.s32 $0xFFFFFC00  }
.LBB2_8:
0x35: {  	s20 =	sadd.s32 $0x1, s20  }
0x36: {  	p1 =	sne.s32 s20, s25  }
.Ltmp1:
0x37: {  	s16 =	sshrl.u32 s12, $0x3;
	(pc) =	sbr.rel @!p1 .LBB2_9-.Ltmp1, $4  }
0x38: {  	[hbm:s22], [sflag:s21] =	dma.local [spmem:s16], $0x400  }
0x39: {  	_ =	swait.ge [sflag:s26], $0x400  }
0x3a: {  	[sflag:s26] =	ssyncset.done $0x0  }
0x3b: {  	[sflag:s26] =	ssyncadd.s32 $0xFFFFFC00  }
.LBB2_1:
0x3c: {  	[tilespmem:s4], [sflag:$0x5] =	stream.linear.gather [hbm4b:s6+s4], $0x4F00, $0x38;
	[tilespmem:$0x17E00] =	vst v63  }
0x3d: {  	_ =	swait.ge [sflag:s26], $0x4F00  }
0x3e: {  	[sflag:s26] =	ssyncset.done $0x0  }
0x3f: {  	s16 =	simm.s32 $0x4F00;
	[sflag:s26] =	ssyncadd.s32 $0xFFFFB100  }
0x40: {  	[tilespmem:s16], [sflag:$0x5] =	stream.linear.gather [hbm4b:s7+s4], $0x4F00, $0x38;
	[tilespmem:$0x17E00] =	vst v63  }
0x41: {  	_ =	swait.ge [sflag:s26], $0x4F00  }
0x42: {  	[sflag:s26] =	ssyncset.done $0x0  }
0x43: {  	[sflag:s26] =	ssyncadd.s32 $0xFFFFB100  }
0x44: {  	s22 =	rddreg [dreg:$0x1]  }
0x45: {  	[tilespmem:s29], [sflag:$0x5] =	stream.linear.gather [hbm4b:s22+s4], $0x2000, $0x38;
	[tilespmem:$0x17E00] =	vst v63  }
0x46: {  	_ =	swait.ge [sflag:s26], $0x2000  }
0x47: {  	[sflag:s26] =	ssyncset.done $0x0  }
0x48: {  	[sflag:s26] =	ssyncadd.s32 $0xFFFFE000  }
0x49: {  	[spmem:s8] =	stream.linear.scatter [tilespmem:s29], [sflag:$0x5], $0x2000, $0x38;
	[tilespmem:$0x17E00] =	vst v63  }
0x4a: {  	_ =	swait.ge [sflag:s26], $0x2000  }
0x4b: {  	[sflag:s26] =	ssyncset.done $0x0  }
0x4c: {  	[sflag:s26] =	ssyncadd.s32 $0xFFFFE000  }
0x4d: {  	[spmem:s9] =	stream.linear.scatter [tilespmem:s29], [sflag:$0x5], $0x2000, $0x38;
	[tilespmem:$0x17E00] =	vst v63  }
0x4e: {  	_ =	swait.ge [sflag:s26], $0x2000  }
0x4f: {  	[sflag:s26] =	ssyncset.done $0x0  }
0x50: {  	[sflag:s26] =	ssyncadd.s32 $0xFFFFE000  }
0x51: {  	[spmem:s10] =	stream.linear.scatter [tilespmem:s29], [sflag:$0x5], $0x2000, $0x38;
	[tilespmem:$0x17E00] =	vst v63  }
0x52: {  	_ =	swait.ge [sflag:s26], $0x2000  }
0x53: {  	[sflag:s26] =	ssyncset.done $0x0  }
0x54: {  	[sflag:s26] =	ssyncadd.s32 $0xFFFFE000  }
0x55: {  	[spmem:s11] =	stream.linear.scatter [tilespmem:s29], [sflag:$0x5], $0x2000, $0x38;
	[tilespmem:$0x17E00] =	vst v63  }
0x56: {  	_ =	swait.ge [sflag:s26], $0x2000  }
0x57: {  	[sflag:s26] =	ssyncset.done $0x0  }
0x58: {  	[sflag:s26] =	ssyncadd.s32 $0xFFFFE000  }
0x59: {  	[spmem:s12] =	stream.linear.scatter [tilespmem:s29], [sflag:$0x5], $0x2000, $0x38;
	[tilespmem:$0x17E00] =	vst v63  }
.Ltmp2:
0x5a: {  	_ =	swait.ge [sflag:s26], $0x2000;
	(pc) =	sbr.rel @!p0 .LBB2_2-.Ltmp2, $3  }
0x5b: {  	[sflag:s26] =	ssyncset.done $0x0  }
0x5c: {  	[sflag:s26] =	ssyncadd.s32 $0xFFFFE000  }
0x5d: {  	[bflag:$0x0] =	sbarrier.arrive $0xFFFF;
	_ =	sdelay $0x1  }
0x5e: {  	s16 =	simm.s32 $0x0  }
0x5f: {  	[tilespmem:s29], [sflag:$0x1] =	stream.indirect.gather [hbm4b:s23+s30], $0x40, s16, s30, $0xb8;
	[tilespmem:$0x17E00] =	vst v63  }
0x60: {  	_ = 	snop  }
0x61: {  	[tilespmem:s31], [sflag:$0x2] =	stream.indirect.gather [hbm4b:s23+s30], $0x40, s30, s30, $0xb8;
	[tilespmem:$0x17E00] =	vst v63  }
0x62: {  	_ =	swait.ge [sflag:s0], $0x2000  }
0x63: {  	[sflag:s0] =	ssyncset.done $0x0  }
0x64: {  	s22 =	simm.s32 $0x4F00;
	[sflag:s0] =	ssyncadd.s32 $0xFFFFE000  }
0x65: {  	[spmem:s3] =	stream.indirect.scatter.add.f32 [tilespmem:s29], [sflag:$0x3], $0x40, s22, s30, $0xb8;
	[tilespmem:$0x17E00] =	vst v63  }
0x66: {  	_ =	swait.ge [sflag:s2], $0x2000  }
0x67: {  	[sflag:s2] =	ssyncset.done $0x0  }
0x68: {  	s21 =	simm.s32 $0x100;
	[sflag:s2] =	ssyncadd.s32 $0xFFFFE000  }
0x69: {  	[tilespmem:s29], [sflag:$0x1] =	stream.indirect.gather [hbm4b:s23+s30], $0x40, s21, s30, $0xb8;
	[tilespmem:$0x17E00] =	vst v63  }
0x6a: {  	_ =	swait.ge [sflag:s1], $0x2000  }
0x6b: {  	[sflag:s1] =	ssyncset.done $0x0  }
0x6c: {  	s22 =	simm.s32 $0x4F80;
	[sflag:s1] =	ssyncadd.s32 $0xFFFFE000  }
0x6d: {  	[spmem:s3] =	stream.indirect.scatter.add.f32 [tilespmem:s31], [sflag:$0x4], $0x40, s22, s30, $0xb8;
	[tilespmem:$0x17E00] =	vst v63  }
0x6e: {  	_ =	swait.ge [sflag:s15], $0x2000  }
0x6f: {  	[sflag:s15] =	ssyncset.done $0x0  }
0x70: {  	s21 =	simm.s32 $0x400;
	s22 =	simm.s32 $0x180;
	[sflag:s15] =	ssyncadd.s32 $0xFFFFE000  }
.LBB2_6:
0x71: {  	[tilespmem:s31], [sflag:$0x2] =	stream.indirect.gather [hbm4b:s23+s30], $0x40, s22, s30, $0xb8;
	[tilespmem:$0x17E00] =	vst v63  }
0x72: {  	s16 =	smov.u32 s21  }
0x73: {  	p1 =	sne.s32 s21, $0x13400;
	s21 =	sadd.s32 $0x400, s21;
	_ =	swait.ge [sflag:s0], $0x2000  }
0x74: {  	s16 =	sshra.s32 s16, $0x2;
	[sflag:s0] =	ssyncset.done $0x0  }
0x75: {  	s22 =	sadd.s32 $0x4F00, s16;
	[sflag:s0] =	ssyncadd.s32 $0xFFFFE000  }
0x76: {  	[spmem:s3] =	stream.indirect.scatter.add.f32 [tilespmem:s29], [sflag:$0x3], $0x40, s22, s30, $0xb8;
	[tilespmem:$0x17E00] =	vst v63  }
0x77: {  	_ =	swait.ge [sflag:s2], $0x2000  }
0x78: {  	[sflag:s2] =	ssyncset.done $0x0  }
0x79: {  	s22 =	sadd.s32 $0x100, s16;
	[sflag:s2] =	ssyncadd.s32 $0xFFFFE000  }
0x7a: {  	[tilespmem:s29], [sflag:$0x1] =	stream.indirect.gather [hbm4b:s23+s30], $0x40, s22, s30, $0xb8;
	[tilespmem:$0x17E00] =	vst v63  }
0x7b: {  	_ =	swait.ge [sflag:s1], $0x2000  }
0x7c: {  	[sflag:s1] =	ssyncset.done $0x0  }
.Ltmp3:
0x7d: {  	s22 =	sadd.s32 $0x4F80, s16;
	[sflag:s1] =	ssyncadd.s32 $0xFFFFE000;
	(pc) =	sbr.rel @p1 .LBB2_6-.Ltmp3, $4  }
0x7e: {  	[spmem:s3] =	stream.indirect.scatter.add.f32 [tilespmem:s31], [sflag:$0x4], $0x40, s22, s30, $0xb8;
	[tilespmem:$0x17E00] =	vst v63  }
0x7f: {  	_ =	swait.ge [sflag:s15], $0x2000  }
0x80: {  	[sflag:s15] =	ssyncset.done $0x0  }
0x81: {  	s22 =	sadd.s32 $0x180, s16;
	[sflag:s15] =	ssyncadd.s32 $0xFFFFE000  }
.Ltmp4:
0x82: {  	_ = 	snop;
	(pc) =	sbr.rel .LBB2_7-.Ltmp4, $1  }
0x83: {  	_ =	sdelay $0x3  }
.LBB2_2:
0x84: {  	s21 =	simm.s32 $0x0  }
0x85: {  	[tilespmem:s29], [sflag:$0x1] =	stream.indirect.gather [hbm4b:s5+s30], $0x40, s21, s30, $0xb8;
	[tilespmem:$0x17E00] =	vst v63  }
0x86: {  	_ = 	snop  }
0x87: {  	[tilespmem:s31], [sflag:$0x2] =	stream.indirect.gather [hbm4b:s5+s30], $0x40, s30, s30, $0xb8;
	[tilespmem:$0x17E00] =	vst v63  }
0x88: {  	_ =	swait.ge [sflag:s0], $0x2000  }
0x89: {  	[sflag:s0] =	ssyncset.done $0x0  }
0x8a: {  	s22 =	simm.s32 $0x4F00;
	[sflag:s0] =	ssyncadd.s32 $0xFFFFE000  }
0x8b: {  	[spmem:s3] =	stream.indirect.scatter.add.f32 [tilespmem:s29], [sflag:$0x3], $0x40, s22, s30, $0xb8;
	[tilespmem:$0x17E00] =	vst v63  }
0x8c: {  	_ =	swait.ge [sflag:s2], $0x2000  }
0x8d: {  	[sflag:s2] =	ssyncset.done $0x0  }
0x8e: {  	s16 =	simm.s32 $0x100;
	[sflag:s2] =	ssyncadd.s32 $0xFFFFE000  }
0x8f: {  	[tilespmem:s29], [sflag:$0x1] =	stream.indirect.gather [hbm4b:s5+s30], $0x40, s16, s30, $0xb8;
	[tilespmem:$0x17E00] =	vst v63  }
0x90: {  	_ =	swait.ge [sflag:s1], $0x2000  }
0x91: {  	[sflag:s1] =	ssyncset.done $0x0  }
0x92: {  	s22 =	simm.s32 $0x4F80;
	[sflag:s1] =	ssyncadd.s32 $0xFFFFE000  }
0x93: {  	[spmem:s3] =	stream.indirect.scatter.add.f32 [tilespmem:s31], [sflag:$0x4], $0x40, s22, s30, $0xb8;
	[tilespmem:$0x17E00] =	vst v63  }
0x94: {  	_ =	swait.ge [sflag:s15], $0x2000  }
0x95: {  	[sflag:s15] =	ssyncset.done $0x0  }
0x96: {  	s21 =	simm.s32 $0x400;
	s22 =	simm.s32 $0x180;
	[sflag:s15] =	ssyncadd.s32 $0xFFFFE000  }
.LBB2_3:
0x97: {  	[tilespmem:s31], [sflag:$0x2] =	stream.indirect.gather [hbm4b:s5+s30], $0x40, s22, s30, $0xb8;
	[tilespmem:$0x17E00] =	vst v63  }
0x98: {  	s22 =	smov.u32 s21  }
0x99: {  	p1 =	sne.s32 s21, $0x13400;
	s21 =	sadd.s32 $0x400, s21;
	_ =	swait.ge [sflag:s0], $0x2000  }
0x9a: {  	s22 =	sshra.s32 s22, $0x2;
	[sflag:s0] =	ssyncset.done $0x0  }
0x9b: {  	s16 =	sadd.s32 $0x4F00, s22;
	[sflag:s0] =	ssyncadd.s32 $0xFFFFE000  }
0x9c: {  	[spmem:s3] =	stream.indirect.scatter.add.f32 [tilespmem:s29], [sflag:$0x3], $0x40, s16, s30, $0xb8;
	[tilespmem:$0x17E00] =	vst v63  }
0x9d: {  	_ =	swait.ge [sflag:s2], $0x2000  }
0x9e: {  	[sflag:s2] =	ssyncset.done $0x0  }
0x9f: {  	s16 =	sadd.s32 $0x100, s22;
	[sflag:s2] =	ssyncadd.s32 $0xFFFFE000  }
0xa0: {  	[tilespmem:s29], [sflag:$0x1] =	stream.indirect.gather [hbm4b:s5+s30], $0x40, s16, s30, $0xb8;
	[tilespmem:$0x17E00] =	vst v63  }
0xa1: {  	_ =	swait.ge [sflag:s1], $0x2000  }
0xa2: {  	[sflag:s1] =	ssyncset.done $0x0  }
.Ltmp5:
0xa3: {  	s16 =	sadd.s32 $0x4F80, s22;
	[sflag:s1] =	ssyncadd.s32 $0xFFFFE000;
	(pc) =	sbr.rel @p1 .LBB2_3-.Ltmp5, $4  }
0xa4: {  	[spmem:s3] =	stream.indirect.scatter.add.f32 [tilespmem:s31], [sflag:$0x4], $0x40, s16, s30, $0xb8;
	[tilespmem:$0x17E00] =	vst v63  }
0xa5: {  	_ =	swait.ge [sflag:s15], $0x2000  }
0xa6: {  	[sflag:s15] =	ssyncset.done $0x0  }
0xa7: {  	s22 =	sadd.s32 $0x180, s22;
	[sflag:s15] =	ssyncadd.s32 $0xFFFFE000  }
0xa8: {  	[tilespmem:s31], [sflag:$0x2] =	stream.indirect.gather [hbm4b:s5+s30], $0x40, s22, s30, $0xb8;
	[tilespmem:$0x17E00] =	vst v63  }
0xa9: {  	_ =	swait.ge [sflag:s0], $0x2000  }
0xaa: {  	[sflag:s0] =	ssyncset.done $0x0  }
0xab: {  	s16 =	simm.s32 $0x9D00;
	[sflag:s0] =	ssyncadd.s32 $0xFFFFE000  }
0xac: {  	[spmem:s3] =	stream.indirect.scatter.add.f32 [tilespmem:s29], [sflag:$0x3], $0x40, s16, s30, $0xb8;
	[tilespmem:$0x17E00] =	vst v63  }
0xad: {  	_ =	swait.ge [sflag:s1], $0x2000  }
0xae: {  	[sflag:s1] =	ssyncset.done $0x0  }
0xaf: {  	[sflag:s1] =	ssyncadd.s32 $0xFFFFE000  }
0xb0: {  	[spmem:s3] =	stream.indirect.scatter.add.f32 [tilespmem:s31], [sflag:$0x4], $0x40, s28, s30, $0xb8;
	[tilespmem:$0x17E00] =	vst v63  }
0xb1: {  	_ =	swait.ge [sflag:s2], $0x2000  }
0xb2: {  	[sflag:s2] =	ssyncset.done $0x0  }
0xb3: {  	[sflag:s2] =	ssyncadd.s32 $0xFFFFE000  }
0xb4: {  	_ =	swait.ge [sflag:s15], $0x2000  }
0xb5: {  	[sflag:s15] =	ssyncset.done $0x0  }
0xb6: {  	s22 =	stileid.u32;
	[sflag:s15] =	ssyncadd.s32 $0xFFFFE000  }
0xb7: {  	s16 =	sshll.u32 s22, $0x6;
	[bflag:$0x0] =	sbarrier.arrive $0xFFFF  }
0xb8: {  	s21 =	sor.u32 $0x1C05, s16;
	s16 =	sshrl.u32 s8, $0x3;
	s22 =	rddreg [dreg:$0x4]  }
0xb9: {  	[hbm:s22], [sflag:s21] =	dma.local [spmem:s16], $0x400  }
0xba: {  	_ =	swait.ge [sflag:s26], $0x400  }
0xbb: {  	[sflag:s26] =	ssyncset.done $0x0  }
0xbc: {  	s16 =	sshrl.u32 s9, $0x3;
	s22 =	rddreg [dreg:$0x5];
	[sflag:s26] =	ssyncadd.s32 $0xFFFFFC00  }
0xbd: {  	[hbm:s22], [sflag:s21] =	dma.local [spmem:s16], $0x400  }
0xbe: {  	_ =	swait.ge [sflag:s26], $0x400  }
0xbf: {  	[sflag:s26] =	ssyncset.done $0x0  }
0xc0: {  	s16 =	sshrl.u32 s10, $0x3;
	s22 =	rddreg [dreg:$0x6];
	[sflag:s26] =	ssyncadd.s32 $0xFFFFFC00  }
0xc1: {  	[hbm:s22], [sflag:s21] =	dma.local [spmem:s16], $0x400  }
0xc2: {  	_ =	swait.ge [sflag:s26], $0x400  }
0xc3: {  	s16 =	sshrl.u32 s11, $0x3;
	[sflag:s26] =	ssyncset.done $0x0  }
.Ltmp6:
0xc4: {  	s22 =	rddreg [dreg:$0x7];
	[sflag:s26] =	ssyncadd.s32 $0xFFFFFC00;
	(pc) =	sbr.rel .LBB2_8-.Ltmp6, $4  }
0xc5: {  	[hbm:s22], [sflag:s21] =	dma.local [spmem:s16], $0x400  }
0xc6: {  	_ =	swait.ge [sflag:s26], $0x400  }
0xc7: {  	[sflag:s26] =	ssyncset.done $0x0  }
0xc8: {  	s22 =	rddreg [dreg:$0x8];
	[sflag:s26] =	ssyncadd.s32 $0xFFFFFC00  }
.LBB2_9:
0xc9: {  	_ =	sfence.sel $0x180000  }
0xca: {  	[bflag:$0x0] =	sbarrier.arrive $0xFFFF  }
0xcb: {  	_ =	strace $0x9000004A  }
0xcc: {  	s0 =	stileid.u32;
	[bflag:$0x2] =	sbarrier.arrive $0xFFFF  }
0xcd: {  	p0 =	sne.s32 s0, $0x0;
	s0 =	rddreg [dreg:$0x3]  }
0xce: {  	s0 =	sadd.s32 @!p0 $0x100000, s0  }
0xcf: {  	[sflag:s0] =	ssyncadd.tile.s32 @!p0 $0x1;
	_ =	shalt  }
.Lfunc_end2:
_tile_overlayer_lowered:
.L_overlay_start_2:
0xd0: {  	(tag) =	ssettag $0x2  }
0xd1: {  	s0 =	rddreg [dreg:$0x0];
	s2 =	stileid.u32  }
0xd2: {  	s1 =	rddreg [dreg:$0x1];
	p0 =	sne.s32 s2, $0x0  }
0xd3: {  	s3 =	rddreg [dreg:$0x2];
	[bflag:$0x3] =	sbarrier.arrive $0xFFFF;
	s2 =	simm.s32 @!p0 $0x1C05  }
0xd4: {  	[timem:s3], [sflag:s2] =	dma.local @!p0 [hbm:s0], s1  }
0xd5: {  	s0 =	simm.s32 @!p0 $0x5  }
0xd6: {  	_ =	swait.ge @!p0 [sflag:s0], s1  }
0xd7: {  	s1 =	ssub.s32 @!p0 $0x0, s1;
	[sflag:s0] =	ssyncset.done @!p0 $0x0  }
0xd8: {  	[sflag:s0] =	ssyncadd.s32 @!p0 s1  }
0xd9: {  	[bflag:$0x3] =	sbarrier.arrive $0xFFFF  }
0xda: {  	_ =	shalt  }

// kernel: kernel.14.cloned.1.call-start
scs
__scs_entry_jumppad:
0x0: {  	(pc) =	sbr.rel $0x88, $3  }
0x1: {  	(tag) =	ssettag $0x0;
	lr =	simm.s32 $0x1  }
0x2: {  	[smem:$0x3F9B] =	sst lr;
	_ =	strace $0xD0000000  }
0x3: {  	_ = 	snop  }
0x4: {  	_ = 	snop  }
0x5: {  	_ = 	snop  }
0x6: {  	_ = 	snop  }
0x7: {  	_ = 	snop  }
__scs_overlays_trampoline_lowered:
0x8: {  	[smem:$0x3FAA] =	sst s0  }
0x9: {  	[smem:$0x3FAB] =	sst s1  }
0xa: {  	[smem:$0x3FAC] =	sst s2  }
0xb: {  	[smem:$0x3FAD] =	sst s3  }
0xc: {  	[smem:$0x3FAE] =	sst s4  }
0xd: {  	[smem:$0x3FAF] =	sst s5  }
0xe: {  	[smem:$0x3FB0] =	sst s6  }
0xf: {  	[smem:$0x3FB1] =	sst s7  }
0x10: {  	[smem:$0x3FB2] =	sst s8  }
0x11: {  	[smem:$0x3FB3] =	sst s9;
	s0 =	simm.s32 @!p0 $0x0  }
0x12: {  	s1 =	sld [smem:$0x3F99];
	s0 =	simm.s32 @p0 $0x1  }
0x13: {  	[smem:$0x3FB4] =	sst s0;
	s0 =	simm.s32 @!p1 $0x0  }
0x14: {  	s2 =	sld [smem:$0x3F98];
	s0 =	simm.s32 @p1 $0x1  }
0x15: {  	[smem:$0x3FB5] =	sst s0;
	s0 =	simm.s32 @!p2 $0x0  }
0x16: {  	s3 =	sld [smem:$0x3FDB];
	s0 =	simm.s32 @p2 $0x1  }
0x17: {  	s4 =	simm.s32 $0x1BF5;
	[smem:$0x3FB7] =	sst s0  }
0x18: {  	s0 =	sld [smem:$0x3F9A];
	_ =	swait.ge [sflag:s4], $0x0  }
0x19: {  	s7 =	sld [smem:$0x3F9B]  }
0x1a: {  	s8 =	sadd.s32 $0xFFFFE003, lr  }
0x1b: {  	s9 =	sadd.s32 $0xFFFFFEF7, lr;
	s5 =	simm.s32 $0xFFFFFFFF;
	p2 =	slt.u32 s8, $0xFFFFF086  }
0x1c: {  	p1 =	slt.u32 s9, $0xF7A;
	s5 =	simm.s32 @!p2 $0x0  }
0x1d: {  	s5 =	simm.s32 @p1 $0x1;
	p0 =	seq.s32 s7, s2  }
0x1e: {  	s7 =	smul.u32 @!p0 $0xF7A, s2;
	p2 =	seq.s32 @!p0 s5, $0x0  }
0x1f: {  	s9 =	smul.u32 $0xF7A, s1;
	s8 =	simm.s32 @!p0 $0x1BF5;
	p2 =	por !p2, p0  }
0x20: {  	[sflag:s8] =	ssyncset.s32 @!p0 $0xFFFFF086;
	s6 =	sadd.s32 @!p0 s3, s7;
	s7 =	simm.s32 @!p0 $0x108  }
0x21: {  	s3 =	sadd.s32 s3, s9;
	s6 =	sadd.s32 @!p0 $0x88, s6;
	s7 =	simm.s32 @p2 $0x1082  }
0x22: {  	[simem:s7], [sflag:s8] =	dma.local @!p0 [hbm:s6], $0xF7A  }
0x23: {  	s9 =	sor.u32 $0xD0000000, s2;
	s6 =	simm.s32 $0x108;
	_ =	swait.ge @!p0 [sflag:s8], $0x0  }
0x24: {  	s3 =	sadd.s32 $0x88, s3;
	s6 =	simm.s32 @!p1 $0x1082;
	[sflag:s4] =	ssyncset.s32 $0xFFFFF086  }
0x25: {  	[simem:s6], [sflag:s4] =	dma.local [hbm:s3], $0xF7A  }
0x26: {  	[smem:$0x3F9B] =	sst s1;
	(tag) =	ssettag s2;
	_ =	strace s9  }
0x27: {  	s1 =	sld [smem:$0x3FAB]  }
0x28: {  	s2 =	sld [smem:$0x3FAC]  }
0x29: {  	s4 =	sld [smem:$0x3FAE]  }
0x2a: {  	p0 =	seq.s32 s5, $0x0;
	s5 =	sld [smem:$0x3FAF]  }
0x2b: {  	s6 =	sld [smem:$0x3FB0]  }
0x2c: {  	s7 =	sld [smem:$0x3FB1]  }
0x2d: {  	s3 =	simm.s32 $0x108;
	s8 =	sld [smem:$0x3FB2]  }
0x2e: {  	s3 =	simm.s32 @!p0 $0x1082;
	s9 =	sld [smem:$0x3FB3]  }
0x2f: {  	lr =	sadd.s32 s0, s3;
	s0 =	sld [smem:$0x3FAA]  }
0x30: {  	s3 =	sld [smem:$0x3FAD]  }
0x31: {  	[smem:$0x3FB6] =	sst s10  }
0x32: {  	s10 =	sld [smem:$0x3FB4];
	_ =	sdelay $0x3  }
0x33: {  	p0 =	seq.s32 s10, $0x1;
	s10 =	sld [smem:$0x3FB6];
	_ =	sdelay $0x3  }
0x34: {  	[smem:$0x3FB6] =	sst s10  }
0x35: {  	s10 =	sld [smem:$0x3FB5];
	_ =	sdelay $0x3  }
0x36: {  	p1 =	seq.s32 s10, $0x1;
	s10 =	sld [smem:$0x3FB6];
	_ =	sdelay $0x3  }
0x37: {  	[smem:$0x3FB6] =	sst s10  }
0x38: {  	s10 =	sld [smem:$0x3FB7]  }
0x39: {  	_ = 	snop;
	(pc) =	sbr.ind lr, $3  }
0x3a: {  	_ = 	snop  }
0x3b: {  	_ = 	snop  }
0x3c: {  	p2 =	seq.s32 s10, $0x1;
	s10 =	sld [smem:$0x3FB6]  }
0x3d: {  	_ =	shalt  }
0x3e: {  	_ =	shalt  }
0x3f: {  	_ =	shalt  }
0x40: {  	_ =	shalt  }
0x41: {  	_ =	shalt  }
0x42: {  	_ =	shalt  }
0x43: {  	_ =	shalt  }
0x44: {  	_ =	shalt  }
0x45: {  	_ =	shalt  }
0x46: {  	_ =	shalt  }
0x47: {  	_ =	shalt  }
0x48: {  	_ =	shalt  }
0x49: {  	_ =	shalt  }
0x4a: {  	_ =	shalt  }
0x4b: {  	_ =	shalt  }
0x4c: {  	_ =	shalt  }
0x4d: {  	_ =	shalt  }
0x4e: {  	_ =	shalt  }
0x4f: {  	_ =	shalt  }
0x50: {  	_ =	shalt  }
0x51: {  	_ =	shalt  }
0x52: {  	_ =	shalt  }
0x53: {  	_ =	shalt  }
0x54: {  	_ =	shalt  }
0x55: {  	_ =	shalt  }
0x56: {  	_ =	shalt  }
0x57: {  	_ =	shalt  }
0x58: {  	_ =	shalt  }
0x59: {  	_ =	shalt  }
0x5a: {  	_ =	shalt  }
0x5b: {  	_ =	shalt  }
0x5c: {  	_ =	shalt  }
0x5d: {  	_ =	shalt  }
0x5e: {  	_ =	shalt  }
0x5f: {  	_ =	shalt  }
0x60: {  	_ =	shalt  }
0x61: {  	_ =	shalt  }
0x62: {  	_ =	shalt  }
0x63: {  	_ =	shalt  }
0x64: {  	_ =	shalt  }
0x65: {  	_ =	shalt  }
0x66: {  	_ =	shalt  }
0x67: {  	_ =	shalt  }
0x68: {  	_ =	shalt  }
0x69: {  	_ =	shalt  }
0x6a: {  	_ =	shalt  }
0x6b: {  	_ =	shalt  }
0x6c: {  	_ =	shalt  }
0x6d: {  	_ =	shalt  }
0x6e: {  	_ =	shalt  }
0x6f: {  	_ =	shalt  }
0x70: {  	_ =	shalt  }
0x71: {  	_ =	shalt  }
0x72: {  	_ =	shalt  }
0x73: {  	_ =	shalt  }
0x74: {  	_ =	shalt  }
0x75: {  	_ =	shalt  }
0x76: {  	_ =	shalt  }
0x77: {  	_ =	shalt  }
0x78: {  	_ =	shalt  }
0x79: {  	_ =	shalt  }
0x7a: {  	_ =	shalt  }
0x7b: {  	_ =	shalt  }
0x7c: {  	_ =	shalt  }
0x7d: {  	_ =	shalt  }
0x7e: {  	_ =	shalt  }
0x7f: {  	_ =	shalt  }
0x80: {  	_ =	shalt  }
0x81: {  	_ =	shalt  }
0x82: {  	_ =	shalt  }
0x83: {  	_ =	shalt  }
0x84: {  	_ =	shalt  }
0x85: {  	_ =	shalt  }
0x86: {  	_ =	shalt  }
0x87: {  	_ =	shalt  }
.Lfunc_end0:
.L_simem_size_0:
called_computation.2_lowered:
.L_overlay_start_0:
0x88: {  	s2 =	sld [smem:$0x3FD9]  }
0x89: {  	s3 =	sld [smem:$0x3FFE];
	_ =	sdelay $0x1  }
0x8a: {  	s1 =	srdreg.scid  }
0x8b: {  	s0 =	sand.u32 $0x1, s1  }
0x8c: {  	s17 =	sshll.u32 s0, $0xA;
	s2 =	sadd.s32 s3, s2  }
0x8d: {  	s2 =	sadd.s32 s2, s17  }
0x8e: {  	[smem:$0x3FC2] =	sst s2  }
0x8f: {  	_ = 	snop  }
0x90: {  	s2 =	sld [smem:$0x3FD0];
	(tm) =	ssettm $0x1  }
0x91: {  	s18 =	sld [smem:$0x3FFB];
	_ =	sdelay $0x3  }
0x92: {  	_ =	strace s18  }
0x93: {  	s3 =	sld [smem:$0x3FFC];
	_ =	sdelay $0x3  }
0x94: {  	_ =	strace s3  }
0x95: {  	s3 =	sld [smem:$0x3FFD];
	_ =	sdelay $0x3  }
0x96: {  	_ =	strace s3  }
0x97: {  	_ =	strace $0x8FFFFFFF  }
0x98: {  	s19 =	sld [smem:$0x3FDB];
	_ =	sdelay $0x1  }
0x99: {  	s4 =	simm.s32 $_scs_section_size  }
0x9a: {  	s5 =	simm.s32 $_size__tile_overlayer_lowered;
	s6 =	simm.s32 $_tile_overlayer_lowered  }
0x9b: {  	s22 =	simm.s32 $0x1BFF;
	s21 =	sshll.u32 s6, $0x1;
	s3 =	sadd.s32 s4, s19  }
0x9c: {  	s7 =	simm.s32 $0x0;
	s20 =	sshll.u32 s5, $0x1;
	s5 =	sadd.s32 s21, s3  }
0x9d: {  	[timem:s7], [sflag:s22] =	dma.local [hbm:s5], s20  }
0x9e: {  	_ =	swait.ge [sflag:s22], s20  }
0x9f: {  	s4 =	ssub.s32 $0x0, s20;
	[sflag:s22] =	ssyncset.done $0x0  }
0xa0: {  	[sflag:s22] =	ssyncadd.s32 s4;
	_ =	sdelay $0x1  }
0xa1: {  	s23 =	simm.s32 $0x1B8B  }
0xa2: {  	_ =	swait.ge [sflag:s23], $0x1  }
0xa3: {  	[sflag:s23] =	ssyncset.done $0x0  }
0xa4: {  	s25 =	simm.s32 $0x1B8E;
	s24 =	sld [smem:$0x3FFE];
	[sflag:s23] =	ssyncadd.s32 $0xFFFFFFFF  }
0xa5: {  	s26 =	simm.s32 $execute0_lowered;
	[smem:$0x3FD2] =	sst s25  }
0xa6: {  	s5 =	sshll.u32 s26, $0x1;
	_ =	strace $0x8000004C;
	[dreg:$0x1] =	wrdreg $0xFFFFFFFF  }
0xa7: {  	s28 =	simm.s32 $_size_execute0_lowered;
	s3 =	sadd.s32 s3, s5;
	[dreg:$0x0] =	wrdreg $0x0  }
0xa8: {  	s5 =	sshll.u32 s28, $0x1;
	[dreg:$0x2] =	wrdreg s3  }
0xa9: {  	[dreg:$0x3] =	wrdreg s5  }
0xaa: {  	[dreg:$0x4] =	wrdreg $0xC0  }
0xab: {  	_ =	task [dreg:s7], $0x5FFFF  }
0xac: {  	[dreg:$0x1] =	wrdreg $0xFFFFFFFF  }
0xad: {  	[dreg:$0x0] =	wrdreg $0x60  }
0xae: {  	[dreg:$0x2] =	wrdreg s24  }
0xaf: {  	[dreg:$0x3] =	wrdreg s2  }
0xb0: {  	[dreg:$0x4] =	wrdreg $0xB6000  }
0xb1: {  	[dreg:$0x5] =	wrdreg $0x9  }
0xb2: {  	_ =	task.clear_ibuf [dreg:s7], $0x6FFFF;
	_ =	strace $0x9000004C  }
0xb3: {  	s29 =	simm.s32 $0x9;
	_ =	strace $0x8000004E  }
0xb4: {  	_ =	swait.ge [sflag:s29], $0x1  }
0xb5: {  	[sflag:s29] =	ssyncadd.s32 $0xFFFFFFFF  }
0xb6: {  	_ =	strace $0x9000004E  }
0xb7: {  	_ =	sfence  }
0xb8: {  	s30 =	sld [smem:$0x0];
	_ =	sdelay $0x2  }
0xb9: {  	s31 =	sshll.u32 s1, $0xD;
	s1 =	sshrl.u32 s1, $0x2  }
0xba: {  	s3 =	sand.u32 $0x4000, s31;
	s1 =	sadd.s32 s1, s30  }
0xbb: {  	s0 =	sor.u32 s3, s0;
	s1 =	sshll.u32 s1, $0x11  }
0xbc: {  	s0 =	sor.u32 s1, s0  }
0xbd: {  	s0 =	sadd.s32 $0x8F2B, s0  }
0xbe: {  	[sflag:s0] =	ssyncadd.remote.s32 $0x1  }
0xbf: {  	_ =	sfence.sel $0xFFFF  }
0xc0: {  	[dreg:$0x0] =	wrdreg $0xFFFFFFFF;
	(pc) =	sbr.abs _section_cstart, $3  }
0xc1: {  	[dreg:$0x1] =	wrdreg $0xFFFFFFFF  }
0xc2: {  	_ =	task.clear_ibuf [dreg:s7], $0x2FFFF;
	_ =	strace $0x9FFFFFFF  }
0xc3: {  	(tm) =	ssettm $0x7FFFFFFF  }
tec
execute0_lowered:
.L_overlay_start_1:
0x0: {  	(tag) =	ssettag $0x1  }
0x1: {  	s0 =	rddreg [dreg:$0x0]  }
0x2: {  	s3 =	rddreg [dreg:$0x2];
	s4 =	simm.s32 $0x0  }
0x3: {  	s8 =	stileid.u32;
	s1 =	srdreg.scid;
	s29 =	simm.s32 $0x9E00  }
0x4: {  	s30 =	simm.s32 $0x80;
	s31 =	simm.s32 $0xAA00;
	s28 =	simm.s32 $0x9D80  }
0x5: {  	s20 =	simm.s32 $0x0;
	[smem:$0x7FF] =	sst s4;
	s2 =	smul.u32 $0x9E0, s8  }
0x6: {  	s1 =	sand.u32 $0x1, s1;
	s5 =	sadd.s32 $0x6A800, s0;
	s13 =	smul.u32 $0x3C00, s8  }
0x7: {  	s15 =	sadd.s32 $0x79400, s0;
	_ =	strace $0x8000004D;
	s6 =	ssub.s32 $0x2, s1  }
0x8: {  	p0 =	seq.s32 s1, $0x1;
	s1 =	simm.s32 $0x2;
	s2 =	sadd.s32 s2, s0  }
0x9: {  	s7 =	sshrl.u32 s6, $0x1;
	s8 =	sadd.s32 s13, s3;
	s21 =	sadd.s32 $0xC00, s13  }
0xa: {  	s17 =	sadd.s32 $0x1800, s13;
	s18 =	sadd.s32 $0x2400, s13;
	s19 =	sadd.s32 $0x3000, s13  }
0xb: {  	s13 =	sshrl.u32 s13, $0x3;
	s16 =	ssub.s32 s6, s7;
	s6 =	sadd.s32 $0x6C00, s2  }
0xc: {  	s7 =	sadd.s32 $0x10A00, s2;
	s9 =	sadd.s32 s21, s3;
	s10 =	sadd.s32 s17, s3  }
0xd: {  	s11 =	sadd.s32 s18, s3;
	s12 =	sadd.s32 s19, s3;
	s14 =	sshrl.u32 s21, $0x3  }
0xe: {  	s22 =	sadd.s32 s15, s13;
	s17 =	sshrl.u32 s17, $0x3;
	s18 =	sshrl.u32 s18, $0x3  }
0xf: {  	s19 =	sshrl.u32 s19, $0x3;
	[dreg:$0x4] =	wrdreg s22;
	s23 =	sadd.s32 s15, s14  }
.Ltmp0:
0x10: {  	s24 =	sadd.s32 s15, s17;
	[dreg:$0x5] =	wrdreg s23;
	(pc) =	sbr.rel .LBB2_1-.Ltmp0, $4  }
0x11: {  	s2 =	simm.s32 $0x3;
	s25 =	sadd.s32 s15, s18;
	[dreg:$0x6] =	wrdreg s24  }
0x12: {  	s26 =	sadd.s32 s15, s19;
	s15 =	simm.s32 $0x4;
	[dreg:$0x7] =	wrdreg s25  }
0x13: {  	[dreg:$0x8] =	wrdreg s26;
	s23 =	sadd.s32 $0x71D30, s0;
	s24 =	sadd.s32 $0x80C00, s0  }
0x14: {  	s25 =	smax.u32 s16, $0x1;
	s26 =	simm.s32 $0x5;
	s0 =	simm.s32 $0x1  }
.LBB2_7:
0x15: {  	[tilespmem:s31], [sflag:$0x2] =	stream.indirect.gather [hbm4b:s23+s30], $0x18, s22, s30, $0xb8;
	[tilespmem:$0xF200] =	vst v63  }
0x16: {  	_ =	swait.ge [sflag:s0], $0xC00  }
0x17: {  	[sflag:s0] =	ssyncset.done $0x0  }
0x18: {  	s16 =	simm.s32 $0x9D00;
	[sflag:s0] =	ssyncadd.s32 $0xFFFFF400  }
0x19: {  	[spmem:s3] =	stream.indirect.scatter.add.f32 [tilespmem:s29], [sflag:$0x3], $0x18, s16, s30, $0xb8;
	[tilespmem:$0xF200] =	vst v63  }
0x1a: {  	_ =	swait.ge [sflag:s1], $0xC00  }
0x1b: {  	[sflag:s1] =	ssyncset.done $0x0  }
0x1c: {  	[sflag:s1] =	ssyncadd.s32 $0xFFFFF400  }
0x1d: {  	[spmem:s3] =	stream.indirect.scatter.add.f32 [tilespmem:s31], [sflag:$0x4], $0x18, s28, s30, $0xb8;
	[tilespmem:$0xF200] =	vst v63  }
0x1e: {  	_ =	swait.ge [sflag:s2], $0xC00  }
0x1f: {  	[sflag:s2] =	ssyncset.done $0x0  }
0x20: {  	[sflag:s2] =	ssyncadd.s32 $0xFFFFF400  }
0x21: {  	_ =	swait.ge [sflag:s15], $0xC00  }
0x22: {  	s22 =	stileid.u32;
	[sflag:s15] =	ssyncset.done $0x0  }
0x23: {  	s16 =	sshll.u32 s22, $0x6;
	s22 =	sadd.s32 s13, s24;
	[sflag:s15] =	ssyncadd.s32 $0xFFFFF400  }
0x24: {  	s21 =	sor.u32 $0x1C05, s16;
	s16 =	sshrl.u32 s8, $0x3;
	[bflag:$0x0] =	sbarrier.arrive $0xFFFF  }
0x25: {  	[hbm:s22], [sflag:s21] =	dma.local [spmem:s16], $0x180  }
0x26: {  	_ =	swait.ge [sflag:s26], $0x180  }
0x27: {  	[sflag:s26] =	ssyncset.done $0x0  }
0x28: {  	s16 =	sadd.s32 s14, s24;
	s22 =	sshrl.u32 s9, $0x3;
	[sflag:s26] =	ssyncadd.s32 $0xFFFFFE80  }
0x29: {  	[hbm:s16], [sflag:s21] =	dma.local [spmem:s22], $0x180  }
0x2a: {  	_ =	swait.ge [sflag:s26], $0x180  }
0x2b: {  	[sflag:s26] =	ssyncset.done $0x0  }
0x2c: {  	s16 =	sadd.s32 s17, s24;
	s22 =	sshrl.u32 s10, $0x3;
	[sflag:s26] =	ssyncadd.s32 $0xFFFFFE80  }
0x2d: {  	[hbm:s16], [sflag:s21] =	dma.local [spmem:s22], $0x180  }
0x2e: {  	_ =	swait.ge [sflag:s26], $0x180  }
0x2f: {  	[sflag:s26] =	ssyncset.done $0x0  }
0x30: {  	s16 =	sadd.s32 s18, s24;
	s22 =	sshrl.u32 s11, $0x3;
	[sflag:s26] =	ssyncadd.s32 $0xFFFFFE80  }
0x31: {  	[hbm:s16], [sflag:s21] =	dma.local [spmem:s22], $0x180  }
0x32: {  	_ =	swait.ge [sflag:s26], $0x180  }
0x33: {  	[sflag:s26] =	ssyncset.done $0x0  }
0x34: {  	s22 =	sadd.s32 s19, s24;
	[sflag:s26] =	ssyncadd.s32 $0xFFFFFE80  }
.LBB2_8:
0x35: {  	s20 =	sadd.s32 $0x1, s20  }
0x36: {  	p1 =	sne.s32 s20, s25  }
.Ltmp1:
0x37: {  	s16 =	sshrl.u32 s12, $0x3;
	(pc) =	sbr.rel @!p1 .LBB2_9-.Ltmp1, $4  }
0x38: {  	[hbm:s22], [sflag:s21] =	dma.local [spmem:s16], $0x180  }
0x39: {  	_ =	swait.ge [sflag:s26], $0x180  }
0x3a: {  	[sflag:s26] =	ssyncset.done $0x0  }
0x3b: {  	[sflag:s26] =	ssyncadd.s32 $0xFFFFFE80  }
.LBB2_1:
0x3c: {  	[tilespmem:s4], [sflag:$0x5] =	stream.linear.gather [hbm4b:s6+s4], $0x4F00, $0x38;
	[tilespmem:$0xF200] =	vst v63  }
0x3d: {  	_ =	swait.ge [sflag:s26], $0x4F00  }
0x3e: {  	[sflag:s26] =	ssyncset.done $0x0  }
0x3f: {  	s16 =	simm.s32 $0x4F00;
	[sflag:s26] =	ssyncadd.s32 $0xFFFFB100  }
0x40: {  	[tilespmem:s16], [sflag:$0x5] =	stream.linear.gather [hbm4b:s7+s4], $0x4F00, $0x38;
	[tilespmem:$0xF200] =	vst v63  }
0x41: {  	_ =	swait.ge [sflag:s26], $0x4F00  }
0x42: {  	[sflag:s26] =	ssyncset.done $0x0  }
0x43: {  	[sflag:s26] =	ssyncadd.s32 $0xFFFFB100  }
0x44: {  	s22 =	rddreg [dreg:$0x1]  }
0x45: {  	[tilespmem:s29], [sflag:$0x5] =	stream.linear.gather [hbm4b:s22+s4], $0xC00, $0x38;
	[tilespmem:$0xF200] =	vst v63  }
0x46: {  	_ =	swait.ge [sflag:s26], $0xC00  }
0x47: {  	[sflag:s26] =	ssyncset.done $0x0  }
0x48: {  	[sflag:s26] =	ssyncadd.s32 $0xFFFFF400  }
0x49: {  	[spmem:s8] =	stream.linear.scatter [tilespmem:s29], [sflag:$0x5], $0xC00, $0x38;
	[tilespmem:$0xF200] =	vst v63  }
0x4a: {  	_ =	swait.ge [sflag:s26], $0xC00  }
0x4b: {  	[sflag:s26] =	ssyncset.done $0x0  }
0x4c: {  	[sflag:s26] =	ssyncadd.s32 $0xFFFFF400  }
0x4d: {  	[spmem:s9] =	stream.linear.scatter [tilespmem:s29], [sflag:$0x5], $0xC00, $0x38;
	[tilespmem:$0xF200] =	vst v63  }
0x4e: {  	_ =	swait.ge [sflag:s26], $0xC00  }
0x4f: {  	[sflag:s26] =	ssyncset.done $0x0  }
0x50: {  	[sflag:s26] =	ssyncadd.s32 $0xFFFFF400  }
0x51: {  	[spmem:s10] =	stream.linear.scatter [tilespmem:s29], [sflag:$0x5], $0xC00, $0x38;
	[tilespmem:$0xF200] =	vst v63  }
0x52: {  	_ =	swait.ge [sflag:s26], $0xC00  }
0x53: {  	[sflag:s26] =	ssyncset.done $0x0  }
0x54: {  	[sflag:s26] =	ssyncadd.s32 $0xFFFFF400  }
0x55: {  	[spmem:s11] =	stream.linear.scatter [tilespmem:s29], [sflag:$0x5], $0xC00, $0x38;
	[tilespmem:$0xF200] =	vst v63  }
0x56: {  	_ =	swait.ge [sflag:s26], $0xC00  }
0x57: {  	[sflag:s26] =	ssyncset.done $0x0  }
0x58: {  	[sflag:s26] =	ssyncadd.s32 $0xFFFFF400  }
0x59: {  	[spmem:s12] =	stream.linear.scatter [tilespmem:s29], [sflag:$0x5], $0xC00, $0x38;
	[tilespmem:$0xF200] =	vst v63  }
.Ltmp2:
0x5a: {  	_ =	swait.ge [sflag:s26], $0xC00;
	(pc) =	sbr.rel @!p0 .LBB2_2-.Ltmp2, $3  }
0x5b: {  	[sflag:s26] =	ssyncset.done $0x0  }
0x5c: {  	[sflag:s26] =	ssyncadd.s32 $0xFFFFF400  }
0x5d: {  	[bflag:$0x0] =	sbarrier.arrive $0xFFFF;
	_ =	sdelay $0x1  }
0x5e: {  	s16 =	simm.s32 $0x0  }
0x5f: {  	[tilespmem:s29], [sflag:$0x1] =	stream.indirect.gather [hbm4b:s23+s30], $0x18, s16, s30, $0xb8;
	[tilespmem:$0xF200] =	vst v63  }
0x60: {  	_ = 	snop  }
0x61: {  	[tilespmem:s31], [sflag:$0x2] =	stream.indirect.gather [hbm4b:s23+s30], $0x18, s30, s30, $0xb8;
	[tilespmem:$0xF200] =	vst v63  }
0x62: {  	_ =	swait.ge [sflag:s0], $0xC00  }
0x63: {  	[sflag:s0] =	ssyncset.done $0x0  }
0x64: {  	s22 =	simm.s32 $0x4F00;
	[sflag:s0] =	ssyncadd.s32 $0xFFFFF400  }
0x65: {  	[spmem:s3] =	stream.indirect.scatter.add.f32 [tilespmem:s29], [sflag:$0x3], $0x18, s22, s30, $0xb8;
	[tilespmem:$0xF200] =	vst v63  }
0x66: {  	_ =	swait.ge [sflag:s2], $0xC00  }
0x67: {  	[sflag:s2] =	ssyncset.done $0x0  }
0x68: {  	s21 =	simm.s32 $0x100;
	[sflag:s2] =	ssyncadd.s32 $0xFFFFF400  }
0x69: {  	[tilespmem:s29], [sflag:$0x1] =	stream.indirect.gather [hbm4b:s23+s30], $0x18, s21, s30, $0xb8;
	[tilespmem:$0xF200] =	vst v63  }
0x6a: {  	_ =	swait.ge [sflag:s1], $0xC00  }
0x6b: {  	[sflag:s1] =	ssyncset.done $0x0  }
0x6c: {  	s22 =	simm.s32 $0x4F80;
	[sflag:s1] =	ssyncadd.s32 $0xFFFFF400  }
0x6d: {  	[spmem:s3] =	stream.indirect.scatter.add.f32 [tilespmem:s31], [sflag:$0x4], $0x18, s22, s30, $0xb8;
	[tilespmem:$0xF200] =	vst v63  }
0x6e: {  	_ =	swait.ge [sflag:s15], $0xC00  }
0x6f: {  	[sflag:s15] =	ssyncset.done $0x0  }
0x70: {  	s21 =	simm.s32 $0x400;
	s22 =	simm.s32 $0x180;
	[sflag:s15] =	ssyncadd.s32 $0xFFFFF400  }
.LBB2_6:
0x71: {  	[tilespmem:s31], [sflag:$0x2] =	stream.indirect.gather [hbm4b:s23+s30], $0x18, s22, s30, $0xb8;
	[tilespmem:$0xF200] =	vst v63  }
0x72: {  	s16 =	smov.u32 s21  }
0x73: {  	p1 =	sne.s32 s21, $0x13400;
	s21 =	sadd.s32 $0x400, s21;
	_ =	swait.ge [sflag:s0], $0xC00  }
0x74: {  	s16 =	sshra.s32 s16, $0x2;
	[sflag:s0] =	ssyncset.done $0x0  }
0x75: {  	s22 =	sadd.s32 $0x4F00, s16;
	[sflag:s0] =	ssyncadd.s32 $0xFFFFF400  }
0x76: {  	[spmem:s3] =	stream.indirect.scatter.add.f32 [tilespmem:s29], [sflag:$0x3], $0x18, s22, s30, $0xb8;
	[tilespmem:$0xF200] =	vst v63  }
0x77: {  	_ =	swait.ge [sflag:s2], $0xC00  }
0x78: {  	[sflag:s2] =	ssyncset.done $0x0  }
0x79: {  	s22 =	sadd.s32 $0x100, s16;
	[sflag:s2] =	ssyncadd.s32 $0xFFFFF400  }
0x7a: {  	[tilespmem:s29], [sflag:$0x1] =	stream.indirect.gather [hbm4b:s23+s30], $0x18, s22, s30, $0xb8;
	[tilespmem:$0xF200] =	vst v63  }
0x7b: {  	_ =	swait.ge [sflag:s1], $0xC00  }
0x7c: {  	[sflag:s1] =	ssyncset.done $0x0  }
.Ltmp3:
0x7d: {  	s22 =	sadd.s32 $0x4F80, s16;
	[sflag:s1] =	ssyncadd.s32 $0xFFFFF400;
	(pc) =	sbr.rel @p1 .LBB2_6-.Ltmp3, $4  }
0x7e: {  	[spmem:s3] =	stream.indirect.scatter.add.f32 [tilespmem:s31], [sflag:$0x4], $0x18, s22, s30, $0xb8;
	[tilespmem:$0xF200] =	vst v63  }
0x7f: {  	_ =	swait.ge [sflag:s15], $0xC00  }
0x80: {  	[sflag:s15] =	ssyncset.done $0x0  }
0x81: {  	s22 =	sadd.s32 $0x180, s16;
	[sflag:s15] =	ssyncadd.s32 $0xFFFFF400  }
.Ltmp4:
0x82: {  	_ = 	snop;
	(pc) =	sbr.rel .LBB2_7-.Ltmp4, $1  }
0x83: {  	_ =	sdelay $0x3  }
.LBB2_2:
0x84: {  	s21 =	simm.s32 $0x0  }
0x85: {  	[tilespmem:s29], [sflag:$0x1] =	stream.indirect.gather [hbm4b:s5+s30], $0x18, s21, s30, $0xb8;
	[tilespmem:$0xF200] =	vst v63  }
0x86: {  	_ = 	snop  }
0x87: {  	[tilespmem:s31], [sflag:$0x2] =	stream.indirect.gather [hbm4b:s5+s30], $0x18, s30, s30, $0xb8;
	[tilespmem:$0xF200] =	vst v63  }
0x88: {  	_ =	swait.ge [sflag:s0], $0xC00  }
0x89: {  	[sflag:s0] =	ssyncset.done $0x0  }
0x8a: {  	s22 =	simm.s32 $0x4F00;
	[sflag:s0] =	ssyncadd.s32 $0xFFFFF400  }
0x8b: {  	[spmem:s3] =	stream.indirect.scatter.add.f32 [tilespmem:s29], [sflag:$0x3], $0x18, s22, s30, $0xb8;
	[tilespmem:$0xF200] =	vst v63  }
0x8c: {  	_ =	swait.ge [sflag:s2], $0xC00  }
0x8d: {  	[sflag:s2] =	ssyncset.done $0x0  }
0x8e: {  	s16 =	simm.s32 $0x100;
	[sflag:s2] =	ssyncadd.s32 $0xFFFFF400  }
0x8f: {  	[tilespmem:s29], [sflag:$0x1] =	stream.indirect.gather [hbm4b:s5+s30], $0x18, s16, s30, $0xb8;
	[tilespmem:$0xF200] =	vst v63  }
0x90: {  	_ =	swait.ge [sflag:s1], $0xC00  }
0x91: {  	[sflag:s1] =	ssyncset.done $0x0  }
0x92: {  	s22 =	simm.s32 $0x4F80;
	[sflag:s1] =	ssyncadd.s32 $0xFFFFF400  }
0x93: {  	[spmem:s3] =	stream.indirect.scatter.add.f32 [tilespmem:s31], [sflag:$0x4], $0x18, s22, s30, $0xb8;
	[tilespmem:$0xF200] =	vst v63  }
0x94: {  	_ =	swait.ge [sflag:s15], $0xC00  }
0x95: {  	[sflag:s15] =	ssyncset.done $0x0  }
0x96: {  	s21 =	simm.s32 $0x400;
	s22 =	simm.s32 $0x180;
	[sflag:s15] =	ssyncadd.s32 $0xFFFFF400  }
.LBB2_3:
0x97: {  	[tilespmem:s31], [sflag:$0x2] =	stream.indirect.gather [hbm4b:s5+s30], $0x18, s22, s30, $0xb8;
	[tilespmem:$0xF200] =	vst v63  }
0x98: {  	s22 =	smov.u32 s21  }
0x99: {  	p1 =	sne.s32 s21, $0x13400;
	s21 =	sadd.s32 $0x400, s21;
	_ =	swait.ge [sflag:s0], $0xC00  }
0x9a: {  	s22 =	sshra.s32 s22, $0x2;
	[sflag:s0] =	ssyncset.done $0x0  }
0x9b: {  	s16 =	sadd.s32 $0x4F00, s22;
	[sflag:s0] =	ssyncadd.s32 $0xFFFFF400  }
0x9c: {  	[spmem:s3] =	stream.indirect.scatter.add.f32 [tilespmem:s29], [sflag:$0x3], $0x18, s16, s30, $0xb8;
	[tilespmem:$0xF200] =	vst v63  }
0x9d: {  	_ =	swait.ge [sflag:s2], $0xC00  }
0x9e: {  	[sflag:s2] =	ssyncset.done $0x0  }
0x9f: {  	s16 =	sadd.s32 $0x100, s22;
	[sflag:s2] =	ssyncadd.s32 $0xFFFFF400  }
0xa0: {  	[tilespmem:s29], [sflag:$0x1] =	stream.indirect.gather [hbm4b:s5+s30], $0x18, s16, s30, $0xb8;
	[tilespmem:$0xF200] =	vst v63  }
0xa1: {  	_ =	swait.ge [sflag:s1], $0xC00  }
0xa2: {  	[sflag:s1] =	ssyncset.done $0x0  }
.Ltmp5:
0xa3: {  	s16 =	sadd.s32 $0x4F80, s22;
	[sflag:s1] =	ssyncadd.s32 $0xFFFFF400;
	(pc) =	sbr.rel @p1 .LBB2_3-.Ltmp5, $4  }
0xa4: {  	[spmem:s3] =	stream.indirect.scatter.add.f32 [tilespmem:s31], [sflag:$0x4], $0x18, s16, s30, $0xb8;
	[tilespmem:$0xF200] =	vst v63  }
0xa5: {  	_ =	swait.ge [sflag:s15], $0xC00  }
0xa6: {  	[sflag:s15] =	ssyncset.done $0x0  }
0xa7: {  	s22 =	sadd.s32 $0x180, s22;
	[sflag:s15] =	ssyncadd.s32 $0xFFFFF400  }
0xa8: {  	[tilespmem:s31], [sflag:$0x2] =	stream.indirect.gather [hbm4b:s5+s30], $0x18, s22, s30, $0xb8;
	[tilespmem:$0xF200] =	vst v63  }
0xa9: {  	_ =	swait.ge [sflag:s0], $0xC00  }
0xaa: {  	[sflag:s0] =	ssyncset.done $0x0  }
0xab: {  	s16 =	simm.s32 $0x9D00;
	[sflag:s0] =	ssyncadd.s32 $0xFFFFF400  }
0xac: {  	[spmem:s3] =	stream.indirect.scatter.add.f32 [tilespmem:s29], [sflag:$0x3], $0x18, s16, s30, $0xb8;
	[tilespmem:$0xF200] =	vst v63  }
0xad: {  	_ =	swait.ge [sflag:s1], $0xC00  }
0xae: {  	[sflag:s1] =	ssyncset.done $0x0  }
0xaf: {  	[sflag:s1] =	ssyncadd.s32 $0xFFFFF400  }
0xb0: {  	[spmem:s3] =	stream.indirect.scatter.add.f32 [tilespmem:s31], [sflag:$0x4], $0x18, s28, s30, $0xb8;
	[tilespmem:$0xF200] =	vst v63  }
0xb1: {  	_ =	swait.ge [sflag:s2], $0xC00  }
0xb2: {  	[sflag:s2] =	ssyncset.done $0x0  }
0xb3: {  	[sflag:s2] =	ssyncadd.s32 $0xFFFFF400  }
0xb4: {  	_ =	swait.ge [sflag:s15], $0xC00  }
0xb5: {  	[sflag:s15] =	ssyncset.done $0x0  }
0xb6: {  	s22 =	stileid.u32;
	[sflag:s15] =	ssyncadd.s32 $0xFFFFF400  }
0xb7: {  	s16 =	sshll.u32 s22, $0x6;
	[bflag:$0x0] =	sbarrier.arrive $0xFFFF  }
0xb8: {  	s21 =	sor.u32 $0x1C05, s16;
	s16 =	sshrl.u32 s8, $0x3;
	s22 =	rddreg [dreg:$0x4]  }
0xb9: {  	[hbm:s22], [sflag:s21] =	dma.local [spmem:s16], $0x180  }
0xba: {  	_ =	swait.ge [sflag:s26], $0x180  }
0xbb: {  	[sflag:s26] =	ssyncset.done $0x0  }
0xbc: {  	s16 =	sshrl.u32 s9, $0x3;
	s22 =	rddreg [dreg:$0x5];
	[sflag:s26] =	ssyncadd.s32 $0xFFFFFE80  }
0xbd: {  	[hbm:s22], [sflag:s21] =	dma.local [spmem:s16], $0x180  }
0xbe: {  	_ =	swait.ge [sflag:s26], $0x180  }
0xbf: {  	[sflag:s26] =	ssyncset.done $0x0  }
0xc0: {  	s16 =	sshrl.u32 s10, $0x3;
	s22 =	rddreg [dreg:$0x6];
	[sflag:s26] =	ssyncadd.s32 $0xFFFFFE80  }
0xc1: {  	[hbm:s22], [sflag:s21] =	dma.local [spmem:s16], $0x180  }
0xc2: {  	_ =	swait.ge [sflag:s26], $0x180  }
0xc3: {  	s16 =	sshrl.u32 s11, $0x3;
	[sflag:s26] =	ssyncset.done $0x0  }
.Ltmp6:
0xc4: {  	s22 =	rddreg [dreg:$0x7];
	[sflag:s26] =	ssyncadd.s32 $0xFFFFFE80;
	(pc) =	sbr.rel .LBB2_8-.Ltmp6, $4  }
0xc5: {  	[hbm:s22], [sflag:s21] =	dma.local [spmem:s16], $0x180  }
0xc6: {  	_ =	swait.ge [sflag:s26], $0x180  }
0xc7: {  	[sflag:s26] =	ssyncset.done $0x0  }
0xc8: {  	s22 =	rddreg [dreg:$0x8];
	[sflag:s26] =	ssyncadd.s32 $0xFFFFFE80  }
.LBB2_9:
0xc9: {  	_ =	sfence.sel $0x180000  }
0xca: {  	[bflag:$0x0] =	sbarrier.arrive $0xFFFF  }
0xcb: {  	_ =	strace $0x9000004D  }
0xcc: {  	s0 =	stileid.u32;
	[bflag:$0x2] =	sbarrier.arrive $0xFFFF  }
0xcd: {  	p0 =	sne.s32 s0, $0x0;
	s0 =	rddreg [dreg:$0x3]  }
0xce: {  	s0 =	sadd.s32 @!p0 $0x100000, s0  }
0xcf: {  	[sflag:s0] =	ssyncadd.tile.s32 @!p0 $0x1;
	_ =	shalt  }
.Lfunc_end2:
_tile_overlayer_lowered:
.L_overlay_start_2:
0xd0: {  	(tag) =	ssettag $0x2  }
0xd1: {  	s0 =	rddreg [dreg:$0x0];
	s2 =	stileid.u32  }
0xd2: {  	s1 =	rddreg [dreg:$0x1];
	p0 =	sne.s32 s2, $0x0  }
0xd3: {  	s3 =	rddreg [dreg:$0x2];
	[bflag:$0x3] =	sbarrier.arrive $0xFFFF;
	s2 =	simm.s32 @!p0 $0x1C05  }
0xd4: {  	[timem:s3], [sflag:s2] =	dma.local @!p0 [hbm:s0], s1  }
0xd5: {  	s0 =	simm.s32 @!p0 $0x5  }
0xd6: {  	_ =	swait.ge @!p0 [sflag:s0], s1  }
0xd7: {  	s1 =	ssub.s32 @!p0 $0x0, s1;
	[sflag:s0] =	ssyncset.done @!p0 $0x0  }
0xd8: {  	[sflag:s0] =	ssyncadd.s32 @!p0 s1  }
0xd9: {  	[bflag:$0x3] =	sbarrier.arrive $0xFFFF  }
0xda: {  	_ =	shalt  }

// kernel: kernel.8.cloned.1.call-start
scs
__scs_entry_jumppad:
0x0: {  	(pc) =	sbr.rel $0x88, $3  }
0x1: {  	(tag) =	ssettag $0x0;
	lr =	simm.s32 $0x1  }
0x2: {  	[smem:$0x3F9B] =	sst lr;
	_ =	strace $0xD0000000  }
0x3: {  	_ = 	snop  }
0x4: {  	_ = 	snop  }
0x5: {  	_ = 	snop  }
0x6: {  	_ = 	snop  }
0x7: {  	_ = 	snop  }
__scs_overlays_trampoline_lowered:
0x8: {  	[smem:$0x3FAA] =	sst s0  }
0x9: {  	[smem:$0x3FAB] =	sst s1  }
0xa: {  	[smem:$0x3FAC] =	sst s2  }
0xb: {  	[smem:$0x3FAD] =	sst s3  }
0xc: {  	[smem:$0x3FAE] =	sst s4  }
0xd: {  	[smem:$0x3FAF] =	sst s5  }
0xe: {  	[smem:$0x3FB0] =	sst s6  }
0xf: {  	[smem:$0x3FB1] =	sst s7  }
0x10: {  	[smem:$0x3FB2] =	sst s8  }
0x11: {  	[smem:$0x3FB3] =	sst s9;
	s0 =	simm.s32 @!p0 $0x0  }
0x12: {  	s1 =	sld [smem:$0x3F99];
	s0 =	simm.s32 @p0 $0x1  }
0x13: {  	[smem:$0x3FB4] =	sst s0;
	s0 =	simm.s32 @!p1 $0x0  }
0x14: {  	s2 =	sld [smem:$0x3F98];
	s0 =	simm.s32 @p1 $0x1  }
0x15: {  	[smem:$0x3FB5] =	sst s0;
	s0 =	simm.s32 @!p2 $0x0  }
0x16: {  	s3 =	sld [smem:$0x3FDB];
	s0 =	simm.s32 @p2 $0x1  }
0x17: {  	s4 =	simm.s32 $0x1BF5;
	[smem:$0x3FB7] =	sst s0  }
0x18: {  	s0 =	sld [smem:$0x3F9A];
	_ =	swait.ge [sflag:s4], $0x0  }
0x19: {  	s7 =	sld [smem:$0x3F9B]  }
0x1a: {  	s8 =	sadd.s32 $0xFFFFE003, lr  }
0x1b: {  	s9 =	sadd.s32 $0xFFFFFEF7, lr;
	s5 =	simm.s32 $0xFFFFFFFF;
	p2 =	slt.u32 s8, $0xFFFFF086  }
0x1c: {  	p1 =	slt.u32 s9, $0xF7A;
	s5 =	simm.s32 @!p2 $0x0  }
0x1d: {  	s5 =	simm.s32 @p1 $0x1;
	p0 =	seq.s32 s7, s2  }
0x1e: {  	s7 =	smul.u32 @!p0 $0xF7A, s2;
	p2 =	seq.s32 @!p0 s5, $0x0  }
0x1f: {  	s9 =	smul.u32 $0xF7A, s1;
	s8 =	simm.s32 @!p0 $0x1BF5;
	p2 =	por !p2, p0  }
0x20: {  	[sflag:s8] =	ssyncset.s32 @!p0 $0xFFFFF086;
	s6 =	sadd.s32 @!p0 s3, s7;
	s7 =	simm.s32 @!p0 $0x108  }
0x21: {  	s3 =	sadd.s32 s3, s9;
	s6 =	sadd.s32 @!p0 $0x88, s6;
	s7 =	simm.s32 @p2 $0x1082  }
0x22: {  	[simem:s7], [sflag:s8] =	dma.local @!p0 [hbm:s6], $0xF7A  }
0x23: {  	s9 =	sor.u32 $0xD0000000, s2;
	s6 =	simm.s32 $0x108;
	_ =	swait.ge @!p0 [sflag:s8], $0x0  }
0x24: {  	s3 =	sadd.s32 $0x88, s3;
	s6 =	simm.s32 @!p1 $0x1082;
	[sflag:s4] =	ssyncset.s32 $0xFFFFF086  }
0x25: {  	[simem:s6], [sflag:s4] =	dma.local [hbm:s3], $0xF7A  }
0x26: {  	[smem:$0x3F9B] =	sst s1;
	(tag) =	ssettag s2;
	_ =	strace s9  }
0x27: {  	s1 =	sld [smem:$0x3FAB]  }
0x28: {  	s2 =	sld [smem:$0x3FAC]  }
0x29: {  	s4 =	sld [smem:$0x3FAE]  }
0x2a: {  	p0 =	seq.s32 s5, $0x0;
	s5 =	sld [smem:$0x3FAF]  }
0x2b: {  	s6 =	sld [smem:$0x3FB0]  }
0x2c: {  	s7 =	sld [smem:$0x3FB1]  }
0x2d: {  	s3 =	simm.s32 $0x108;
	s8 =	sld [smem:$0x3FB2]  }
0x2e: {  	s3 =	simm.s32 @!p0 $0x1082;
	s9 =	sld [smem:$0x3FB3]  }
0x2f: {  	lr =	sadd.s32 s0, s3;
	s0 =	sld [smem:$0x3FAA]  }
0x30: {  	s3 =	sld [smem:$0x3FAD]  }
0x31: {  	[smem:$0x3FB6] =	sst s10  }
0x32: {  	s10 =	sld [smem:$0x3FB4];
	_ =	sdelay $0x3  }
0x33: {  	p0 =	seq.s32 s10, $0x1;
	s10 =	sld [smem:$0x3FB6];
	_ =	sdelay $0x3  }
0x34: {  	[smem:$0x3FB6] =	sst s10  }
0x35: {  	s10 =	sld [smem:$0x3FB5];
	_ =	sdelay $0x3  }
0x36: {  	p1 =	seq.s32 s10, $0x1;
	s10 =	sld [smem:$0x3FB6];
	_ =	sdelay $0x3  }
0x37: {  	[smem:$0x3FB6] =	sst s10  }
0x38: {  	s10 =	sld [smem:$0x3FB7]  }
0x39: {  	_ = 	snop;
	(pc) =	sbr.ind lr, $3  }
0x3a: {  	_ = 	snop  }
0x3b: {  	_ = 	snop  }
0x3c: {  	p2 =	seq.s32 s10, $0x1;
	s10 =	sld [smem:$0x3FB6]  }
0x3d: {  	_ =	shalt  }
0x3e: {  	_ =	shalt  }
0x3f: {  	_ =	shalt  }
0x40: {  	_ =	shalt  }
0x41: {  	_ =	shalt  }
0x42: {  	_ =	shalt  }
0x43: {  	_ =	shalt  }
0x44: {  	_ =	shalt  }
0x45: {  	_ =	shalt  }
0x46: {  	_ =	shalt  }
0x47: {  	_ =	shalt  }
0x48: {  	_ =	shalt  }
0x49: {  	_ =	shalt  }
0x4a: {  	_ =	shalt  }
0x4b: {  	_ =	shalt  }
0x4c: {  	_ =	shalt  }
0x4d: {  	_ =	shalt  }
0x4e: {  	_ =	shalt  }
0x4f: {  	_ =	shalt  }
0x50: {  	_ =	shalt  }
0x51: {  	_ =	shalt  }
0x52: {  	_ =	shalt  }
0x53: {  	_ =	shalt  }
0x54: {  	_ =	shalt  }
0x55: {  	_ =	shalt  }
0x56: {  	_ =	shalt  }
0x57: {  	_ =	shalt  }
0x58: {  	_ =	shalt  }
0x59: {  	_ =	shalt  }
0x5a: {  	_ =	shalt  }
0x5b: {  	_ =	shalt  }
0x5c: {  	_ =	shalt  }
0x5d: {  	_ =	shalt  }
0x5e: {  	_ =	shalt  }
0x5f: {  	_ =	shalt  }
0x60: {  	_ =	shalt  }
0x61: {  	_ =	shalt  }
0x62: {  	_ =	shalt  }
0x63: {  	_ =	shalt  }
0x64: {  	_ =	shalt  }
0x65: {  	_ =	shalt  }
0x66: {  	_ =	shalt  }
0x67: {  	_ =	shalt  }
0x68: {  	_ =	shalt  }
0x69: {  	_ =	shalt  }
0x6a: {  	_ =	shalt  }
0x6b: {  	_ =	shalt  }
0x6c: {  	_ =	shalt  }
0x6d: {  	_ =	shalt  }
0x6e: {  	_ =	shalt  }
0x6f: {  	_ =	shalt  }
0x70: {  	_ =	shalt  }
0x71: {  	_ =	shalt  }
0x72: {  	_ =	shalt  }
0x73: {  	_ =	shalt  }
0x74: {  	_ =	shalt  }
0x75: {  	_ =	shalt  }
0x76: {  	_ =	shalt  }
0x77: {  	_ =	shalt  }
0x78: {  	_ =	shalt  }
0x79: {  	_ =	shalt  }
0x7a: {  	_ =	shalt  }
0x7b: {  	_ =	shalt  }
0x7c: {  	_ =	shalt  }
0x7d: {  	_ =	shalt  }
0x7e: {  	_ =	shalt  }
0x7f: {  	_ =	shalt  }
0x80: {  	_ =	shalt  }
0x81: {  	_ =	shalt  }
0x82: {  	_ =	shalt  }
0x83: {  	_ =	shalt  }
0x84: {  	_ =	shalt  }
0x85: {  	_ =	shalt  }
0x86: {  	_ =	shalt  }
0x87: {  	_ =	shalt  }
.Lfunc_end0:
.L_simem_size_0:
called_computation_lowered:
.L_overlay_start_0:
0x88: {  	s2 =	sld [smem:$0x3FD9]  }
0x89: {  	s3 =	sld [smem:$0x3FFE];
	_ =	sdelay $0x1  }
0x8a: {  	s1 =	srdreg.scid  }
0x8b: {  	s0 =	sand.u32 $0x1, s1  }
0x8c: {  	s17 =	sshll.u32 s0, $0xA;
	s2 =	sadd.s32 s3, s2  }
0x8d: {  	s2 =	sadd.s32 s2, s17  }
0x8e: {  	[smem:$0x3FC2] =	sst s2  }
0x8f: {  	_ = 	snop  }
0x90: {  	s2 =	sld [smem:$0x3FD0];
	(tm) =	ssettm $0x1  }
0x91: {  	s18 =	sld [smem:$0x3FFB];
	_ =	sdelay $0x3  }
0x92: {  	_ =	strace s18  }
0x93: {  	s3 =	sld [smem:$0x3FFC];
	_ =	sdelay $0x3  }
0x94: {  	_ =	strace s3  }
0x95: {  	s3 =	sld [smem:$0x3FFD];
	_ =	sdelay $0x3  }
0x96: {  	_ =	strace s3  }
0x97: {  	_ =	strace $0x8FFFFFFF  }
0x98: {  	s19 =	sld [smem:$0x3FDB];
	_ =	sdelay $0x1  }
0x99: {  	s4 =	simm.s32 $_scs_section_size  }
0x9a: {  	s5 =	simm.s32 $_size__tile_overlayer_lowered;
	s6 =	simm.s32 $_tile_overlayer_lowered  }
0x9b: {  	s22 =	simm.s32 $0x1BFF;
	s21 =	sshll.u32 s6, $0x1;
	s3 =	sadd.s32 s4, s19  }
0x9c: {  	s7 =	simm.s32 $0x0;
	s20 =	sshll.u32 s5, $0x1;
	s5 =	sadd.s32 s21, s3  }
0x9d: {  	[timem:s7], [sflag:s22] =	dma.local [hbm:s5], s20  }
0x9e: {  	_ =	swait.ge [sflag:s22], s20  }
0x9f: {  	s4 =	ssub.s32 $0x0, s20;
	[sflag:s22] =	ssyncset.done $0x0  }
0xa0: {  	[sflag:s22] =	ssyncadd.s32 s4;
	_ =	sdelay $0x1  }
0xa1: {  	s23 =	simm.s32 $0x1B8B  }
0xa2: {  	_ =	swait.ge [sflag:s23], $0x1  }
0xa3: {  	[sflag:s23] =	ssyncset.done $0x0  }
0xa4: {  	s25 =	simm.s32 $0x1B8E;
	s24 =	sld [smem:$0x3FFE];
	[sflag:s23] =	ssyncadd.s32 $0xFFFFFFFF  }
0xa5: {  	s26 =	simm.s32 $execute0_lowered;
	[smem:$0x3FD2] =	sst s25  }
0xa6: {  	s5 =	sshll.u32 s26, $0x1;
	_ =	strace $0x80000046;
	[dreg:$0x1] =	wrdreg $0xFFFFFFFF  }
0xa7: {  	s28 =	simm.s32 $_size_execute0_lowered;
	s3 =	sadd.s32 s3, s5;
	[dreg:$0x0] =	wrdreg $0x0  }
0xa8: {  	s5 =	sshll.u32 s28, $0x1;
	[dreg:$0x2] =	wrdreg s3  }
0xa9: {  	[dreg:$0x3] =	wrdreg s5  }
0xaa: {  	[dreg:$0x4] =	wrdreg $0xC0  }
0xab: {  	_ =	task [dreg:s7], $0x5FFFF  }
0xac: {  	[dreg:$0x1] =	wrdreg $0xFFFFFFFF  }
0xad: {  	[dreg:$0x0] =	wrdreg $0x60  }
0xae: {  	[dreg:$0x2] =	wrdreg s2  }
0xaf: {  	[dreg:$0x3] =	wrdreg s24  }
0xb0: {  	[dreg:$0x4] =	wrdreg $0x2C000  }
0xb1: {  	[dreg:$0x5] =	wrdreg $0x9  }
0xb2: {  	_ =	task.clear_ibuf [dreg:s7], $0x6FFFF;
	_ =	strace $0x90000046  }
0xb3: {  	s29 =	simm.s32 $0x9;
	_ =	strace $0x80000048  }
0xb4: {  	_ =	swait.ge [sflag:s29], $0x1  }
0xb5: {  	[sflag:s29] =	ssyncadd.s32 $0xFFFFFFFF  }
0xb6: {  	_ =	strace $0x90000048  }
0xb7: {  	_ =	sfence  }
0xb8: {  	s30 =	sld [smem:$0x0];
	_ =	sdelay $0x2  }
0xb9: {  	s31 =	sshll.u32 s1, $0xD;
	s1 =	sshrl.u32 s1, $0x2  }
0xba: {  	s3 =	sand.u32 $0x4000, s31;
	s1 =	sadd.s32 s1, s30  }
0xbb: {  	s0 =	sor.u32 s3, s0;
	s1 =	sshll.u32 s1, $0x11  }
0xbc: {  	s0 =	sor.u32 s1, s0  }
0xbd: {  	s0 =	sadd.s32 $0x8F2B, s0  }
0xbe: {  	[sflag:s0] =	ssyncadd.remote.s32 $0x1  }
0xbf: {  	_ =	sfence.sel $0xFFFF  }
0xc0: {  	[dreg:$0x0] =	wrdreg $0xFFFFFFFF;
	(pc) =	sbr.abs _section_cstart, $3  }
0xc1: {  	[dreg:$0x1] =	wrdreg $0xFFFFFFFF  }
0xc2: {  	_ =	task.clear_ibuf [dreg:s7], $0x2FFFF;
	_ =	strace $0x9FFFFFFF  }
0xc3: {  	(tm) =	ssettm $0x7FFFFFFF  }
tec
execute0_lowered:
.L_overlay_start_1:
0x0: {  	(tag) =	ssettag $0x1  }
0x1: {  	s6 =	rddreg [dreg:$0x0]  }
0x2: {  	s7 =	rddreg [dreg:$0x1]  }
0x3: {  	s2 =	rddreg [dreg:$0x2]  }
0x4: {  	s0 =	rddreg [dreg:$0x3];
	s4 =	srdreg.scid  }
0x5: {  	s1 =	stileid.u32;
	s3 =	simm.s32 $0x0;
	s11 =	sand.u32 $0x1, s4  }
0x6: {  	s31 =	sshll.u32 s1, $0x1;
	[smem:$0x7FF] =	sst s3;
	s13 =	smul.u32 $0x1400, s1  }
0x7: {  	s5 =	sadd.s32 $0x1800, s7;
	s17 =	sadd.s32 $0x1C00, s7;
	s4 =	sor.u32 s11, s31  }
0x8: {  	_ =	strace $0x80000047;
	s8 =	ssub.s32 $0x2, s11;
	p0 =	seq.s32 s11, $0x1  }
0x9: {  	s9 =	smul.u32 $0x500, s4;
	s4 =	sadd.s32 $0x1A00, s7;
	s10 =	sshrl.u32 s8, $0x1  }
0xa: {  	s7 =	sadd.s32 s13, s2;
	s14 =	sadd.s32 $0x400, s13;
	s15 =	sadd.s32 $0x800, s13  }
0xb: {  	s16 =	sadd.s32 $0xC00, s13;
	s18 =	sadd.s32 $0x1000, s13;
	s19 =	sadd.s32 $0x14000, s13  }
0xc: {  	s20 =	sadd.s32 $0x14400, s13;
	s21 =	sadd.s32 $0x14800, s13;
	s22 =	sadd.s32 $0x14C00, s13  }
0xd: {  	s23 =	sadd.s32 $0x15000, s13;
	s12 =	ssub.s32 s8, s10;
	s8 =	sadd.s32 s14, s2  }
0xe: {  	s10 =	sadd.s32 s16, s2;
	s11 =	sadd.s32 s18, s2;
	s13 =	smov.u32 @p0 s19  }
0xf: {  	s14 =	smov.u32 @p0 s20;
	s16 =	smov.u32 @p0 s22;
	s18 =	smov.u32 @p0 s23  }
0x10: {  	s19 =	simm.s32 $0x2800;
	s20 =	simm.s32 $0x80;
	s6 =	sadd.s32 s6, s9  }
0x11: {  	s9 =	sadd.s32 s15, s2;
	s12 =	smax.u32 s12, $0x1;
	s13 =	sshrl.u32 s13, $0x3  }
0x12: {  	s14 =	sshrl.u32 s14, $0x3;
	s15 =	smov.u32 @p0 s21;
	s16 =	sshrl.u32 s16, $0x3  }
0x13: {  	s18 =	sshrl.u32 s18, $0x3;
	s21 =	simm.s32 $0x0;
	s13 =	sadd.s32 s17, s13  }
0x14: {  	s14 =	sadd.s32 s17, s14;
	s15 =	sshrl.u32 s15, $0x3;
	s16 =	sadd.s32 s17, s16  }
0x15: {  	s15 =	sadd.s32 s17, s15;
	s17 =	sadd.s32 s17, s18;
	s18 =	simm.s32 $0x1  }
.LBB2_1:
0x16: {  	[tilespmem:s3], [sflag:$0x1] =	stream.linear.gather [hbm4b:s6+s3], $0x2800, $0x38;
	[tilespmem:$0x4000] =	vst v63  }
0x17: {  	_ =	swait.ge [sflag:s18], $0x2800  }
0x18: {  	[sflag:s18] =	ssyncset.done $0x0  }
0x19: {  	[sflag:s18] =	ssyncadd.s32 $0xFFFFD800  }
0x1a: {  	[tilespmem:s19], [sflag:$0x1] =	stream.linear.gather [hbm4b:s4+s3], $0x400, $0x38;
	[tilespmem:$0x4000] =	vst v63  }
0x1b: {  	_ =	swait.ge [sflag:s18], $0x400  }
0x1c: {  	[sflag:s18] =	ssyncset.done $0x0  }
0x1d: {  	[sflag:s18] =	ssyncadd.s32 $0xFFFFFC00  }
0x1e: {  	[spmem:s7] =	stream.linear.scatter [tilespmem:s19], [sflag:$0x1], $0x400, $0x38;
	[tilespmem:$0x4000] =	vst v63  }
0x1f: {  	_ =	swait.ge [sflag:s18], $0x400  }
0x20: {  	[sflag:s18] =	ssyncset.done $0x0  }
0x21: {  	[sflag:s18] =	ssyncadd.s32 $0xFFFFFC00  }
0x22: {  	[spmem:s8] =	stream.linear.scatter [tilespmem:s19], [sflag:$0x1], $0x400, $0x38;
	[tilespmem:$0x4000] =	vst v63  }
0x23: {  	_ =	swait.ge [sflag:s18], $0x400  }
0x24: {  	[sflag:s18] =	ssyncset.done $0x0  }
0x25: {  	[sflag:s18] =	ssyncadd.s32 $0xFFFFFC00  }
0x26: {  	[spmem:s9] =	stream.linear.scatter [tilespmem:s19], [sflag:$0x1], $0x400, $0x38;
	[tilespmem:$0x4000] =	vst v63  }
0x27: {  	_ =	swait.ge [sflag:s18], $0x400  }
0x28: {  	[sflag:s18] =	ssyncset.done $0x0  }
0x29: {  	[sflag:s18] =	ssyncadd.s32 $0xFFFFFC00  }
0x2a: {  	[spmem:s10] =	stream.linear.scatter [tilespmem:s19], [sflag:$0x1], $0x400, $0x38;
	[tilespmem:$0x4000] =	vst v63  }
0x2b: {  	_ =	swait.ge [sflag:s18], $0x400  }
0x2c: {  	[sflag:s18] =	ssyncset.done $0x0  }
0x2d: {  	[sflag:s18] =	ssyncadd.s32 $0xFFFFFC00  }
0x2e: {  	[spmem:s11] =	stream.linear.scatter [tilespmem:s19], [sflag:$0x1], $0x400, $0x38;
	[tilespmem:$0x4000] =	vst v63  }
0x2f: {  	_ =	swait.ge [sflag:s18], $0x400  }
0x30: {  	[sflag:s18] =	ssyncset.done $0x0  }
0x31: {  	[sflag:s18] =	ssyncadd.s32 $0xFFFFFC00  }
0x32: {  	[bflag:$0x0] =	sbarrier.arrive $0xFFFF  }
0x33: {  	[tilespmem:s19], [sflag:$0x1] =	stream.linear.gather [hbm4b:s5+s3], $0x400, $0x38;
	[tilespmem:$0x4000] =	vst v63  }
0x34: {  	_ =	swait.ge [sflag:s18], $0x400  }
0x35: {  	[sflag:s18] =	ssyncset.done $0x0  }
0x36: {  	s22 =	simm.s32 $0x0;
	[sflag:s18] =	ssyncadd.s32 $0xFFFFFC00  }
0x37: {  	[spmem:s2] =	stream.indirect.scatter.add.f32 [tilespmem:s19], [sflag:$0x1], $0x8, s22, s20, $0xb8;
	[tilespmem:$0x4000] =	vst v63  }
0x38: {  	_ =	swait.ge [sflag:s18], $0x400  }
0x39: {  	s22 =	simm.s32 $0x200;
	[sflag:s18] =	ssyncset.done $0x0  }
.LBB2_2:
0x3a: {  	s23 =	sshra.s32 s22, $0x2;
	[sflag:s18] =	ssyncadd.s32 $0xFFFFFC00;
	p0 =	sne.s32 s22, $0x9E00  }
0x3b: {  	[spmem:s2] =	stream.indirect.scatter.add.f32 [tilespmem:s19], [sflag:$0x1], $0x8, s23, s20, $0xb8;
	[tilespmem:$0x4000] =	vst v63  }
.Ltmp0:
0x3c: {  	_ = 	snop;
	(pc) =	sbr.rel @p0 .LBB2_2-.Ltmp0, $4  }
0x3d: {  	_ = 	snop  }
0x3e: {  	s22 =	sadd.s32 $0x200, s22  }
0x3f: {  	_ =	swait.ge [sflag:s18], $0x400  }
0x40: {  	[sflag:s18] =	ssyncset.done $0x0  }
0x41: {  	[sflag:s18] =	ssyncadd.s32 $0xFFFFFC00;
	s22 =	sshll.u32 s1, $0x6  }
0x42: {  	s23 =	sshrl.u32 s7, $0x3;
	[bflag:$0x0] =	sbarrier.arrive $0xFFFF;
	s22 =	sor.u32 $0x1C01, s22  }
0x43: {  	[hbm:s13], [sflag:s22] =	dma.local [spmem:s23], $0x80  }
0x44: {  	_ =	swait.ge [sflag:s18], $0x80  }
0x45: {  	[sflag:s18] =	ssyncset.done $0x0  }
0x46: {  	s28 =	sshrl.u32 s8, $0x3;
	[sflag:s18] =	ssyncadd.s32 $0xFFFFFF80  }
0x47: {  	[hbm:s14], [sflag:s22] =	dma.local [spmem:s28], $0x80  }
0x48: {  	_ =	swait.ge [sflag:s18], $0x80  }
0x49: {  	[sflag:s18] =	ssyncset.done $0x0  }
0x4a: {  	s29 =	sshrl.u32 s9, $0x3;
	[sflag:s18] =	ssyncadd.s32 $0xFFFFFF80  }
0x4b: {  	[hbm:s15], [sflag:s22] =	dma.local [spmem:s29], $0x80  }
0x4c: {  	_ =	swait.ge [sflag:s18], $0x80  }
0x4d: {  	[sflag:s18] =	ssyncset.done $0x0  }
0x4e: {  	s30 =	sshrl.u32 s10, $0x3;
	[sflag:s18] =	ssyncadd.s32 $0xFFFFFF80  }
0x4f: {  	[hbm:s16], [sflag:s22] =	dma.local [spmem:s30], $0x80  }
0x50: {  	s21 =	sadd.s32 $0x1, s21;
	_ =	swait.ge [sflag:s18], $0x80  }
0x51: {  	p0 =	sne.s32 s21, s12;
	[sflag:s18] =	ssyncset.done $0x0  }
.Ltmp1:
0x52: {  	s31 =	sshrl.u32 s11, $0x3;
	[sflag:s18] =	ssyncadd.s32 $0xFFFFFF80;
	(pc) =	sbr.rel @p0 .LBB2_1-.Ltmp1, $4  }
0x53: {  	[hbm:s17], [sflag:s22] =	dma.local [spmem:s31], $0x80  }
0x54: {  	_ =	swait.ge [sflag:s18], $0x80  }
0x55: {  	[sflag:s18] =	ssyncset.done $0x0  }
0x56: {  	[sflag:s18] =	ssyncadd.s32 $0xFFFFFF80  }
0x57: {  	_ =	sfence.sel $0x180000  }
0x58: {  	[bflag:$0x0] =	sbarrier.arrive $0xFFFF  }
0x59: {  	p0 =	sne.s32 s1, $0x0;
	_ =	strace $0x90000047  }
0x5a: {  	s0 =	sadd.s32 @!p0 $0x100000, s0;
	[bflag:$0x2] =	sbarrier.arrive $0xFFFF  }
0x5b: {  	[sflag:s0] =	ssyncadd.tile.s32 @!p0 $0x1;
	_ =	shalt  }
.Lfunc_end2:
_tile_overlayer_lowered:
.L_overlay_start_2:
0x5c: {  	(tag) =	ssettag $0x2  }
0x5d: {  	s0 =	rddreg [dreg:$0x0];
	s2 =	stileid.u32  }
0x5e: {  	s1 =	rddreg [dreg:$0x1];
	p0 =	sne.s32 s2, $0x0  }
0x5f: {  	s3 =	rddreg [dreg:$0x2];
	[bflag:$0x3] =	sbarrier.arrive $0xFFFF;
	s2 =	simm.s32 @!p0 $0x1C01  }
0x60: {  	[timem:s3], [sflag:s2] =	dma.local @!p0 [hbm:s0], s1  }
0x61: {  	s0 =	simm.s32 @!p0 $0x1  }
0x62: {  	_ =	swait.ge @!p0 [sflag:s0], s1  }
0x63: {  	s1 =	ssub.s32 @!p0 $0x0, s1;
	[sflag:s0] =	ssyncset.done @!p0 $0x0  }
0x64: {  	[sflag:s0] =	ssyncadd.s32 @!p0 s1  }
0x65: {  	[bflag:$0x3] =	sbarrier.arrive $0xFFFF  }
0x66: {  	_ =	shalt  }

</sc_bundles>
